<compile_context>
chip_gen: v7x
topology: tpu7x:2x2x1
jax: 0.10.2.dev20260603
libtpu: 0.0.44.dev20260713+nightly
codegen_flags: <defaults>
</compile_context>

<pallas_src>
import functools

import jax
import jax.numpy as jnp
from jax import lax
from jax.experimental import pallas as pl
from jax.experimental.pallas import tpu as pltpu
from jax.experimental.pallas import tpu_sc as plsc

N_NODES = 10000
D_FEAT = 128
N_EDGES = 320000

NC = 2
NS = 16
NW = NC * NS
CHUNK = 128
NCHUNKS = N_EDGES // CHUNK
CPW = 79
NBUF = 3
NIDX = 4
NPAD = 10104
RPW = 632


def _sc_spmm(x, ei, zeros_blk):
    mesh = plsc.VectorSubcoreMesh(core_axis_name="c", subcore_axis_name="s")

    @functools.partial(
        pl.kernel,
        out_type=jax.ShapeDtypeStruct((NC, NPAD, D_FEAT), jnp.float32),
        mesh=mesh,
        scratch_types=(
            [pltpu.VMEM((NIDX, 2, CHUNK), jnp.int32)]
            + [pltpu.VMEM((CHUNK, D_FEAT), jnp.float32)] * NBUF
            + [pltpu.VMEM_SHARED((NPAD, D_FEAT), jnp.float32)]
            + [pltpu.SemaphoreType.DMA] * (NIDX + NBUF + NBUF)
        ),
    )
    def spmm_kernel(x_hbm, ei_hbm, z_hbm, part_hbm, ibuf, *rest):
        rows = rest[:NBUF]
        acc = rest[NBUF]
        semi = rest[NBUF + 1:NBUF + 1 + NIDX]
        semg = rest[NBUF + 1 + NIDX:NBUF + 1 + NIDX + NBUF]
        sems = rest[NBUF + 1 + NIDX + NBUF:]

        c = lax.axis_index("c")
        s = lax.axis_index("s")
        wid = c * NS + s
        chunk0 = (625 * wid) // 8
        chunk1 = (625 * (wid + 1)) // 8
        short = (chunk1 - chunk0) == (CPW - 1)

        def idx_start(j, b):
            k = chunk0 + j
            if not isinstance(j, int):
                k = jnp.where(short & (j == CPW - 1), chunk0, k)
            pltpu.async_copy(ei_hbm.at[:, pl.ds(k * CHUNK, CHUNK)],
                             ibuf.at[b], semi[b])

        def idx_wait(j, b):
            pltpu.make_async_copy(ei_hbm.at[:, pl.ds(0, CHUNK)], ibuf.at[b],
                                  semi[b]).wait()

        def gather_start(j, b, q):
            if isinstance(j, int):
                pltpu.async_copy(x_hbm.at[ibuf.at[b, 0]], rows[q], semg[q])
            else:
                ghost = short & (j == CPW - 1)

                @pl.when(jnp.logical_not(ghost))
                def _():
                    pltpu.async_copy(x_hbm.at[ibuf.at[b, 0]], rows[q],
                                     semg[q])

                @pl.when(ghost)
                def _():
                    pltpu.async_copy(z_hbm, rows[q], semg[q])

        def gather_wait(b, q):
            pltpu.make_async_copy(z_hbm, rows[q], semg[q]).wait()

        def scat_start(b, q):
            pltpu.async_copy(rows[q], acc.at[ibuf.at[b, 1]], sems[q],
                             add=True)

        def scat_wait(b, q):
            pltpu.make_async_copy(rows[q], acc.at[ibuf.at[b, 1]],
                                  sems[q]).wait()

        pltpu.sync_copy(z_hbm, rows[0])
        base0 = s * RPW
        for k in range(4):
            pltpu.sync_copy(rows[0], acc.at[pl.ds(base0 + k * CHUNK, CHUNK)])

        @pl.when(s < NS - 1)
        def _():
            pltpu.sync_copy(rows[0].at[pl.ds(0, RPW - 4 * CHUNK)],
                            acc.at[pl.ds(base0 + 4 * CHUNK,
                                         RPW - 4 * CHUNK)])

        @pl.when(s == NS - 1)
        def _():
            pltpu.sync_copy(rows[0].at[pl.ds(0, RPW - 8 - 4 * CHUNK)],
                            acc.at[pl.ds(base0 + 4 * CHUNK,
                                         RPW - 8 - 4 * CHUNK)])
        plsc.subcore_barrier()

        idx_start(0, 0)
        idx_start(1, 1)
        idx_wait(0, 0)
        gather_start(0, 0, 0)

        def stage(j, u):
            q = u % NBUF
            q1 = (u + 1) % NBUF
            b = u % NIDX
            b1 = (u + 1) % NIDX
            b2 = (u + 2) % NIDX

            @pl.when(j >= 2)
            def _():
                scat_wait(b2, q1)

            @pl.when(j + 2 < CPW)
            def _():
                idx_start(j + 2, b2)

            @pl.when(j + 1 < CPW)
            def _():
                idx_wait(j + 1, b1)
                gather_start(j + 1, b1, q1)

            gather_wait(b, q)
            scat_start(b, q)

        def body(i, carry):
            base = 12 * i
            for u in range(12):
                stage(base + u, u)
            return carry
        lax.fori_loop(0, 6, body, 0)
        for t in range(72, CPW):
            stage(jnp.int32(t), t % 12)

        for t in (CPW - 2, CPW - 1):
            scat_wait(t % NIDX, t % NBUF)
        plsc.subcore_barrier()

        @pl.when(s < NS - 1)
        def _():
            pltpu.sync_copy(acc.at[pl.ds(s * RPW, RPW)],
                            part_hbm.at[c, pl.ds(s * RPW, RPW)])

        @pl.when(s == NS - 1)
        def _():
            pltpu.sync_copy(acc.at[pl.ds((NS - 1) * RPW, RPW - 8)],
                            part_hbm.at[c, pl.ds((NS - 1) * RPW, RPW - 8)])

    return spmm_kernel(x, ei, zeros_blk)


def _tc_add(part):
    def add_kernel(a_ref, b_ref, o_ref):
        o_ref[...] = a_ref[...] + b_ref[...]

    return pl.pallas_call(
        add_kernel,
        grid=(5,),
        in_specs=[
            pl.BlockSpec((None, 2000, D_FEAT), lambda i: (0, i, 0)),
            pl.BlockSpec((None, 2000, D_FEAT), lambda i: (1, i, 0)),
        ],
        out_specs=pl.BlockSpec((2000, D_FEAT), lambda i: (i, 0)),
        out_shape=jax.ShapeDtypeStruct((N_NODES, D_FEAT), jnp.float32),
    )(part, part)


def kernel(x, edge_index):
    ei = edge_index.astype(jnp.int32)
    zeros_blk = jnp.zeros((CHUNK, D_FEAT), jnp.float32)
    part = _sc_spmm(x, ei, zeros_blk)
    return _tc_add(part)

# --- scband reference (transcript-rebuilt; emitter-appended) ---
"""Pipeline reference for scband-graph-13778255085920 (READ-ONLY COPY).

The authoritative reference and input builder live on the scoring server;
editing this copy changes nothing except your own understanding.
"""

import jax, jax.numpy as jnp
import numpy as np

N_NODES = 10000
N_EDGES = 320000
D_FEAT = 128


def setup_inputs(seed: int = 0) -> dict:
    key = jax.random.key(seed)
    kx, ke = jax.random.split(key)
    x = jax.random.normal(kx, (N_NODES, D_FEAT), dtype=jnp.float32)
    edge_index = jax.random.randint(ke, (2, N_EDGES), 0, N_NODES, dtype=jnp.int64)
    return {"x": x, "edge_index": edge_index}


def reference(x, edge_index):
    # adj.matmul(x) where adj is an unweighted sparse adjacency in COO form:
    # adj[dst, src] = 1 for each edge (src, dst). SpMM == gather + scatter-add.
    src = edge_index[0]
    dst = edge_index[1]
    msgs = jnp.take(x, src, axis=0)                         # gather [E, d]
    out = jax.ops.segment_sum(msgs, dst, num_segments=x.shape[0])  # scatter-add [N, d]
    return out

if __name__ == "__main__":
    import jax
    _d = setup_inputs()
    print(jax.jit(kernel)(*tuple(_d.values())))

</pallas_src>

<mosaic_0001>
#map = affine_map<(d0, d1) -> (0, 0)>
#map1 = affine_map<(d0, d1) -> (0, 0, 0)>
module attributes {stable_mosaic.version = 14 : i64} {
  func.func @spmm_kernel(%arg0: i32, %arg1: i32, %arg2: memref<10000x128xf32, #tpu.memory_space<hbm>>, %arg3: memref<2x320000xi32, #tpu.memory_space<hbm>>, %arg4: memref<128x128xf32, #tpu.memory_space<hbm>>, %arg5: memref<2x10104x128xf32, #tpu.memory_space<hbm>>, %arg6: memref<4x2x128xi32, #tpu.memory_space<vmem>>, %arg7: memref<128x128xf32, #tpu.memory_space<vmem>>, %arg8: memref<128x128xf32, #tpu.memory_space<vmem>>, %arg9: memref<128x128xf32, #tpu.memory_space<vmem>>, %arg10: memref<10104x128xf32, #tpu.memory_space<vmem_shared>>, %arg11: memref<!tpu.dma_semaphore, #tpu.memory_space<semaphore_mem>>, %arg12: memref<!tpu.dma_semaphore, #tpu.memory_space<semaphore_mem>>, %arg13: memref<!tpu.dma_semaphore, #tpu.memory_space<semaphore_mem>>, %arg14: memref<!tpu.dma_semaphore, #tpu.memory_space<semaphore_mem>>, %arg15: memref<!tpu.dma_semaphore, #tpu.memory_space<semaphore_mem>>, %arg16: memref<!tpu.dma_semaphore, #tpu.memory_space<semaphore_mem>>, %arg17: memref<!tpu.dma_semaphore, #tpu.memory_space<semaphore_mem>>, %arg18: memref<!tpu.dma_semaphore, #tpu.memory_space<semaphore_mem>>, %arg19: memref<!tpu.dma_semaphore, #tpu.memory_space<semaphore_mem>>, %arg20: memref<!tpu.dma_semaphore, #tpu.memory_space<semaphore_mem>>) attributes {dimension_semantics = [#tpu.dimension_semantics<core_parallel>, #tpu.dimension_semantics<subcore_parallel>], iteration_bounds = array<i64: 2, 16>, scalar_prefetch = 0 : i64, scratch_operands = 15 : i64, tpu.core_type = #tpu.core_type<sc_vector_subcore>, window_params = [{transform_indices = #map}, {transform_indices = #map}, {transform_indices = #map}, {transform_indices = #map1}]} {
    %mul3A = arith.constant 16 : i32
    %mul3A_0 = arith.muli %arg0, %mul3A : i32
    %add3A = arith.addi %mul3A_0, %arg1 : i32
    %mul3A_1 = arith.constant 625 : i32
    %mul3A_2 = arith.muli %mul3A_1, %add3A : i32
    %jit3A = arith.constant 8 : i32
    %div3A = arith.divsi %mul3A_2, %jit3A : i32
    %sign3A = arith.constant 0 : i32
    %sign3A_3 = arith.cmpi sgt, %mul3A_2, %sign3A : i32
    %sign3A_4 = arith.extui %sign3A_3 : i1 to i32
    %sign3A_5 = arith.constant 0 : i32
    %sign3A_6 = arith.cmpi slt, %mul3A_2, %sign3A_5 : i32
    %sign3A_7 = arith.extui %sign3A_6 : i1 to i32
    %sign3A_8 = arith.subi %sign3A_4, %sign3A_7 : i32
    %sign3A_9 = arith.constant 0 : i32
    %sign3A_10 = arith.cmpi sgt, %jit3A, %sign3A_9 : i32
    %sign3A_11 = arith.extui %sign3A_10 : i1 to i32
    %sign3A_12 = arith.constant 0 : i32
    %sign3A_13 = arith.cmpi slt, %jit3A, %sign3A_12 : i32
    %sign3A_14 = arith.extui %sign3A_13 : i1 to i32
    %sign3A_15 = arith.subi %sign3A_11, %sign3A_14 : i32
    %ne3A = arith.cmpi ne, %sign3A_8, %sign3A_15 : i32
    %rem3A = arith.remsi %mul3A_2, %jit3A : i32
    %ne3A_16 = arith.constant 0 : i32
    %ne3A_17 = arith.cmpi ne, %rem3A, %ne3A_16 : i32
    %and3A = arith.andi %ne3A, %ne3A_17 : i1
    %sub3A = arith.constant 1 : i32
    %sub3A_18 = arith.subi %div3A, %sub3A : i32
    %select_n3A = arith.select %and3A, %sub3A_18, %div3A : i32
    %add3A_19 = arith.constant 1 : i32
    %add3A_20 = arith.addi %add3A, %add3A_19 : i32
    %mul3A_21 = arith.constant 625 : i32
    %mul3A_22 = arith.muli %mul3A_21, %add3A_20 : i32
    %jit3A_23 = arith.constant 8 : i32
    %div3A_24 = arith.divsi %mul3A_22, %jit3A_23 : i32
    %sign3A_25 = arith.constant 0 : i32
    %sign3A_26 = arith.cmpi sgt, %mul3A_22, %sign3A_25 : i32
    %sign3A_27 = arith.extui %sign3A_26 : i1 to i32
    %sign3A_28 = arith.constant 0 : i32
    %sign3A_29 = arith.cmpi slt, %mul3A_22, %sign3A_28 : i32
    %sign3A_30 = arith.extui %sign3A_29 : i1 to i32
    %sign3A_31 = arith.subi %sign3A_27, %sign3A_30 : i32
    %sign3A_32 = arith.constant 0 : i32
    %sign3A_33 = arith.cmpi sgt, %jit3A_23, %sign3A_32 : i32
    %sign3A_34 = arith.extui %sign3A_33 : i1 to i32
    %sign3A_35 = arith.constant 0 : i32
    %sign3A_36 = arith.cmpi slt, %jit3A_23, %sign3A_35 : i32
    %sign3A_37 = arith.extui %sign3A_36 : i1 to i32
    %sign3A_38 = arith.subi %sign3A_34, %sign3A_37 : i32
    %ne3A_39 = arith.cmpi ne, %sign3A_31, %sign3A_38 : i32
    %rem3A_40 = arith.remsi %mul3A_22, %jit3A_23 : i32
    %ne3A_41 = arith.constant 0 : i32
    %ne3A_42 = arith.cmpi ne, %rem3A_40, %ne3A_41 : i32
    %and3A_43 = arith.andi %ne3A_39, %ne3A_42 : i1
    %sub3A_44 = arith.constant 1 : i32
    %sub3A_45 = arith.subi %div3A_24, %sub3A_44 : i32
    %select_n3A_46 = arith.select %and3A_43, %sub3A_45, %div3A_24 : i32
    %sub3A_47 = arith.subi %select_n3A_46, %select_n3A : i32
    %eq3A = arith.constant 78 : i32
    %eq3A_48 = arith.cmpi eq, %sub3A_47, %eq3A : i32
    "tpu.region"() ({
      %run_scoped3A = tpu.sem_alloc : memref<!tpu.dma_semaphore, #tpu.memory_space<semaphore_mem>>
      tpu.enqueue_dma source(%arg4 : memref<128x128xf32, #tpu.memory_space<hbm>>) target(%arg7 : memref<128x128xf32, #tpu.memory_space<vmem>>) target_semaphore(%run_scoped3A : memref<!tpu.dma_semaphore, #tpu.memory_space<semaphore_mem>>)
      tpu.wait_dma2 semaphore(%run_scoped3A : memref<!tpu.dma_semaphore, #tpu.memory_space<semaphore_mem>>) src(%arg4 : memref<128x128xf32, #tpu.memory_space<hbm>>) dst(%arg7 : memref<128x128xf32, #tpu.memory_space<vmem>>)
      tpu.yield
    }) : () -> ()
    %mul3A_49 = arith.constant 632 : i32
    %mul3A_50 = arith.muli %arg1, %mul3A_49 : i32
    %add3A_51 = arith.constant 0 : i32
    %add3A_52 = arith.addi %mul3A_50, %add3A_51 : i32
    "tpu.region"() ({
      %run_scoped3A = tpu.sem_alloc : memref<!tpu.dma_semaphore, #tpu.memory_space<semaphore_mem>>
      %dma_start3A_376 = arith.constant 0 : i32
      %dma_start3A_377 = tpu.memref_slice %arg10[%add3A_52, %dma_start3A_376] : memref<10104x128xf32, #tpu.memory_space<vmem_shared>> -> memref<128x128xf32, #tpu.memory_space<vmem_shared>>
      %dma_start3A_378 = arith.constant 0 : i32
      %dma_start3A_379 = tpu.memref_slice %arg10[%add3A_52, %dma_start3A_378] : memref<10104x128xf32, #tpu.memory_space<vmem_shared>> -> memref<128x128xf32, #tpu.memory_space<vmem_shared>>
      tpu.enqueue_dma source(%arg7 : memref<128x128xf32, #tpu.memory_space<vmem>>) target(%dma_start3A_379 : memref<128x128xf32, #tpu.memory_space<vmem_shared>>) target_semaphore(%run_scoped3A : memref<!tpu.dma_semaphore, #tpu.memory_space<semaphore_mem>>)
      %dma_wait3A_380 = arith.constant 0 : i32
      %dma_wait3A_381 = tpu.memref_slice %arg10[%add3A_52, %dma_wait3A_380] : memref<10104x128xf32, #tpu.memory_space<vmem_shared>> -> memref<128x128xf32, #tpu.memory_space<vmem_shared>>
      %dma_wait3A_382 = arith.constant 0 : i32
      %dma_wait3A_383 = tpu.memref_slice %arg10[%add3A_52, %dma_wait3A_382] : memref<10104x128xf32, #tpu.memory_space<vmem_shared>> -> memref<128x128xf32, #tpu.memory_space<vmem_shared>>
      tpu.wait_dma2 semaphore(%run_scoped3A : memref<!tpu.dma_semaphore, #tpu.memory_space<semaphore_mem>>) src(%arg7 : memref<128x128xf32, #tpu.memory_space<vmem>>) dst(%dma_wait3A_383 : memref<128x128xf32, #tpu.memory_space<vmem_shared>>)
      tpu.yield
    }) : () -> ()
    %add3A_53 = arith.constant 128 : i32
    %add3A_54 = arith.addi %mul3A_50, %add3A_53 : i32
    "tpu.region"() ({
      %run_scoped3A = tpu.sem_alloc : memref<!tpu.dma_semaphore, #tpu.memory_space<semaphore_mem>>
      %dma_start3A_376 = arith.constant 0 : i32
      %dma_start3A_377 = tpu.memref_slice %arg10[%add3A_54, %dma_start3A_376] : memref<10104x128xf32, #tpu.memory_space<vmem_shared>> -> memref<128x128xf32, #tpu.memory_space<vmem_shared>>
      %dma_start3A_378 = arith.constant 0 : i32
      %dma_start3A_379 = tpu.memref_slice %arg10[%add3A_54, %dma_start3A_378] : memref<10104x128xf32, #tpu.memory_space<vmem_shared>> -> memref<128x128xf32, #tpu.memory_space<vmem_shared>>
      tpu.enqueue_dma source(%arg7 : memref<128x128xf32, #tpu.memory_space<vmem>>) target(%dma_start3A_379 : memref<128x128xf32, #tpu.memory_space<vmem_shared>>) target_semaphore(%run_scoped3A : memref<!tpu.dma_semaphore, #tpu.memory_space<semaphore_mem>>)
      %dma_wait3A_380 = arith.constant 0 : i32
      %dma_wait3A_381 = tpu.memref_slice %arg10[%add3A_54, %dma_wait3A_380] : memref<10104x128xf32, #tpu.memory_space<vmem_shared>> -> memref<128x128xf32, #tpu.memory_space<vmem_shared>>
      %dma_wait3A_382 = arith.constant 0 : i32
      %dma_wait3A_383 = tpu.memref_slice %arg10[%add3A_54, %dma_wait3A_382] : memref<10104x128xf32, #tpu.memory_space<vmem_shared>> -> memref<128x128xf32, #tpu.memory_space<vmem_shared>>
      tpu.wait_dma2 semaphore(%run_scoped3A : memref<!tpu.dma_semaphore, #tpu.memory_space<semaphore_mem>>) src(%arg7 : memref<128x128xf32, #tpu.memory_space<vmem>>) dst(%dma_wait3A_383 : memref<128x128xf32, #tpu.memory_space<vmem_shared>>)
      tpu.yield
    }) : () -> ()
    %add3A_55 = arith.constant 256 : i32
    %add3A_56 = arith.addi %mul3A_50, %add3A_55 : i32
    "tpu.region"() ({
      %run_scoped3A = tpu.sem_alloc : memref<!tpu.dma_semaphore, #tpu.memory_space<semaphore_mem>>
      %dma_start3A_376 = arith.constant 0 : i32
      %dma_start3A_377 = tpu.memref_slice %arg10[%add3A_56, %dma_start3A_376] : memref<10104x128xf32, #tpu.memory_space<vmem_shared>> -> memref<128x128xf32, #tpu.memory_space<vmem_shared>>
      %dma_start3A_378 = arith.constant 0 : i32
      %dma_start3A_379 = tpu.memref_slice %arg10[%add3A_56, %dma_start3A_378] : memref<10104x128xf32, #tpu.memory_space<vmem_shared>> -> memref<128x128xf32, #tpu.memory_space<vmem_shared>>
      tpu.enqueue_dma source(%arg7 : memref<128x128xf32, #tpu.memory_space<vmem>>) target(%dma_start3A_379 : memref<128x128xf32, #tpu.memory_space<vmem_shared>>) target_semaphore(%run_scoped3A : memref<!tpu.dma_semaphore, #tpu.memory_space<semaphore_mem>>)
      %dma_wait3A_380 = arith.constant 0 : i32
      %dma_wait3A_381 = tpu.memref_slice %arg10[%add3A_56, %dma_wait3A_380] : memref<10104x128xf32, #tpu.memory_space<vmem_shared>> -> memref<128x128xf32, #tpu.memory_space<vmem_shared>>
      %dma_wait3A_382 = arith.constant 0 : i32
      %dma_wait3A_383 = tpu.memref_slice %arg10[%add3A_56, %dma_wait3A_382] : memref<10104x128xf32, #tpu.memory_space<vmem_shared>> -> memref<128x128xf32, #tpu.memory_space<vmem_shared>>
      tpu.wait_dma2 semaphore(%run_scoped3A : memref<!tpu.dma_semaphore, #tpu.memory_space<semaphore_mem>>) src(%arg7 : memref<128x128xf32, #tpu.memory_space<vmem>>) dst(%dma_wait3A_383 : memref<128x128xf32, #tpu.memory_space<vmem_shared>>)
      tpu.yield
    }) : () -> ()
    %add3A_57 = arith.constant 384 : i32
    %add3A_58 = arith.addi %mul3A_50, %add3A_57 : i32
    "tpu.region"() ({
      %run_scoped3A = tpu.sem_alloc : memref<!tpu.dma_semaphore, #tpu.memory_space<semaphore_mem>>
      %dma_start3A_376 = arith.constant 0 : i32
      %dma_start3A_377 = tpu.memref_slice %arg10[%add3A_58, %dma_start3A_376] : memref<10104x128xf32, #tpu.memory_space<vmem_shared>> -> memref<128x128xf32, #tpu.memory_space<vmem_shared>>
      %dma_start3A_378 = arith.constant 0 : i32
      %dma_start3A_379 = tpu.memref_slice %arg10[%add3A_58, %dma_start3A_378] : memref<10104x128xf32, #tpu.memory_space<vmem_shared>> -> memref<128x128xf32, #tpu.memory_space<vmem_shared>>
      tpu.enqueue_dma source(%arg7 : memref<128x128xf32, #tpu.memory_space<vmem>>) target(%dma_start3A_379 : memref<128x128xf32, #tpu.memory_space<vmem_shared>>) target_semaphore(%run_scoped3A : memref<!tpu.dma_semaphore, #tpu.memory_space<semaphore_mem>>)
      %dma_wait3A_380 = arith.constant 0 : i32
      %dma_wait3A_381 = tpu.memref_slice %arg10[%add3A_58, %dma_wait3A_380] : memref<10104x128xf32, #tpu.memory_space<vmem_shared>> -> memref<128x128xf32, #tpu.memory_space<vmem_shared>>
      %dma_wait3A_382 = arith.constant 0 : i32
      %dma_wait3A_383 = tpu.memref_slice %arg10[%add3A_58, %dma_wait3A_382] : memref<10104x128xf32, #tpu.memory_space<vmem_shared>> -> memref<128x128xf32, #tpu.memory_space<vmem_shared>>
      tpu.wait_dma2 semaphore(%run_scoped3A : memref<!tpu.dma_semaphore, #tpu.memory_space<semaphore_mem>>) src(%arg7 : memref<128x128xf32, #tpu.memory_space<vmem>>) dst(%dma_wait3A_383 : memref<128x128xf32, #tpu.memory_space<vmem_shared>>)
      tpu.yield
    }) : () -> ()
    %lt3A = arith.constant 15 : i32
    %lt3A_59 = arith.cmpi slt, %arg1, %lt3A : i32
    %convert_element_type3A = arith.extui %lt3A_59 : i1 to i32
    %cond3A = arith.constant 0 : i32
    %cond3A_60 = arith.cmpi ne, %convert_element_type3A, %cond3A : i32
    scf.if %cond3A_60 {
      %add3A_376 = arith.constant 512 : i32
      %add3A_377 = arith.addi %mul3A_50, %add3A_376 : i32
      "tpu.region"() ({
        %run_scoped3A = tpu.sem_alloc : memref<!tpu.dma_semaphore, #tpu.memory_space<semaphore_mem>>
        %dma_start3A_378 = arith.constant 0 : i32
        %dma_start3A_379 = arith.constant 0 : i32
        %dma_start3A_380 = tpu.memref_slice %arg7[%dma_start3A_378, %dma_start3A_379] : memref<128x128xf32, #tpu.memory_space<vmem>> -> memref<120x128xf32, #tpu.memory_space<vmem>>
        %dma_start3A_381 = arith.constant 0 : i32
        %dma_start3A_382 = tpu.memref_slice %arg10[%add3A_377, %dma_start3A_381] : memref<10104x128xf32, #tpu.memory_space<vmem_shared>> -> memref<120x128xf32, #tpu.memory_space<vmem_shared>>
        %dma_start3A_383 = arith.constant 0 : i32
        %dma_start3A_384 = tpu.memref_slice %arg10[%add3A_377, %dma_start3A_383] : memref<10104x128xf32, #tpu.memory_space<vmem_shared>> -> memref<120x128xf32, #tpu.memory_space<vmem_shared>>
        %dma_start3A_385 = arith.constant 0 : i32
        %dma_start3A_386 = arith.constant 0 : i32
        %dma_start3A_387 = tpu.memref_slice %arg7[%dma_start3A_385, %dma_start3A_386] : memref<128x128xf32, #tpu.memory_space<vmem>> -> memref<120x128xf32, #tpu.memory_space<vmem>>
        tpu.enqueue_dma source(%dma_start3A_387 : memref<120x128xf32, #tpu.memory_space<vmem>>) target(%dma_start3A_384 : memref<120x128xf32, #tpu.memory_space<vmem_shared>>) target_semaphore(%run_scoped3A : memref<!tpu.dma_semaphore, #tpu.memory_space<semaphore_mem>>)
        %dma_wait3A_388 = arith.constant 0 : i32
        %dma_wait3A_389 = arith.constant 0 : i32
        %dma_wait3A_390 = tpu.memref_slice %arg7[%dma_wait3A_388, %dma_wait3A_389] : memref<128x128xf32, #tpu.memory_space<vmem>> -> memref<120x128xf32, #tpu.memory_space<vmem>>
        %dma_wait3A_391 = arith.constant 0 : i32
        %dma_wait3A_392 = tpu.memref_slice %arg10[%add3A_377, %dma_wait3A_391] : memref<10104x128xf32, #tpu.memory_space<vmem_shared>> -> memref<120x128xf32, #tpu.memory_space<vmem_shared>>
        %dma_wait3A_393 = arith.constant 0 : i32
        %dma_wait3A_394 = tpu.memref_slice %arg10[%add3A_377, %dma_wait3A_393] : memref<10104x128xf32, #tpu.memory_space<vmem_shared>> -> memref<120x128xf32, #tpu.memory_space<vmem_shared>>
        %dma_wait3A_395 = arith.constant 0 : i32
        %dma_wait3A_396 = arith.constant 0 : i32
        %dma_wait3A_397 = tpu.memref_slice %arg7[%dma_wait3A_395, %dma_wait3A_396] : memref<128x128xf32, #tpu.memory_space<vmem>> -> memref<120x128xf32, #tpu.memory_space<vmem>>
        tpu.wait_dma2 semaphore(%run_scoped3A : memref<!tpu.dma_semaphore, #tpu.memory_space<semaphore_mem>>) src(%dma_wait3A_397 : memref<120x128xf32, #tpu.memory_space<vmem>>) dst(%dma_wait3A_394 : memref<120x128xf32, #tpu.memory_space<vmem_shared>>)
        tpu.yield
      }) : () -> ()
    } else {
    }
    %eq3A_61 = arith.constant 15 : i32
    %eq3A_62 = arith.cmpi eq, %arg1, %eq3A_61 : i32
    %convert_element_type3A_63 = arith.extui %eq3A_62 : i1 to i32
    %cond3A_64 = arith.constant 0 : i32
    %cond3A_65 = arith.cmpi ne, %convert_element_type3A_63, %cond3A_64 : i32
    scf.if %cond3A_65 {
      %add3A_376 = arith.constant 512 : i32
      %add3A_377 = arith.addi %mul3A_50, %add3A_376 : i32
      "tpu.region"() ({
        %run_scoped3A = tpu.sem_alloc : memref<!tpu.dma_semaphore, #tpu.memory_space<semaphore_mem>>
        %dma_start3A_378 = arith.constant 0 : i32
        %dma_start3A_379 = arith.constant 0 : i32
        %dma_start3A_380 = tpu.memref_slice %arg7[%dma_start3A_378, %dma_start3A_379] : memref<128x128xf32, #tpu.memory_space<vmem>> -> memref<112x128xf32, #tpu.memory_space<vmem>>
        %dma_start3A_381 = arith.constant 0 : i32
        %dma_start3A_382 = tpu.memref_slice %arg10[%add3A_377, %dma_start3A_381] : memref<10104x128xf32, #tpu.memory_space<vmem_shared>> -> memref<112x128xf32, #tpu.memory_space<vmem_shared>>
        %dma_start3A_383 = arith.constant 0 : i32
        %dma_start3A_384 = tpu.memref_slice %arg10[%add3A_377, %dma_start3A_383] : memref<10104x128xf32, #tpu.memory_space<vmem_shared>> -> memref<112x128xf32, #tpu.memory_space<vmem_shared>>
        %dma_start3A_385 = arith.constant 0 : i32
        %dma_start3A_386 = arith.constant 0 : i32
        %dma_start3A_387 = tpu.memref_slice %arg7[%dma_start3A_385, %dma_start3A_386] : memref<128x128xf32, #tpu.memory_space<vmem>> -> memref<112x128xf32, #tpu.memory_space<vmem>>
        tpu.enqueue_dma source(%dma_start3A_387 : memref<112x128xf32, #tpu.memory_space<vmem>>) target(%dma_start3A_384 : memref<112x128xf32, #tpu.memory_space<vmem_shared>>) target_semaphore(%run_scoped3A : memref<!tpu.dma_semaphore, #tpu.memory_space<semaphore_mem>>)
        %dma_wait3A_388 = arith.constant 0 : i32
        %dma_wait3A_389 = arith.constant 0 : i32
        %dma_wait3A_390 = tpu.memref_slice %arg7[%dma_wait3A_388, %dma_wait3A_389] : memref<128x128xf32, #tpu.memory_space<vmem>> -> memref<112x128xf32, #tpu.memory_space<vmem>>
        %dma_wait3A_391 = arith.constant 0 : i32
        %dma_wait3A_392 = tpu.memref_slice %arg10[%add3A_377, %dma_wait3A_391] : memref<10104x128xf32, #tpu.memory_space<vmem_shared>> -> memref<112x128xf32, #tpu.memory_space<vmem_shared>>
        %dma_wait3A_393 = arith.constant 0 : i32
        %dma_wait3A_394 = tpu.memref_slice %arg10[%add3A_377, %dma_wait3A_393] : memref<10104x128xf32, #tpu.memory_space<vmem_shared>> -> memref<112x128xf32, #tpu.memory_space<vmem_shared>>
        %dma_wait3A_395 = arith.constant 0 : i32
        %dma_wait3A_396 = arith.constant 0 : i32
        %dma_wait3A_397 = tpu.memref_slice %arg7[%dma_wait3A_395, %dma_wait3A_396] : memref<128x128xf32, #tpu.memory_space<vmem>> -> memref<112x128xf32, #tpu.memory_space<vmem>>
        tpu.wait_dma2 semaphore(%run_scoped3A : memref<!tpu.dma_semaphore, #tpu.memory_space<semaphore_mem>>) src(%dma_wait3A_397 : memref<112x128xf32, #tpu.memory_space<vmem>>) dst(%dma_wait3A_394 : memref<112x128xf32, #tpu.memory_space<vmem_shared>>)
        tpu.yield
      }) : () -> ()
    } else {
    }
    %barrier3A = arith.constant 0 : index
    tpu.barrier barrier_id(%barrier3A)
    %add3A_66 = arith.constant 0 : i32
    %add3A_67 = arith.addi %select_n3A, %add3A_66 : i32
    %mul3A_68 = arith.constant 128 : i32
    %mul3A_69 = arith.muli %add3A_67, %mul3A_68 : i32
    %dma_start3A = arith.constant 0 : i32
    %dma_start3A_70 = arith.constant 0 : i32
    %dma_start3A_71 = arith.constant 0 : i32
    %dma_start3A_72 = tpu.memref_slice %arg6[%dma_start3A, %dma_start3A_70, %dma_start3A_71] : memref<4x2x128xi32, #tpu.memory_space<vmem>> -> memref<1x2x128xi32, #tpu.memory_space<vmem>>
    %dma_start3A_73 = tpu.memref_squeeze %dma_start3A_72 : memref<1x2x128xi32, #tpu.memory_space<vmem>> -> memref<2x128xi32, #tpu.memory_space<vmem>>
    %dma_start3A_74 = arith.constant 0 : i32
    %dma_start3A_75 = tpu.memref_slice %arg3[%dma_start3A_74, %mul3A_69] : memref<2x320000xi32, #tpu.memory_space<hbm>> -> memref<2x128xi32, #tpu.memory_space<hbm>>
    %dma_start3A_76 = arith.constant 0 : i32
    %dma_start3A_77 = arith.constant 0 : i32
    %dma_start3A_78 = tpu.memref_slice %arg6[%dma_start3A, %dma_start3A_76, %dma_start3A_77] : memref<4x2x128xi32, #tpu.memory_space<vmem>> -> memref<1x2x128xi32, #tpu.memory_space<vmem>>
    %dma_start3A_79 = tpu.memref_squeeze %dma_start3A_78 : memref<1x2x128xi32, #tpu.memory_space<vmem>> -> memref<2x128xi32, #tpu.memory_space<vmem>>
    %dma_start3A_80 = arith.constant 0 : i32
    %dma_start3A_81 = tpu.memref_slice %arg3[%dma_start3A_80, %mul3A_69] : memref<2x320000xi32, #tpu.memory_space<hbm>> -> memref<2x128xi32, #tpu.memory_space<hbm>>
    tpu.enqueue_dma source(%dma_start3A_81 : memref<2x128xi32, #tpu.memory_space<hbm>>) target(%dma_start3A_79 : memref<2x128xi32, #tpu.memory_space<vmem>>) target_semaphore(%arg11 : memref<!tpu.dma_semaphore, #tpu.memory_space<semaphore_mem>>)
    %add3A_82 = arith.constant 1 : i32
    %add3A_83 = arith.addi %select_n3A, %add3A_82 : i32
    %mul3A_84 = arith.constant 128 : i32
    %mul3A_85 = arith.muli %add3A_83, %mul3A_84 : i32
    %dma_start3A_86 = arith.constant 1 : i32
    %dma_start3A_87 = arith.constant 0 : i32
    %dma_start3A_88 = arith.constant 0 : i32
    %dma_start3A_89 = tpu.memref_slice %arg6[%dma_start3A_86, %dma_start3A_87, %dma_start3A_88] : memref<4x2x128xi32, #tpu.memory_space<vmem>> -> memref<1x2x128xi32, #tpu.memory_space<vmem>>
    %dma_start3A_90 = tpu.memref_squeeze %dma_start3A_89 : memref<1x2x128xi32, #tpu.memory_space<vmem>> -> memref<2x128xi32, #tpu.memory_space<vmem>>
    %dma_start3A_91 = arith.constant 0 : i32
    %dma_start3A_92 = tpu.memref_slice %arg3[%dma_start3A_91, %mul3A_85] : memref<2x320000xi32, #tpu.memory_space<hbm>> -> memref<2x128xi32, #tpu.memory_space<hbm>>
    %dma_start3A_93 = arith.constant 0 : i32
    %dma_start3A_94 = arith.constant 0 : i32
    %dma_start3A_95 = tpu.memref_slice %arg6[%dma_start3A_86, %dma_start3A_93, %dma_start3A_94] : memref<4x2x128xi32, #tpu.memory_space<vmem>> -> memref<1x2x128xi32, #tpu.memory_space<vmem>>
    %dma_start3A_96 = tpu.memref_squeeze %dma_start3A_95 : memref<1x2x128xi32, #tpu.memory_space<vmem>> -> memref<2x128xi32, #tpu.memory_space<vmem>>
    %dma_start3A_97 = arith.constant 0 : i32
    %dma_start3A_98 = tpu.memref_slice %arg3[%dma_start3A_97, %mul3A_85] : memref<2x320000xi32, #tpu.memory_space<hbm>> -> memref<2x128xi32, #tpu.memory_space<hbm>>
    tpu.enqueue_dma source(%dma_start3A_98 : memref<2x128xi32, #tpu.memory_space<hbm>>) target(%dma_start3A_96 : memref<2x128xi32, #tpu.memory_space<vmem>>) target_semaphore(%arg12 : memref<!tpu.dma_semaphore, #tpu.memory_space<semaphore_mem>>)
    %dma_wait3A = arith.constant 0 : i32
    %dma_wait3A_99 = arith.constant 0 : i32
    %dma_wait3A_100 = arith.constant 0 : i32
    %dma_wait3A_101 = tpu.memref_slice %arg6[%dma_wait3A, %dma_wait3A_99, %dma_wait3A_100] : memref<4x2x128xi32, #tpu.memory_space<vmem>> -> memref<1x2x128xi32, #tpu.memory_space<vmem>>
    %dma_wait3A_102 = tpu.memref_squeeze %dma_wait3A_101 : memref<1x2x128xi32, #tpu.memory_space<vmem>> -> memref<2x128xi32, #tpu.memory_space<vmem>>
    %dma_wait3A_103 = arith.constant 0 : i32
    %dma_wait3A_104 = arith.constant 0 : i32
    %dma_wait3A_105 = tpu.memref_slice %arg3[%dma_wait3A_103, %dma_wait3A_104] : memref<2x320000xi32, #tpu.memory_space<hbm>> -> memref<2x128xi32, #tpu.memory_space<hbm>>
    %dma_wait3A_106 = arith.constant 0 : i32
    %dma_wait3A_107 = arith.constant 0 : i32
    %dma_wait3A_108 = tpu.memref_slice %arg6[%dma_wait3A, %dma_wait3A_106, %dma_wait3A_107] : memref<4x2x128xi32, #tpu.memory_space<vmem>> -> memref<1x2x128xi32, #tpu.memory_space<vmem>>
    %dma_wait3A_109 = tpu.memref_squeeze %dma_wait3A_108 : memref<1x2x128xi32, #tpu.memory_space<vmem>> -> memref<2x128xi32, #tpu.memory_space<vmem>>
    %dma_wait3A_110 = arith.constant 0 : i32
    %dma_wait3A_111 = arith.constant 0 : i32
    %dma_wait3A_112 = tpu.memref_slice %arg3[%dma_wait3A_110, %dma_wait3A_111] : memref<2x320000xi32, #tpu.memory_space<hbm>> -> memref<2x128xi32, #tpu.memory_space<hbm>>
    tpu.wait_dma2 semaphore(%arg11 : memref<!tpu.dma_semaphore, #tpu.memory_space<semaphore_mem>>) src(%dma_wait3A_112 : memref<2x128xi32, #tpu.memory_space<hbm>>) dst(%dma_wait3A_109 : memref<2x128xi32, #tpu.memory_space<vmem>>)
    %dma_start3A_113 = arith.constant 0 : i32
    %dma_start3A_114 = arith.constant 0 : i32
    %dma_start3A_115 = arith.constant 0 : i32
    %dma_start3A_116 = tpu.memref_slice %arg6[%dma_start3A_113, %dma_start3A_114, %dma_start3A_115] : memref<4x2x128xi32, #tpu.memory_space<vmem>> -> memref<1x1x128xi32, #tpu.memory_space<vmem>>
    %dma_start3A_117 = tpu.memref_squeeze %dma_start3A_116 : memref<1x1x128xi32, #tpu.memory_space<vmem>> -> memref<128xi32, #tpu.memory_space<vmem>>
    %dma_start3A_118 = arith.constant 0 : i32
    %dma_start3A_119 = arith.constant 0 : i32
    %dma_start3A_120 = tpu.memref_slice %arg2[%dma_start3A_118, %dma_start3A_119] : memref<10000x128xf32, #tpu.memory_space<hbm>> -> memref<10000x128xf32, #tpu.memory_space<hbm>>
    tpu.enqueue_indirect_dma source(%dma_start3A_120 : memref<10000x128xf32, #tpu.memory_space<hbm>>) target(%arg7 : memref<128x128xf32, #tpu.memory_space<vmem>>) offsets(%dma_start3A_117 : memref<128xi32, #tpu.memory_space<vmem>>) semaphore(%arg15 : memref<!tpu.dma_semaphore, #tpu.memory_space<semaphore_mem>>)
    %scan3A = arith.constant 0 : i32
    %scan3A_121 = arith.constant 0 : i32
    %scan3A_122 = arith.constant 6 : i32
    %scan3A_123 = arith.addi %scan3A_121, %scan3A_122 : i32
    %scan3A_124 = arith.constant 1 : i32
    scf.for %scan3A_376 = %scan3A_121 to %scan3A_123 step %scan3A_124  : i32 {
      %mul3A_377 = arith.constant 12 : i32
      %mul3A_378 = arith.muli %mul3A_377, %scan3A_376 : i32
      %add3A_379 = arith.constant 0 : i32
      %add3A_380 = arith.addi %mul3A_378, %add3A_379 : i32
      %ge3A_381 = arith.constant 2 : i32
      %ge3A_382 = arith.cmpi sge, %add3A_380, %ge3A_381 : i32
      %convert_element_type3A_383 = arith.extui %ge3A_382 : i1 to i32
      %cond3A_384 = arith.constant 0 : i32
      %cond3A_385 = arith.cmpi ne, %convert_element_type3A_383, %cond3A_384 : i32
      scf.if %cond3A_385 {
        %dma_wait3A_727 = arith.constant 2 : i32
        %dma_wait3A_728 = arith.constant 1 : i32
        %dma_wait3A_729 = arith.constant 0 : i32
        %dma_wait3A_730 = tpu.memref_slice %arg6[%dma_wait3A_727, %dma_wait3A_728, %dma_wait3A_729] : memref<4x2x128xi32, #tpu.memory_space<vmem>> -> memref<1x1x128xi32, #tpu.memory_space<vmem>>
        %dma_wait3A_731 = tpu.memref_squeeze %dma_wait3A_730 : memref<1x1x128xi32, #tpu.memory_space<vmem>> -> memref<128xi32, #tpu.memory_space<vmem>>
        %dma_wait3A_732 = arith.constant 0 : i32
        %dma_wait3A_733 = arith.constant 0 : i32
        %dma_wait3A_734 = tpu.memref_slice %arg10[%dma_wait3A_732, %dma_wait3A_733] : memref<10104x128xf32, #tpu.memory_space<vmem_shared>> -> memref<10104x128xf32, #tpu.memory_space<vmem_shared>>
        tpu.wait_indirect_dma semaphore(%arg19 : memref<!tpu.dma_semaphore, #tpu.memory_space<semaphore_mem>>) src(%arg8 : memref<128x128xf32, #tpu.memory_space<vmem>>) dst(%dma_wait3A_734 : memref<10104x128xf32, #tpu.memory_space<vmem_shared>>)
      } else {
      }
      %add3A_386 = arith.constant 2 : i32
      %add3A_387 = arith.addi %add3A_380, %add3A_386 : i32
      %lt3A_388 = arith.constant 79 : i32
      %lt3A_389 = arith.cmpi slt, %add3A_387, %lt3A_388 : i32
      %convert_element_type3A_390 = arith.extui %lt3A_389 : i1 to i32
      %cond3A_391 = arith.constant 0 : i32
      %cond3A_392 = arith.cmpi ne, %convert_element_type3A_390, %cond3A_391 : i32
      scf.if %cond3A_392 {
        %add3A_727 = arith.constant 2 : i32
        %add3A_728 = arith.addi %add3A_380, %add3A_727 : i32
        %add3A_729 = arith.addi %select_n3A, %add3A_728 : i32
        %eq3A_730 = arith.constant 78 : i32
        %eq3A_731 = arith.cmpi eq, %add3A_728, %eq3A_730 : i32
        %and3A_732 = arith.andi %eq3A_48, %eq3A_731 : i1
        %select_n3A_733 = arith.select %and3A_732, %select_n3A, %add3A_729 : i32
        %mul3A_734 = arith.constant 128 : i32
        %mul3A_735 = arith.muli %select_n3A_733, %mul3A_734 : i32
        %dma_start3A_736 = arith.constant 2 : i32
        %dma_start3A_737 = arith.constant 0 : i32
        %dma_start3A_738 = arith.constant 0 : i32
        %dma_start3A_739 = tpu.memref_slice %arg6[%dma_start3A_736, %dma_start3A_737, %dma_start3A_738] : memref<4x2x128xi32, #tpu.memory_space<vmem>> -> memref<1x2x128xi32, #tpu.memory_space<vmem>>
        %dma_start3A_740 = tpu.memref_squeeze %dma_start3A_739 : memref<1x2x128xi32, #tpu.memory_space<vmem>> -> memref<2x128xi32, #tpu.memory_space<vmem>>
        %dma_start3A_741 = arith.constant 0 : i32
        %dma_start3A_742 = tpu.memref_slice %arg3[%dma_start3A_741, %mul3A_735] : memref<2x320000xi32, #tpu.memory_space<hbm>> -> memref<2x128xi32, #tpu.memory_space<hbm>>
        %dma_start3A_743 = arith.constant 0 : i32
        %dma_start3A_744 = arith.constant 0 : i32
        %dma_start3A_745 = tpu.memref_slice %arg6[%dma_start3A_736, %dma_start3A_743, %dma_start3A_744] : memref<4x2x128xi32, #tpu.memory_space<vmem>> -> memref<1x2x128xi32, #tpu.memory_space<vmem>>
        %dma_start3A_746 = tpu.memref_squeeze %dma_start3A_745 : memref<1x2x128xi32, #tpu.memory_space<vmem>> -> memref<2x128xi32, #tpu.memory_space<vmem>>
        %dma_start3A_747 = arith.constant 0 : i32
        %dma_start3A_748 = tpu.memref_slice %arg3[%dma_start3A_747, %mul3A_735] : memref<2x320000xi32, #tpu.memory_space<hbm>> -> memref<2x128xi32, #tpu.memory_space<hbm>>
        tpu.enqueue_dma source(%dma_start3A_748 : memref<2x128xi32, #tpu.memory_space<hbm>>) target(%dma_start3A_746 : memref<2x128xi32, #tpu.memory_space<vmem>>) target_semaphore(%arg13 : memref<!tpu.dma_semaphore, #tpu.memory_space<semaphore_mem>>)
      } else {
      }
      %add3A_393 = arith.constant 1 : i32
      %add3A_394 = arith.addi %add3A_380, %add3A_393 : i32
      %lt3A_395 = arith.constant 79 : i32
      %lt3A_396 = arith.cmpi slt, %add3A_394, %lt3A_395 : i32
      %convert_element_type3A_397 = arith.extui %lt3A_396 : i1 to i32
      %cond3A_398 = arith.constant 0 : i32
      %cond3A_399 = arith.cmpi ne, %convert_element_type3A_397, %cond3A_398 : i32
      scf.if %cond3A_399 {
        %add3A_727 = arith.constant 1 : i32
        %add3A_728 = arith.addi %add3A_380, %add3A_727 : i32
        %dma_wait3A_729 = arith.constant 1 : i32
        %dma_wait3A_730 = arith.constant 0 : i32
        %dma_wait3A_731 = arith.constant 0 : i32
        %dma_wait3A_732 = tpu.memref_slice %arg6[%dma_wait3A_729, %dma_wait3A_730, %dma_wait3A_731] : memref<4x2x128xi32, #tpu.memory_space<vmem>> -> memref<1x2x128xi32, #tpu.memory_space<vmem>>
        %dma_wait3A_733 = tpu.memref_squeeze %dma_wait3A_732 : memref<1x2x128xi32, #tpu.memory_space<vmem>> -> memref<2x128xi32, #tpu.memory_space<vmem>>
        %dma_wait3A_734 = arith.constant 0 : i32
        %dma_wait3A_735 = arith.constant 0 : i32
        %dma_wait3A_736 = tpu.memref_slice %arg3[%dma_wait3A_734, %dma_wait3A_735] : memref<2x320000xi32, #tpu.memory_space<hbm>> -> memref<2x128xi32, #tpu.memory_space<hbm>>
        %dma_wait3A_737 = arith.constant 0 : i32
        %dma_wait3A_738 = arith.constant 0 : i32
        %dma_wait3A_739 = tpu.memref_slice %arg6[%dma_wait3A_729, %dma_wait3A_737, %dma_wait3A_738] : memref<4x2x128xi32, #tpu.memory_space<vmem>> -> memref<1x2x128xi32, #tpu.memory_space<vmem>>
        %dma_wait3A_740 = tpu.memref_squeeze %dma_wait3A_739 : memref<1x2x128xi32, #tpu.memory_space<vmem>> -> memref<2x128xi32, #tpu.memory_space<vmem>>
        %dma_wait3A_741 = arith.constant 0 : i32
        %dma_wait3A_742 = arith.constant 0 : i32
        %dma_wait3A_743 = tpu.memref_slice %arg3[%dma_wait3A_741, %dma_wait3A_742] : memref<2x320000xi32, #tpu.memory_space<hbm>> -> memref<2x128xi32, #tpu.memory_space<hbm>>
        tpu.wait_dma2 semaphore(%arg12 : memref<!tpu.dma_semaphore, #tpu.memory_space<semaphore_mem>>) src(%dma_wait3A_743 : memref<2x128xi32, #tpu.memory_space<hbm>>) dst(%dma_wait3A_740 : memref<2x128xi32, #tpu.memory_space<vmem>>)
        %add3A_744 = arith.constant 1 : i32
        %add3A_745 = arith.addi %add3A_380, %add3A_744 : i32
        %eq3A_746 = arith.constant 78 : i32
        %eq3A_747 = arith.cmpi eq, %add3A_745, %eq3A_746 : i32
        %and3A_748 = arith.andi %eq3A_48, %eq3A_747 : i1
        %not3A = arith.constant true
        %not3A_749 = arith.xori %and3A_748, %not3A : i1
        %convert_element_type3A_750 = arith.extui %not3A_749 : i1 to i32
        %cond3A_751 = arith.constant 0 : i32
        %cond3A_752 = arith.cmpi ne, %convert_element_type3A_750, %cond3A_751 : i32
        scf.if %cond3A_752 {
          %dma_start3A_756 = arith.constant 1 : i32
          %dma_start3A_757 = arith.constant 0 : i32
          %dma_start3A_758 = arith.constant 0 : i32
          %dma_start3A_759 = tpu.memref_slice %arg6[%dma_start3A_756, %dma_start3A_757, %dma_start3A_758] : memref<4x2x128xi32, #tpu.memory_space<vmem>> -> memref<1x1x128xi32, #tpu.memory_space<vmem>>
          %dma_start3A_760 = tpu.memref_squeeze %dma_start3A_759 : memref<1x1x128xi32, #tpu.memory_space<vmem>> -> memref<128xi32, #tpu.memory_space<vmem>>
          %dma_start3A_761 = arith.constant 0 : i32
          %dma_start3A_762 = arith.constant 0 : i32
          %dma_start3A_763 = tpu.memref_slice %arg2[%dma_start3A_761, %dma_start3A_762] : memref<10000x128xf32, #tpu.memory_space<hbm>> -> memref<10000x128xf32, #tpu.memory_space<hbm>>
          tpu.enqueue_indirect_dma source(%dma_start3A_763 : memref<10000x128xf32, #tpu.memory_space<hbm>>) target(%arg8 : memref<128x128xf32, #tpu.memory_space<vmem>>) offsets(%dma_start3A_760 : memref<128xi32, #tpu.memory_space<vmem>>) semaphore(%arg16 : memref<!tpu.dma_semaphore, #tpu.memory_space<semaphore_mem>>)
        } else {
        }
        %convert_element_type3A_753 = arith.extui %and3A_748 : i1 to i32
        %cond3A_754 = arith.constant 0 : i32
        %cond3A_755 = arith.cmpi ne, %convert_element_type3A_753, %cond3A_754 : i32
        scf.if %cond3A_755 {
          tpu.enqueue_dma source(%arg4 : memref<128x128xf32, #tpu.memory_space<hbm>>) target(%arg8 : memref<128x128xf32, #tpu.memory_space<vmem>>) target_semaphore(%arg16 : memref<!tpu.dma_semaphore, #tpu.memory_space<semaphore_mem>>)
        } else {
        }
      } else {
      }
      tpu.wait_dma2 semaphore(%arg15 : memref<!tpu.dma_semaphore, #tpu.memory_space<semaphore_mem>>) src(%arg4 : memref<128x128xf32, #tpu.memory_space<hbm>>) dst(%arg7 : memref<128x128xf32, #tpu.memory_space<vmem>>)
      %dma_start3A_400 = arith.constant 0 : i32
      %dma_start3A_401 = arith.constant 1 : i32
      %dma_start3A_402 = arith.constant 0 : i32
      %dma_start3A_403 = tpu.memref_slice %arg6[%dma_start3A_400, %dma_start3A_401, %dma_start3A_402] : memref<4x2x128xi32, #tpu.memory_space<vmem>> -> memref<1x1x128xi32, #tpu.memory_space<vmem>>
      %dma_start3A_404 = tpu.memref_squeeze %dma_start3A_403 : memref<1x1x128xi32, #tpu.memory_space<vmem>> -> memref<128xi32, #tpu.memory_space<vmem>>
      %dma_start3A_405 = arith.constant 0 : i32
      %dma_start3A_406 = arith.constant 0 : i32
      %dma_start3A_407 = tpu.memref_slice %arg10[%dma_start3A_405, %dma_start3A_406] : memref<10104x128xf32, #tpu.memory_space<vmem_shared>> -> memref<10104x128xf32, #tpu.memory_space<vmem_shared>>
      tpu.enqueue_indirect_dma source(%arg7 : memref<128x128xf32, #tpu.memory_space<vmem>>) target(%dma_start3A_407 : memref<10104x128xf32, #tpu.memory_space<vmem_shared>>) offsets(%dma_start3A_404 : memref<128xi32, #tpu.memory_space<vmem>>) semaphore(%arg18 : memref<!tpu.dma_semaphore, #tpu.memory_space<semaphore_mem>>) {add = true}
      %add3A_408 = arith.constant 1 : i32
      %add3A_409 = arith.addi %mul3A_378, %add3A_408 : i32
      %ge3A_410 = arith.constant 2 : i32
      %ge3A_411 = arith.cmpi sge, %add3A_409, %ge3A_410 : i32
      %convert_element_type3A_412 = arith.extui %ge3A_411 : i1 to i32
      %cond3A_413 = arith.constant 0 : i32
      %cond3A_414 = arith.cmpi ne, %convert_element_type3A_412, %cond3A_413 : i32
      scf.if %cond3A_414 {
        %dma_wait3A_727 = arith.constant 3 : i32
        %dma_wait3A_728 = arith.constant 1 : i32
        %dma_wait3A_729 = arith.constant 0 : i32
        %dma_wait3A_730 = tpu.memref_slice %arg6[%dma_wait3A_727, %dma_wait3A_728, %dma_wait3A_729] : memref<4x2x128xi32, #tpu.memory_space<vmem>> -> memref<1x1x128xi32, #tpu.memory_space<vmem>>
        %dma_wait3A_731 = tpu.memref_squeeze %dma_wait3A_730 : memref<1x1x128xi32, #tpu.memory_space<vmem>> -> memref<128xi32, #tpu.memory_space<vmem>>
        %dma_wait3A_732 = arith.constant 0 : i32
        %dma_wait3A_733 = arith.constant 0 : i32
        %dma_wait3A_734 = tpu.memref_slice %arg10[%dma_wait3A_732, %dma_wait3A_733] : memref<10104x128xf32, #tpu.memory_space<vmem_shared>> -> memref<10104x128xf32, #tpu.memory_space<vmem_shared>>
        tpu.wait_indirect_dma semaphore(%arg20 : memref<!tpu.dma_semaphore, #tpu.memory_space<semaphore_mem>>) src(%arg9 : memref<128x128xf32, #tpu.memory_space<vmem>>) dst(%dma_wait3A_734 : memref<10104x128xf32, #tpu.memory_space<vmem_shared>>)
      } else {
      }
      %add3A_415 = arith.constant 2 : i32
      %add3A_416 = arith.addi %add3A_409, %add3A_415 : i32
      %lt3A_417 = arith.constant 79 : i32
      %lt3A_418 = arith.cmpi slt, %add3A_416, %lt3A_417 : i32
      %convert_element_type3A_419 = arith.extui %lt3A_418 : i1 to i32
      %cond3A_420 = arith.constant 0 : i32
      %cond3A_421 = arith.cmpi ne, %convert_element_type3A_419, %cond3A_420 : i32
      scf.if %cond3A_421 {
        %add3A_727 = arith.constant 2 : i32
        %add3A_728 = arith.addi %add3A_409, %add3A_727 : i32
        %add3A_729 = arith.addi %select_n3A, %add3A_728 : i32
        %eq3A_730 = arith.constant 78 : i32
        %eq3A_731 = arith.cmpi eq, %add3A_728, %eq3A_730 : i32
        %and3A_732 = arith.andi %eq3A_48, %eq3A_731 : i1
        %select_n3A_733 = arith.select %and3A_732, %select_n3A, %add3A_729 : i32
        %mul3A_734 = arith.constant 128 : i32
        %mul3A_735 = arith.muli %select_n3A_733, %mul3A_734 : i32
        %dma_start3A_736 = arith.constant 3 : i32
        %dma_start3A_737 = arith.constant 0 : i32
        %dma_start3A_738 = arith.constant 0 : i32
        %dma_start3A_739 = tpu.memref_slice %arg6[%dma_start3A_736, %dma_start3A_737, %dma_start3A_738] : memref<4x2x128xi32, #tpu.memory_space<vmem>> -> memref<1x2x128xi32, #tpu.memory_space<vmem>>
        %dma_start3A_740 = tpu.memref_squeeze %dma_start3A_739 : memref<1x2x128xi32, #tpu.memory_space<vmem>> -> memref<2x128xi32, #tpu.memory_space<vmem>>
        %dma_start3A_741 = arith.constant 0 : i32
        %dma_start3A_742 = tpu.memref_slice %arg3[%dma_start3A_741, %mul3A_735] : memref<2x320000xi32, #tpu.memory_space<hbm>> -> memref<2x128xi32, #tpu.memory_space<hbm>>
        %dma_start3A_743 = arith.constant 0 : i32
        %dma_start3A_744 = arith.constant 0 : i32
        %dma_start3A_745 = tpu.memref_slice %arg6[%dma_start3A_736, %dma_start3A_743, %dma_start3A_744] : memref<4x2x128xi32, #tpu.memory_space<vmem>> -> memref<1x2x128xi32, #tpu.memory_space<vmem>>
        %dma_start3A_746 = tpu.memref_squeeze %dma_start3A_745 : memref<1x2x128xi32, #tpu.memory_space<vmem>> -> memref<2x128xi32, #tpu.memory_space<vmem>>
        %dma_start3A_747 = arith.constant 0 : i32
        %dma_start3A_748 = tpu.memref_slice %arg3[%dma_start3A_747, %mul3A_735] : memref<2x320000xi32, #tpu.memory_space<hbm>> -> memref<2x128xi32, #tpu.memory_space<hbm>>
        tpu.enqueue_dma source(%dma_start3A_748 : memref<2x128xi32, #tpu.memory_space<hbm>>) target(%dma_start3A_746 : memref<2x128xi32, #tpu.memory_space<vmem>>) target_semaphore(%arg14 : memref<!tpu.dma_semaphore, #tpu.memory_space<semaphore_mem>>)
      } else {
      }
      %add3A_422 = arith.constant 1 : i32
      %add3A_423 = arith.addi %add3A_409, %add3A_422 : i32
      %lt3A_424 = arith.constant 79 : i32
      %lt3A_425 = arith.cmpi slt, %add3A_423, %lt3A_424 : i32
      %convert_element_type3A_426 = arith.extui %lt3A_425 : i1 to i32
      %cond3A_427 = arith.constant 0 : i32
      %cond3A_428 = arith.cmpi ne, %convert_element_type3A_426, %cond3A_427 : i32
      scf.if %cond3A_428 {
        %add3A_727 = arith.constant 1 : i32
        %add3A_728 = arith.addi %add3A_409, %add3A_727 : i32
        %dma_wait3A_729 = arith.constant 2 : i32
        %dma_wait3A_730 = arith.constant 0 : i32
        %dma_wait3A_731 = arith.constant 0 : i32
        %dma_wait3A_732 = tpu.memref_slice %arg6[%dma_wait3A_729, %dma_wait3A_730, %dma_wait3A_731] : memref<4x2x128xi32, #tpu.memory_space<vmem>> -> memref<1x2x128xi32, #tpu.memory_space<vmem>>
        %dma_wait3A_733 = tpu.memref_squeeze %dma_wait3A_732 : memref<1x2x128xi32, #tpu.memory_space<vmem>> -> memref<2x128xi32, #tpu.memory_space<vmem>>
        %dma_wait3A_734 = arith.constant 0 : i32
        %dma_wait3A_735 = arith.constant 0 : i32
        %dma_wait3A_736 = tpu.memref_slice %arg3[%dma_wait3A_734, %dma_wait3A_735] : memref<2x320000xi32, #tpu.memory_space<hbm>> -> memref<2x128xi32, #tpu.memory_space<hbm>>
        %dma_wait3A_737 = arith.constant 0 : i32
        %dma_wait3A_738 = arith.constant 0 : i32
        %dma_wait3A_739 = tpu.memref_slice %arg6[%dma_wait3A_729, %dma_wait3A_737, %dma_wait3A_738] : memref<4x2x128xi32, #tpu.memory_space<vmem>> -> memref<1x2x128xi32, #tpu.memory_space<vmem>>
        %dma_wait3A_740 = tpu.memref_squeeze %dma_wait3A_739 : memref<1x2x128xi32, #tpu.memory_space<vmem>> -> memref<2x128xi32, #tpu.memory_space<vmem>>
        %dma_wait3A_741 = arith.constant 0 : i32
        %dma_wait3A_742 = arith.constant 0 : i32
        %dma_wait3A_743 = tpu.memref_slice %arg3[%dma_wait3A_741, %dma_wait3A_742] : memref<2x320000xi32, #tpu.memory_space<hbm>> -> memref<2x128xi32, #tpu.memory_space<hbm>>
        tpu.wait_dma2 semaphore(%arg13 : memref<!tpu.dma_semaphore, #tpu.memory_space<semaphore_mem>>) src(%dma_wait3A_743 : memref<2x128xi32, #tpu.memory_space<hbm>>) dst(%dma_wait3A_740 : memref<2x128xi32, #tpu.memory_space<vmem>>)
        %add3A_744 = arith.constant 1 : i32
        %add3A_745 = arith.addi %add3A_409, %add3A_744 : i32
        %eq3A_746 = arith.constant 78 : i32
        %eq3A_747 = arith.cmpi eq, %add3A_745, %eq3A_746 : i32
        %and3A_748 = arith.andi %eq3A_48, %eq3A_747 : i1
        %not3A = arith.constant true
        %not3A_749 = arith.xori %and3A_748, %not3A : i1
        %convert_element_type3A_750 = arith.extui %not3A_749 : i1 to i32
        %cond3A_751 = arith.constant 0 : i32
        %cond3A_752 = arith.cmpi ne, %convert_element_type3A_750, %cond3A_751 : i32
        scf.if %cond3A_752 {
          %dma_start3A_756 = arith.constant 2 : i32
          %dma_start3A_757 = arith.constant 0 : i32
          %dma_start3A_758 = arith.constant 0 : i32
          %dma_start3A_759 = tpu.memref_slice %arg6[%dma_start3A_756, %dma_start3A_757, %dma_start3A_758] : memref<4x2x128xi32, #tpu.memory_space<vmem>> -> memref<1x1x128xi32, #tpu.memory_space<vmem>>
          %dma_start3A_760 = tpu.memref_squeeze %dma_start3A_759 : memref<1x1x128xi32, #tpu.memory_space<vmem>> -> memref<128xi32, #tpu.memory_space<vmem>>
          %dma_start3A_761 = arith.constant 0 : i32
          %dma_start3A_762 = arith.constant 0 : i32
          %dma_start3A_763 = tpu.memref_slice %arg2[%dma_start3A_761, %dma_start3A_762] : memref<10000x128xf32, #tpu.memory_space<hbm>> -> memref<10000x128xf32, #tpu.memory_space<hbm>>
          tpu.enqueue_indirect_dma source(%dma_start3A_763 : memref<10000x128xf32, #tpu.memory_space<hbm>>) target(%arg9 : memref<128x128xf32, #tpu.memory_space<vmem>>) offsets(%dma_start3A_760 : memref<128xi32, #tpu.memory_space<vmem>>) semaphore(%arg17 : memref<!tpu.dma_semaphore, #tpu.memory_space<semaphore_mem>>)
        } else {
        }
        %convert_element_type3A_753 = arith.extui %and3A_748 : i1 to i32
        %cond3A_754 = arith.constant 0 : i32
        %cond3A_755 = arith.cmpi ne, %convert_element_type3A_753, %cond3A_754 : i32
        scf.if %cond3A_755 {
          tpu.enqueue_dma source(%arg4 : memref<128x128xf32, #tpu.memory_space<hbm>>) target(%arg9 : memref<128x128xf32, #tpu.memory_space<vmem>>) target_semaphore(%arg17 : memref<!tpu.dma_semaphore, #tpu.memory_space<semaphore_mem>>)
        } else {
        }
      } else {
      }
      tpu.wait_dma2 semaphore(%arg16 : memref<!tpu.dma_semaphore, #tpu.memory_space<semaphore_mem>>) src(%arg4 : memref<128x128xf32, #tpu.memory_space<hbm>>) dst(%arg8 : memref<128x128xf32, #tpu.memory_space<vmem>>)
      %dma_start3A_429 = arith.constant 1 : i32
      %dma_start3A_430 = arith.constant 1 : i32
      %dma_start3A_431 = arith.constant 0 : i32
      %dma_start3A_432 = tpu.memref_slice %arg6[%dma_start3A_429, %dma_start3A_430, %dma_start3A_431] : memref<4x2x128xi32, #tpu.memory_space<vmem>> -> memref<1x1x128xi32, #tpu.memory_space<vmem>>
      %dma_start3A_433 = tpu.memref_squeeze %dma_start3A_432 : memref<1x1x128xi32, #tpu.memory_space<vmem>> -> memref<128xi32, #tpu.memory_space<vmem>>
      %dma_start3A_434 = arith.constant 0 : i32
      %dma_start3A_435 = arith.constant 0 : i32
      %dma_start3A_436 = tpu.memref_slice %arg10[%dma_start3A_434, %dma_start3A_435] : memref<10104x128xf32, #tpu.memory_space<vmem_shared>> -> memref<10104x128xf32, #tpu.memory_space<vmem_shared>>
      tpu.enqueue_indirect_dma source(%arg8 : memref<128x128xf32, #tpu.memory_space<vmem>>) target(%dma_start3A_436 : memref<10104x128xf32, #tpu.memory_space<vmem_shared>>) offsets(%dma_start3A_433 : memref<128xi32, #tpu.memory_space<vmem>>) semaphore(%arg19 : memref<!tpu.dma_semaphore, #tpu.memory_space<semaphore_mem>>) {add = true}
      %add3A_437 = arith.constant 2 : i32
      %add3A_438 = arith.addi %mul3A_378, %add3A_437 : i32
      %ge3A_439 = arith.constant 2 : i32
      %ge3A_440 = arith.cmpi sge, %add3A_438, %ge3A_439 : i32
      %convert_element_type3A_441 = arith.extui %ge3A_440 : i1 to i32
      %cond3A_442 = arith.constant 0 : i32
      %cond3A_443 = arith.cmpi ne, %convert_element_type3A_441, %cond3A_442 : i32
      scf.if %cond3A_443 {
        %dma_wait3A_727 = arith.constant 0 : i32
        %dma_wait3A_728 = arith.constant 1 : i32
        %dma_wait3A_729 = arith.constant 0 : i32
        %dma_wait3A_730 = tpu.memref_slice %arg6[%dma_wait3A_727, %dma_wait3A_728, %dma_wait3A_729] : memref<4x2x128xi32, #tpu.memory_space<vmem>> -> memref<1x1x128xi32, #tpu.memory_space<vmem>>
        %dma_wait3A_731 = tpu.memref_squeeze %dma_wait3A_730 : memref<1x1x128xi32, #tpu.memory_space<vmem>> -> memref<128xi32, #tpu.memory_space<vmem>>
        %dma_wait3A_732 = arith.constant 0 : i32
        %dma_wait3A_733 = arith.constant 0 : i32
        %dma_wait3A_734 = tpu.memref_slice %arg10[%dma_wait3A_732, %dma_wait3A_733] : memref<10104x128xf32, #tpu.memory_space<vmem_shared>> -> memref<10104x128xf32, #tpu.memory_space<vmem_shared>>
        tpu.wait_indirect_dma semaphore(%arg18 : memref<!tpu.dma_semaphore, #tpu.memory_space<semaphore_mem>>) src(%arg7 : memref<128x128xf32, #tpu.memory_space<vmem>>) dst(%dma_wait3A_734 : memref<10104x128xf32, #tpu.memory_space<vmem_shared>>)
      } else {
      }
      %add3A_444 = arith.constant 2 : i32
      %add3A_445 = arith.addi %add3A_438, %add3A_444 : i32
      %lt3A_446 = arith.constant 79 : i32
      %lt3A_447 = arith.cmpi slt, %add3A_445, %lt3A_446 : i32
      %convert_element_type3A_448 = arith.extui %lt3A_447 : i1 to i32
      %cond3A_449 = arith.constant 0 : i32
      %cond3A_450 = arith.cmpi ne, %convert_element_type3A_448, %cond3A_449 : i32
      scf.if %cond3A_450 {
        %add3A_727 = arith.constant 2 : i32
        %add3A_728 = arith.addi %add3A_438, %add3A_727 : i32
        %add3A_729 = arith.addi %select_n3A, %add3A_728 : i32
        %eq3A_730 = arith.constant 78 : i32
        %eq3A_731 = arith.cmpi eq, %add3A_728, %eq3A_730 : i32
        %and3A_732 = arith.andi %eq3A_48, %eq3A_731 : i1
        %select_n3A_733 = arith.select %and3A_732, %select_n3A, %add3A_729 : i32
        %mul3A_734 = arith.constant 128 : i32
        %mul3A_735 = arith.muli %select_n3A_733, %mul3A_734 : i32
        %dma_start3A_736 = arith.constant 0 : i32
        %dma_start3A_737 = arith.constant 0 : i32
        %dma_start3A_738 = arith.constant 0 : i32
        %dma_start3A_739 = tpu.memref_slice %arg6[%dma_start3A_736, %dma_start3A_737, %dma_start3A_738] : memref<4x2x128xi32, #tpu.memory_space<vmem>> -> memref<1x2x128xi32, #tpu.memory_space<vmem>>
        %dma_start3A_740 = tpu.memref_squeeze %dma_start3A_739 : memref<1x2x128xi32, #tpu.memory_space<vmem>> -> memref<2x128xi32, #tpu.memory_space<vmem>>
        %dma_start3A_741 = arith.constant 0 : i32
        %dma_start3A_742 = tpu.memref_slice %arg3[%dma_start3A_741, %mul3A_735] : memref<2x320000xi32, #tpu.memory_space<hbm>> -> memref<2x128xi32, #tpu.memory_space<hbm>>
        %dma_start3A_743 = arith.constant 0 : i32
        %dma_start3A_744 = arith.constant 0 : i32
        %dma_start3A_745 = tpu.memref_slice %arg6[%dma_start3A_736, %dma_start3A_743, %dma_start3A_744] : memref<4x2x128xi32, #tpu.memory_space<vmem>> -> memref<1x2x128xi32, #tpu.memory_space<vmem>>
        %dma_start3A_746 = tpu.memref_squeeze %dma_start3A_745 : memref<1x2x128xi32, #tpu.memory_space<vmem>> -> memref<2x128xi32, #tpu.memory_space<vmem>>
        %dma_start3A_747 = arith.constant 0 : i32
        %dma_start3A_748 = tpu.memref_slice %arg3[%dma_start3A_747, %mul3A_735] : memref<2x320000xi32, #tpu.memory_space<hbm>> -> memref<2x128xi32, #tpu.memory_space<hbm>>
        tpu.enqueue_dma source(%dma_start3A_748 : memref<2x128xi32, #tpu.memory_space<hbm>>) target(%dma_start3A_746 : memref<2x128xi32, #tpu.memory_space<vmem>>) target_semaphore(%arg11 : memref<!tpu.dma_semaphore, #tpu.memory_space<semaphore_mem>>)
      } else {
      }
      %add3A_451 = arith.constant 1 : i32
      %add3A_452 = arith.addi %add3A_438, %add3A_451 : i32
      %lt3A_453 = arith.constant 79 : i32
      %lt3A_454 = arith.cmpi slt, %add3A_452, %lt3A_453 : i32
      %convert_element_type3A_455 = arith.extui %lt3A_454 : i1 to i32
      %cond3A_456 = arith.constant 0 : i32
      %cond3A_457 = arith.cmpi ne, %convert_element_type3A_455, %cond3A_456 : i32
      scf.if %cond3A_457 {
        %add3A_727 = arith.constant 1 : i32
        %add3A_728 = arith.addi %add3A_438, %add3A_727 : i32
        %dma_wait3A_729 = arith.constant 3 : i32
        %dma_wait3A_730 = arith.constant 0 : i32
        %dma_wait3A_731 = arith.constant 0 : i32
        %dma_wait3A_732 = tpu.memref_slice %arg6[%dma_wait3A_729, %dma_wait3A_730, %dma_wait3A_731] : memref<4x2x128xi32, #tpu.memory_space<vmem>> -> memref<1x2x128xi32, #tpu.memory_space<vmem>>
        %dma_wait3A_733 = tpu.memref_squeeze %dma_wait3A_732 : memref<1x2x128xi32, #tpu.memory_space<vmem>> -> memref<2x128xi32, #tpu.memory_space<vmem>>
        %dma_wait3A_734 = arith.constant 0 : i32
        %dma_wait3A_735 = arith.constant 0 : i32
        %dma_wait3A_736 = tpu.memref_slice %arg3[%dma_wait3A_734, %dma_wait3A_735] : memref<2x320000xi32, #tpu.memory_space<hbm>> -> memref<2x128xi32, #tpu.memory_space<hbm>>
        %dma_wait3A_737 = arith.constant 0 : i32
        %dma_wait3A_738 = arith.constant 0 : i32
        %dma_wait3A_739 = tpu.memref_slice %arg6[%dma_wait3A_729, %dma_wait3A_737, %dma_wait3A_738] : memref<4x2x128xi32, #tpu.memory_space<vmem>> -> memref<1x2x128xi32, #tpu.memory_space<vmem>>
        %dma_wait3A_740 = tpu.memref_squeeze %dma_wait3A_739 : memref<1x2x128xi32, #tpu.memory_space<vmem>> -> memref<2x128xi32, #tpu.memory_space<vmem>>
        %dma_wait3A_741 = arith.constant 0 : i32
        %dma_wait3A_742 = arith.constant 0 : i32
        %dma_wait3A_743 = tpu.memref_slice %arg3[%dma_wait3A_741, %dma_wait3A_742] : memref<2x320000xi32, #tpu.memory_space<hbm>> -> memref<2x128xi32, #tpu.memory_space<hbm>>
        tpu.wait_dma2 semaphore(%arg14 : memref<!tpu.dma_semaphore, #tpu.memory_space<semaphore_mem>>) src(%dma_wait3A_743 : memref<2x128xi32, #tpu.memory_space<hbm>>) dst(%dma_wait3A_740 : memref<2x128xi32, #tpu.memory_space<vmem>>)
        %add3A_744 = arith.constant 1 : i32
        %add3A_745 = arith.addi %add3A_438, %add3A_744 : i32
        %eq3A_746 = arith.constant 78 : i32
        %eq3A_747 = arith.cmpi eq, %add3A_745, %eq3A_746 : i32
        %and3A_748 = arith.andi %eq3A_48, %eq3A_747 : i1
        %not3A = arith.constant true
        %not3A_749 = arith.xori %and3A_748, %not3A : i1
        %convert_element_type3A_750 = arith.extui %not3A_749 : i1 to i32
        %cond3A_751 = arith.constant 0 : i32
        %cond3A_752 = arith.cmpi ne, %convert_element_type3A_750, %cond3A_751 : i32
        scf.if %cond3A_752 {
          %dma_start3A_756 = arith.constant 3 : i32
          %dma_start3A_757 = arith.constant 0 : i32
          %dma_start3A_758 = arith.constant 0 : i32
          %dma_start3A_759 = tpu.memref_slice %arg6[%dma_start3A_756, %dma_start3A_757, %dma_start3A_758] : memref<4x2x128xi32, #tpu.memory_space<vmem>> -> memref<1x1x128xi32, #tpu.memory_space<vmem>>
          %dma_start3A_760 = tpu.memref_squeeze %dma_start3A_759 : memref<1x1x128xi32, #tpu.memory_space<vmem>> -> memref<128xi32, #tpu.memory_space<vmem>>
          %dma_start3A_761 = arith.constant 0 : i32
          %dma_start3A_762 = arith.constant 0 : i32
          %dma_start3A_763 = tpu.memref_slice %arg2[%dma_start3A_761, %dma_start3A_762] : memref<10000x128xf32, #tpu.memory_space<hbm>> -> memref<10000x128xf32, #tpu.memory_space<hbm>>
          tpu.enqueue_indirect_dma source(%dma_start3A_763 : memref<10000x128xf32, #tpu.memory_space<hbm>>) target(%arg7 : memref<128x128xf32, #tpu.memory_space<vmem>>) offsets(%dma_start3A_760 : memref<128xi32, #tpu.memory_space<vmem>>) semaphore(%arg15 : memref<!tpu.dma_semaphore, #tpu.memory_space<semaphore_mem>>)
        } else {
        }
        %convert_element_type3A_753 = arith.extui %and3A_748 : i1 to i32
        %cond3A_754 = arith.constant 0 : i32
        %cond3A_755 = arith.cmpi ne, %convert_element_type3A_753, %cond3A_754 : i32
        scf.if %cond3A_755 {
          tpu.enqueue_dma source(%arg4 : memref<128x128xf32, #tpu.memory_space<hbm>>) target(%arg7 : memref<128x128xf32, #tpu.memory_space<vmem>>) target_semaphore(%arg15 : memref<!tpu.dma_semaphore, #tpu.memory_space<semaphore_mem>>)
        } else {
        }
      } else {
      }
      tpu.wait_dma2 semaphore(%arg17 : memref<!tpu.dma_semaphore, #tpu.memory_space<semaphore_mem>>) src(%arg4 : memref<128x128xf32, #tpu.memory_space<hbm>>) dst(%arg9 : memref<128x128xf32, #tpu.memory_space<vmem>>)
      %dma_start3A_458 = arith.constant 2 : i32
      %dma_start3A_459 = arith.constant 1 : i32
      %dma_start3A_460 = arith.constant 0 : i32
      %dma_start3A_461 = tpu.memref_slice %arg6[%dma_start3A_458, %dma_start3A_459, %dma_start3A_460] : memref<4x2x128xi32, #tpu.memory_space<vmem>> -> memref<1x1x128xi32, #tpu.memory_space<vmem>>
      %dma_start3A_462 = tpu.memref_squeeze %dma_start3A_461 : memref<1x1x128xi32, #tpu.memory_space<vmem>> -> memref<128xi32, #tpu.memory_space<vmem>>
      %dma_start3A_463 = arith.constant 0 : i32
      %dma_start3A_464 = arith.constant 0 : i32
      %dma_start3A_465 = tpu.memref_slice %arg10[%dma_start3A_463, %dma_start3A_464] : memref<10104x128xf32, #tpu.memory_space<vmem_shared>> -> memref<10104x128xf32, #tpu.memory_space<vmem_shared>>
      tpu.enqueue_indirect_dma source(%arg9 : memref<128x128xf32, #tpu.memory_space<vmem>>) target(%dma_start3A_465 : memref<10104x128xf32, #tpu.memory_space<vmem_shared>>) offsets(%dma_start3A_462 : memref<128xi32, #tpu.memory_space<vmem>>) semaphore(%arg20 : memref<!tpu.dma_semaphore, #tpu.memory_space<semaphore_mem>>) {add = true}
      %add3A_466 = arith.constant 3 : i32
      %add3A_467 = arith.addi %mul3A_378, %add3A_466 : i32
      %ge3A_468 = arith.constant 2 : i32
      %ge3A_469 = arith.cmpi sge, %add3A_467, %ge3A_468 : i32
      %convert_element_type3A_470 = arith.extui %ge3A_469 : i1 to i32
      %cond3A_471 = arith.constant 0 : i32
      %cond3A_472 = arith.cmpi ne, %convert_element_type3A_470, %cond3A_471 : i32
      scf.if %cond3A_472 {
        %dma_wait3A_727 = arith.constant 1 : i32
        %dma_wait3A_728 = arith.constant 1 : i32
        %dma_wait3A_729 = arith.constant 0 : i32
        %dma_wait3A_730 = tpu.memref_slice %arg6[%dma_wait3A_727, %dma_wait3A_728, %dma_wait3A_729] : memref<4x2x128xi32, #tpu.memory_space<vmem>> -> memref<1x1x128xi32, #tpu.memory_space<vmem>>
        %dma_wait3A_731 = tpu.memref_squeeze %dma_wait3A_730 : memref<1x1x128xi32, #tpu.memory_space<vmem>> -> memref<128xi32, #tpu.memory_space<vmem>>
        %dma_wait3A_732 = arith.constant 0 : i32
        %dma_wait3A_733 = arith.constant 0 : i32
        %dma_wait3A_734 = tpu.memref_slice %arg10[%dma_wait3A_732, %dma_wait3A_733] : memref<10104x128xf32, #tpu.memory_space<vmem_shared>> -> memref<10104x128xf32, #tpu.memory_space<vmem_shared>>
        tpu.wait_indirect_dma semaphore(%arg19 : memref<!tpu.dma_semaphore, #tpu.memory_space<semaphore_mem>>) src(%arg8 : memref<128x128xf32, #tpu.memory_space<vmem>>) dst(%dma_wait3A_734 : memref<10104x128xf32, #tpu.memory_space<vmem_shared>>)
      } else {
      }
      %add3A_473 = arith.constant 2 : i32
      %add3A_474 = arith.addi %add3A_467, %add3A_473 : i32
      %lt3A_475 = arith.constant 79 : i32
      %lt3A_476 = arith.cmpi slt, %add3A_474, %lt3A_475 : i32
      %convert_element_type3A_477 = arith.extui %lt3A_476 : i1 to i32
      %cond3A_478 = arith.constant 0 : i32
      %cond3A_479 = arith.cmpi ne, %convert_element_type3A_477, %cond3A_478 : i32
      scf.if %cond3A_479 {
        %add3A_727 = arith.constant 2 : i32
        %add3A_728 = arith.addi %add3A_467, %add3A_727 : i32
        %add3A_729 = arith.addi %select_n3A, %add3A_728 : i32
        %eq3A_730 = arith.constant 78 : i32
        %eq3A_731 = arith.cmpi eq, %add3A_728, %eq3A_730 : i32
        %and3A_732 = arith.andi %eq3A_48, %eq3A_731 : i1
        %select_n3A_733 = arith.select %and3A_732, %select_n3A, %add3A_729 : i32
        %mul3A_734 = arith.constant 128 : i32
        %mul3A_735 = arith.muli %select_n3A_733, %mul3A_734 : i32
        %dma_start3A_736 = arith.constant 1 : i32
        %dma_start3A_737 = arith.constant 0 : i32
        %dma_start3A_738 = arith.constant 0 : i32
        %dma_start3A_739 = tpu.memref_slice %arg6[%dma_start3A_736, %dma_start3A_737, %dma_start3A_738] : memref<4x2x128xi32, #tpu.memory_space<vmem>> -> memref<1x2x128xi32, #tpu.memory_space<vmem>>
        %dma_start3A_740 = tpu.memref_squeeze %dma_start3A_739 : memref<1x2x128xi32, #tpu.memory_space<vmem>> -> memref<2x128xi32, #tpu.memory_space<vmem>>
        %dma_start3A_741 = arith.constant 0 : i32
        %dma_start3A_742 = tpu.memref_slice %arg3[%dma_start3A_741, %mul3A_735] : memref<2x320000xi32, #tpu.memory_space<hbm>> -> memref<2x128xi32, #tpu.memory_space<hbm>>
        %dma_start3A_743 = arith.constant 0 : i32
        %dma_start3A_744 = arith.constant 0 : i32
        %dma_start3A_745 = tpu.memref_slice %arg6[%dma_start3A_736, %dma_start3A_743, %dma_start3A_744] : memref<4x2x128xi32, #tpu.memory_space<vmem>> -> memref<1x2x128xi32, #tpu.memory_space<vmem>>
        %dma_start3A_746 = tpu.memref_squeeze %dma_start3A_745 : memref<1x2x128xi32, #tpu.memory_space<vmem>> -> memref<2x128xi32, #tpu.memory_space<vmem>>
        %dma_start3A_747 = arith.constant 0 : i32
        %dma_start3A_748 = tpu.memref_slice %arg3[%dma_start3A_747, %mul3A_735] : memref<2x320000xi32, #tpu.memory_space<hbm>> -> memref<2x128xi32, #tpu.memory_space<hbm>>
        tpu.enqueue_dma source(%dma_start3A_748 : memref<2x128xi32, #tpu.memory_space<hbm>>) target(%dma_start3A_746 : memref<2x128xi32, #tpu.memory_space<vmem>>) target_semaphore(%arg12 : memref<!tpu.dma_semaphore, #tpu.memory_space<semaphore_mem>>)
      } else {
      }
      %add3A_480 = arith.constant 1 : i32
      %add3A_481 = arith.addi %add3A_467, %add3A_480 : i32
      %lt3A_482 = arith.constant 79 : i32
      %lt3A_483 = arith.cmpi slt, %add3A_481, %lt3A_482 : i32
      %convert_element_type3A_484 = arith.extui %lt3A_483 : i1 to i32
      %cond3A_485 = arith.constant 0 : i32
      %cond3A_486 = arith.cmpi ne, %convert_element_type3A_484, %cond3A_485 : i32
      scf.if %cond3A_486 {
        %add3A_727 = arith.constant 1 : i32
        %add3A_728 = arith.addi %add3A_467, %add3A_727 : i32
        %dma_wait3A_729 = arith.constant 0 : i32
        %dma_wait3A_730 = arith.constant 0 : i32
        %dma_wait3A_731 = arith.constant 0 : i32
        %dma_wait3A_732 = tpu.memref_slice %arg6[%dma_wait3A_729, %dma_wait3A_730, %dma_wait3A_731] : memref<4x2x128xi32, #tpu.memory_space<vmem>> -> memref<1x2x128xi32, #tpu.memory_space<vmem>>
        %dma_wait3A_733 = tpu.memref_squeeze %dma_wait3A_732 : memref<1x2x128xi32, #tpu.memory_space<vmem>> -> memref<2x128xi32, #tpu.memory_space<vmem>>
        %dma_wait3A_734 = arith.constant 0 : i32
        %dma_wait3A_735 = arith.constant 0 : i32
        %dma_wait3A_736 = tpu.memref_slice %arg3[%dma_wait3A_734, %dma_wait3A_735] : memref<2x320000xi32, #tpu.memory_space<hbm>> -> memref<2x128xi32, #tpu.memory_space<hbm>>
        %dma_wait3A_737 = arith.constant 0 : i32
        %dma_wait3A_738 = arith.constant 0 : i32
        %dma_wait3A_739 = tpu.memref_slice %arg6[%dma_wait3A_729, %dma_wait3A_737, %dma_wait3A_738] : memref<4x2x128xi32, #tpu.memory_space<vmem>> -> memref<1x2x128xi32, #tpu.memory_space<vmem>>
        %dma_wait3A_740 = tpu.memref_squeeze %dma_wait3A_739 : memref<1x2x128xi32, #tpu.memory_space<vmem>> -> memref<2x128xi32, #tpu.memory_space<vmem>>
        %dma_wait3A_741 = arith.constant 0 : i32
        %dma_wait3A_742 = arith.constant 0 : i32
        %dma_wait3A_743 = tpu.memref_slice %arg3[%dma_wait3A_741, %dma_wait3A_742] : memref<2x320000xi32, #tpu.memory_space<hbm>> -> memref<2x128xi32, #tpu.memory_space<hbm>>
        tpu.wait_dma2 semaphore(%arg11 : memref<!tpu.dma_semaphore, #tpu.memory_space<semaphore_mem>>) src(%dma_wait3A_743 : memref<2x128xi32, #tpu.memory_space<hbm>>) dst(%dma_wait3A_740 : memref<2x128xi32, #tpu.memory_space<vmem>>)
        %add3A_744 = arith.constant 1 : i32
        %add3A_745 = arith.addi %add3A_467, %add3A_744 : i32
        %eq3A_746 = arith.constant 78 : i32
        %eq3A_747 = arith.cmpi eq, %add3A_745, %eq3A_746 : i32
        %and3A_748 = arith.andi %eq3A_48, %eq3A_747 : i1
        %not3A = arith.constant true
        %not3A_749 = arith.xori %and3A_748, %not3A : i1
        %convert_element_type3A_750 = arith.extui %not3A_749 : i1 to i32
        %cond3A_751 = arith.constant 0 : i32
        %cond3A_752 = arith.cmpi ne, %convert_element_type3A_750, %cond3A_751 : i32
        scf.if %cond3A_752 {
          %dma_start3A_756 = arith.constant 0 : i32
          %dma_start3A_757 = arith.constant 0 : i32
          %dma_start3A_758 = arith.constant 0 : i32
          %dma_start3A_759 = tpu.memref_slice %arg6[%dma_start3A_756, %dma_start3A_757, %dma_start3A_758] : memref<4x2x128xi32, #tpu.memory_space<vmem>> -> memref<1x1x128xi32, #tpu.memory_space<vmem>>
          %dma_start3A_760 = tpu.memref_squeeze %dma_start3A_759 : memref<1x1x128xi32, #tpu.memory_space<vmem>> -> memref<128xi32, #tpu.memory_space<vmem>>
          %dma_start3A_761 = arith.constant 0 : i32
          %dma_start3A_762 = arith.constant 0 : i32
          %dma_start3A_763 = tpu.memref_slice %arg2[%dma_start3A_761, %dma_start3A_762] : memref<10000x128xf32, #tpu.memory_space<hbm>> -> memref<10000x128xf32, #tpu.memory_space<hbm>>
          tpu.enqueue_indirect_dma source(%dma_start3A_763 : memref<10000x128xf32, #tpu.memory_space<hbm>>) target(%arg8 : memref<128x128xf32, #tpu.memory_space<vmem>>) offsets(%dma_start3A_760 : memref<128xi32, #tpu.memory_space<vmem>>) semaphore(%arg16 : memref<!tpu.dma_semaphore, #tpu.memory_space<semaphore_mem>>)
        } else {
        }
        %convert_element_type3A_753 = arith.extui %and3A_748 : i1 to i32
        %cond3A_754 = arith.constant 0 : i32
        %cond3A_755 = arith.cmpi ne, %convert_element_type3A_753, %cond3A_754 : i32
        scf.if %cond3A_755 {
          tpu.enqueue_dma source(%arg4 : memref<128x128xf32, #tpu.memory_space<hbm>>) target(%arg8 : memref<128x128xf32, #tpu.memory_space<vmem>>) target_semaphore(%arg16 : memref<!tpu.dma_semaphore, #tpu.memory_space<semaphore_mem>>)
        } else {
        }
      } else {
      }
      tpu.wait_dma2 semaphore(%arg15 : memref<!tpu.dma_semaphore, #tpu.memory_space<semaphore_mem>>) src(%arg4 : memref<128x128xf32, #tpu.memory_space<hbm>>) dst(%arg7 : memref<128x128xf32, #tpu.memory_space<vmem>>)
      %dma_start3A_487 = arith.constant 3 : i32
      %dma_start3A_488 = arith.constant 1 : i32
      %dma_start3A_489 = arith.constant 0 : i32
      %dma_start3A_490 = tpu.memref_slice %arg6[%dma_start3A_487, %dma_start3A_488, %dma_start3A_489] : memref<4x2x128xi32, #tpu.memory_space<vmem>> -> memref<1x1x128xi32, #tpu.memory_space<vmem>>
      %dma_start3A_491 = tpu.memref_squeeze %dma_start3A_490 : memref<1x1x128xi32, #tpu.memory_space<vmem>> -> memref<128xi32, #tpu.memory_space<vmem>>
      %dma_start3A_492 = arith.constant 0 : i32
      %dma_start3A_493 = arith.constant 0 : i32
      %dma_start3A_494 = tpu.memref_slice %arg10[%dma_start3A_492, %dma_start3A_493] : memref<10104x128xf32, #tpu.memory_space<vmem_shared>> -> memref<10104x128xf32, #tpu.memory_space<vmem_shared>>
      tpu.enqueue_indirect_dma source(%arg7 : memref<128x128xf32, #tpu.memory_space<vmem>>) target(%dma_start3A_494 : memref<10104x128xf32, #tpu.memory_space<vmem_shared>>) offsets(%dma_start3A_491 : memref<128xi32, #tpu.memory_space<vmem>>) semaphore(%arg18 : memref<!tpu.dma_semaphore, #tpu.memory_space<semaphore_mem>>) {add = true}
      %add3A_495 = arith.constant 4 : i32
      %add3A_496 = arith.addi %mul3A_378, %add3A_495 : i32
      %ge3A_497 = arith.constant 2 : i32
      %ge3A_498 = arith.cmpi sge, %add3A_496, %ge3A_497 : i32
      %convert_element_type3A_499 = arith.extui %ge3A_498 : i1 to i32
      %cond3A_500 = arith.constant 0 : i32
      %cond3A_501 = arith.cmpi ne, %convert_element_type3A_499, %cond3A_500 : i32
      scf.if %cond3A_501 {
        %dma_wait3A_727 = arith.constant 2 : i32
        %dma_wait3A_728 = arith.constant 1 : i32
        %dma_wait3A_729 = arith.constant 0 : i32
        %dma_wait3A_730 = tpu.memref_slice %arg6[%dma_wait3A_727, %dma_wait3A_728, %dma_wait3A_729] : memref<4x2x128xi32, #tpu.memory_space<vmem>> -> memref<1x1x128xi32, #tpu.memory_space<vmem>>
        %dma_wait3A_731 = tpu.memref_squeeze %dma_wait3A_730 : memref<1x1x128xi32, #tpu.memory_space<vmem>> -> memref<128xi32, #tpu.memory_space<vmem>>
        %dma_wait3A_732 = arith.constant 0 : i32
        %dma_wait3A_733 = arith.constant 0 : i32
        %dma_wait3A_734 = tpu.memref_slice %arg10[%dma_wait3A_732, %dma_wait3A_733] : memref<10104x128xf32, #tpu.memory_space<vmem_shared>> -> memref<10104x128xf32, #tpu.memory_space<vmem_shared>>
        tpu.wait_indirect_dma semaphore(%arg20 : memref<!tpu.dma_semaphore, #tpu.memory_space<semaphore_mem>>) src(%arg9 : memref<128x128xf32, #tpu.memory_space<vmem>>) dst(%dma_wait3A_734 : memref<10104x128xf32, #tpu.memory_space<vmem_shared>>)
      } else {
      }
      %add3A_502 = arith.constant 2 : i32
      %add3A_503 = arith.addi %add3A_496, %add3A_502 : i32
      %lt3A_504 = arith.constant 79 : i32
      %lt3A_505 = arith.cmpi slt, %add3A_503, %lt3A_504 : i32
      %convert_element_type3A_506 = arith.extui %lt3A_505 : i1 to i32
      %cond3A_507 = arith.constant 0 : i32
      %cond3A_508 = arith.cmpi ne, %convert_element_type3A_506, %cond3A_507 : i32
      scf.if %cond3A_508 {
        %add3A_727 = arith.constant 2 : i32
        %add3A_728 = arith.addi %add3A_496, %add3A_727 : i32
        %add3A_729 = arith.addi %select_n3A, %add3A_728 : i32
        %eq3A_730 = arith.constant 78 : i32
        %eq3A_731 = arith.cmpi eq, %add3A_728, %eq3A_730 : i32
        %and3A_732 = arith.andi %eq3A_48, %eq3A_731 : i1
        %select_n3A_733 = arith.select %and3A_732, %select_n3A, %add3A_729 : i32
        %mul3A_734 = arith.constant 128 : i32
        %mul3A_735 = arith.muli %select_n3A_733, %mul3A_734 : i32
        %dma_start3A_736 = arith.constant 2 : i32
        %dma_start3A_737 = arith.constant 0 : i32
        %dma_start3A_738 = arith.constant 0 : i32
        %dma_start3A_739 = tpu.memref_slice %arg6[%dma_start3A_736, %dma_start3A_737, %dma_start3A_738] : memref<4x2x128xi32, #tpu.memory_space<vmem>> -> memref<1x2x128xi32, #tpu.memory_space<vmem>>
        %dma_start3A_740 = tpu.memref_squeeze %dma_start3A_739 : memref<1x2x128xi32, #tpu.memory_space<vmem>> -> memref<2x128xi32, #tpu.memory_space<vmem>>
        %dma_start3A_741 = arith.constant 0 : i32
        %dma_start3A_742 = tpu.memref_slice %arg3[%dma_start3A_741, %mul3A_735] : memref<2x320000xi32, #tpu.memory_space<hbm>> -> memref<2x128xi32, #tpu.memory_space<hbm>>
        %dma_start3A_743 = arith.constant 0 : i32
        %dma_start3A_744 = arith.constant 0 : i32
        %dma_start3A_745 = tpu.memref_slice %arg6[%dma_start3A_736, %dma_start3A_743, %dma_start3A_744] : memref<4x2x128xi32, #tpu.memory_space<vmem>> -> memref<1x2x128xi32, #tpu.memory_space<vmem>>
        %dma_start3A_746 = tpu.memref_squeeze %dma_start3A_745 : memref<1x2x128xi32, #tpu.memory_space<vmem>> -> memref<2x128xi32, #tpu.memory_space<vmem>>
        %dma_start3A_747 = arith.constant 0 : i32
        %dma_start3A_748 = tpu.memref_slice %arg3[%dma_start3A_747, %mul3A_735] : memref<2x320000xi32, #tpu.memory_space<hbm>> -> memref<2x128xi32, #tpu.memory_space<hbm>>
        tpu.enqueue_dma source(%dma_start3A_748 : memref<2x128xi32, #tpu.memory_space<hbm>>) target(%dma_start3A_746 : memref<2x128xi32, #tpu.memory_space<vmem>>) target_semaphore(%arg13 : memref<!tpu.dma_semaphore, #tpu.memory_space<semaphore_mem>>)
      } else {
      }
      %add3A_509 = arith.constant 1 : i32
      %add3A_510 = arith.addi %add3A_496, %add3A_509 : i32
      %lt3A_511 = arith.constant 79 : i32
      %lt3A_512 = arith.cmpi slt, %add3A_510, %lt3A_511 : i32
      %convert_element_type3A_513 = arith.extui %lt3A_512 : i1 to i32
      %cond3A_514 = arith.constant 0 : i32
      %cond3A_515 = arith.cmpi ne, %convert_element_type3A_513, %cond3A_514 : i32
      scf.if %cond3A_515 {
        %add3A_727 = arith.constant 1 : i32
        %add3A_728 = arith.addi %add3A_496, %add3A_727 : i32
        %dma_wait3A_729 = arith.constant 1 : i32
        %dma_wait3A_730 = arith.constant 0 : i32
        %dma_wait3A_731 = arith.constant 0 : i32
        %dma_wait3A_732 = tpu.memref_slice %arg6[%dma_wait3A_729, %dma_wait3A_730, %dma_wait3A_731] : memref<4x2x128xi32, #tpu.memory_space<vmem>> -> memref<1x2x128xi32, #tpu.memory_space<vmem>>
        %dma_wait3A_733 = tpu.memref_squeeze %dma_wait3A_732 : memref<1x2x128xi32, #tpu.memory_space<vmem>> -> memref<2x128xi32, #tpu.memory_space<vmem>>
        %dma_wait3A_734 = arith.constant 0 : i32
        %dma_wait3A_735 = arith.constant 0 : i32
        %dma_wait3A_736 = tpu.memref_slice %arg3[%dma_wait3A_734, %dma_wait3A_735] : memref<2x320000xi32, #tpu.memory_space<hbm>> -> memref<2x128xi32, #tpu.memory_space<hbm>>
        %dma_wait3A_737 = arith.constant 0 : i32
        %dma_wait3A_738 = arith.constant 0 : i32
        %dma_wait3A_739 = tpu.memref_slice %arg6[%dma_wait3A_729, %dma_wait3A_737, %dma_wait3A_738] : memref<4x2x128xi32, #tpu.memory_space<vmem>> -> memref<1x2x128xi32, #tpu.memory_space<vmem>>
        %dma_wait3A_740 = tpu.memref_squeeze %dma_wait3A_739 : memref<1x2x128xi32, #tpu.memory_space<vmem>> -> memref<2x128xi32, #tpu.memory_space<vmem>>
        %dma_wait3A_741 = arith.constant 0 : i32
        %dma_wait3A_742 = arith.constant 0 : i32
        %dma_wait3A_743 = tpu.memref_slice %arg3[%dma_wait3A_741, %dma_wait3A_742] : memref<2x320000xi32, #tpu.memory_space<hbm>> -> memref<2x128xi32, #tpu.memory_space<hbm>>
        tpu.wait_dma2 semaphore(%arg12 : memref<!tpu.dma_semaphore, #tpu.memory_space<semaphore_mem>>) src(%dma_wait3A_743 : memref<2x128xi32, #tpu.memory_space<hbm>>) dst(%dma_wait3A_740 : memref<2x128xi32, #tpu.memory_space<vmem>>)
        %add3A_744 = arith.constant 1 : i32
        %add3A_745 = arith.addi %add3A_496, %add3A_744 : i32
        %eq3A_746 = arith.constant 78 : i32
        %eq3A_747 = arith.cmpi eq, %add3A_745, %eq3A_746 : i32
        %and3A_748 = arith.andi %eq3A_48, %eq3A_747 : i1
        %not3A = arith.constant true
        %not3A_749 = arith.xori %and3A_748, %not3A : i1
        %convert_element_type3A_750 = arith.extui %not3A_749 : i1 to i32
        %cond3A_751 = arith.constant 0 : i32
        %cond3A_752 = arith.cmpi ne, %convert_element_type3A_750, %cond3A_751 : i32
        scf.if %cond3A_752 {
          %dma_start3A_756 = arith.constant 1 : i32
          %dma_start3A_757 = arith.constant 0 : i32
          %dma_start3A_758 = arith.constant 0 : i32
          %dma_start3A_759 = tpu.memref_slice %arg6[%dma_start3A_756, %dma_start3A_757, %dma_start3A_758] : memref<4x2x128xi32, #tpu.memory_space<vmem>> -> memref<1x1x128xi32, #tpu.memory_space<vmem>>
          %dma_start3A_760 = tpu.memref_squeeze %dma_start3A_759 : memref<1x1x128xi32, #tpu.memory_space<vmem>> -> memref<128xi32, #tpu.memory_space<vmem>>
          %dma_start3A_761 = arith.constant 0 : i32
          %dma_start3A_762 = arith.constant 0 : i32
          %dma_start3A_763 = tpu.memref_slice %arg2[%dma_start3A_761, %dma_start3A_762] : memref<10000x128xf32, #tpu.memory_space<hbm>> -> memref<10000x128xf32, #tpu.memory_space<hbm>>
          tpu.enqueue_indirect_dma source(%dma_start3A_763 : memref<10000x128xf32, #tpu.memory_space<hbm>>) target(%arg9 : memref<128x128xf32, #tpu.memory_space<vmem>>) offsets(%dma_start3A_760 : memref<128xi32, #tpu.memory_space<vmem>>) semaphore(%arg17 : memref<!tpu.dma_semaphore, #tpu.memory_space<semaphore_mem>>)
        } else {
        }
        %convert_element_type3A_753 = arith.extui %and3A_748 : i1 to i32
        %cond3A_754 = arith.constant 0 : i32
        %cond3A_755 = arith.cmpi ne, %convert_element_type3A_753, %cond3A_754 : i32
        scf.if %cond3A_755 {
          tpu.enqueue_dma source(%arg4 : memref<128x128xf32, #tpu.memory_space<hbm>>) target(%arg9 : memref<128x128xf32, #tpu.memory_space<vmem>>) target_semaphore(%arg17 : memref<!tpu.dma_semaphore, #tpu.memory_space<semaphore_mem>>)
        } else {
        }
      } else {
      }
      tpu.wait_dma2 semaphore(%arg16 : memref<!tpu.dma_semaphore, #tpu.memory_space<semaphore_mem>>) src(%arg4 : memref<128x128xf32, #tpu.memory_space<hbm>>) dst(%arg8 : memref<128x128xf32, #tpu.memory_space<vmem>>)
      %dma_start3A_516 = arith.constant 0 : i32
      %dma_start3A_517 = arith.constant 1 : i32
      %dma_start3A_518 = arith.constant 0 : i32
      %dma_start3A_519 = tpu.memref_slice %arg6[%dma_start3A_516, %dma_start3A_517, %dma_start3A_518] : memref<4x2x128xi32, #tpu.memory_space<vmem>> -> memref<1x1x128xi32, #tpu.memory_space<vmem>>
      %dma_start3A_520 = tpu.memref_squeeze %dma_start3A_519 : memref<1x1x128xi32, #tpu.memory_space<vmem>> -> memref<128xi32, #tpu.memory_space<vmem>>
      %dma_start3A_521 = arith.constant 0 : i32
      %dma_start3A_522 = arith.constant 0 : i32
      %dma_start3A_523 = tpu.memref_slice %arg10[%dma_start3A_521, %dma_start3A_522] : memref<10104x128xf32, #tpu.memory_space<vmem_shared>> -> memref<10104x128xf32, #tpu.memory_space<vmem_shared>>
      tpu.enqueue_indirect_dma source(%arg8 : memref<128x128xf32, #tpu.memory_space<vmem>>) target(%dma_start3A_523 : memref<10104x128xf32, #tpu.memory_space<vmem_shared>>) offsets(%dma_start3A_520 : memref<128xi32, #tpu.memory_space<vmem>>) semaphore(%arg19 : memref<!tpu.dma_semaphore, #tpu.memory_space<semaphore_mem>>) {add = true}
      %add3A_524 = arith.constant 5 : i32
      %add3A_525 = arith.addi %mul3A_378, %add3A_524 : i32
      %ge3A_526 = arith.constant 2 : i32
      %ge3A_527 = arith.cmpi sge, %add3A_525, %ge3A_526 : i32
      %convert_element_type3A_528 = arith.extui %ge3A_527 : i1 to i32
      %cond3A_529 = arith.constant 0 : i32
      %cond3A_530 = arith.cmpi ne, %convert_element_type3A_528, %cond3A_529 : i32
      scf.if %cond3A_530 {
        %dma_wait3A_727 = arith.constant 3 : i32
        %dma_wait3A_728 = arith.constant 1 : i32
        %dma_wait3A_729 = arith.constant 0 : i32
        %dma_wait3A_730 = tpu.memref_slice %arg6[%dma_wait3A_727, %dma_wait3A_728, %dma_wait3A_729] : memref<4x2x128xi32, #tpu.memory_space<vmem>> -> memref<1x1x128xi32, #tpu.memory_space<vmem>>
        %dma_wait3A_731 = tpu.memref_squeeze %dma_wait3A_730 : memref<1x1x128xi32, #tpu.memory_space<vmem>> -> memref<128xi32, #tpu.memory_space<vmem>>
        %dma_wait3A_732 = arith.constant 0 : i32
        %dma_wait3A_733 = arith.constant 0 : i32
        %dma_wait3A_734 = tpu.memref_slice %arg10[%dma_wait3A_732, %dma_wait3A_733] : memref<10104x128xf32, #tpu.memory_space<vmem_shared>> -> memref<10104x128xf32, #tpu.memory_space<vmem_shared>>
        tpu.wait_indirect_dma semaphore(%arg18 : memref<!tpu.dma_semaphore, #tpu.memory_space<semaphore_mem>>) src(%arg7 : memref<128x128xf32, #tpu.memory_space<vmem>>) dst(%dma_wait3A_734 : memref<10104x128xf32, #tpu.memory_space<vmem_shared>>)
      } else {
      }
      %add3A_531 = arith.constant 2 : i32
      %add3A_532 = arith.addi %add3A_525, %add3A_531 : i32
      %lt3A_533 = arith.constant 79 : i32
      %lt3A_534 = arith.cmpi slt, %add3A_532, %lt3A_533 : i32
      %convert_element_type3A_535 = arith.extui %lt3A_534 : i1 to i32
      %cond3A_536 = arith.constant 0 : i32
      %cond3A_537 = arith.cmpi ne, %convert_element_type3A_535, %cond3A_536 : i32
      scf.if %cond3A_537 {
        %add3A_727 = arith.constant 2 : i32
        %add3A_728 = arith.addi %add3A_525, %add3A_727 : i32
        %add3A_729 = arith.addi %select_n3A, %add3A_728 : i32
        %eq3A_730 = arith.constant 78 : i32
        %eq3A_731 = arith.cmpi eq, %add3A_728, %eq3A_730 : i32
        %and3A_732 = arith.andi %eq3A_48, %eq3A_731 : i1
        %select_n3A_733 = arith.select %and3A_732, %select_n3A, %add3A_729 : i32
        %mul3A_734 = arith.constant 128 : i32
        %mul3A_735 = arith.muli %select_n3A_733, %mul3A_734 : i32
        %dma_start3A_736 = arith.constant 3 : i32
        %dma_start3A_737 = arith.constant 0 : i32
        %dma_start3A_738 = arith.constant 0 : i32
        %dma_start3A_739 = tpu.memref_slice %arg6[%dma_start3A_736, %dma_start3A_737, %dma_start3A_738] : memref<4x2x128xi32, #tpu.memory_space<vmem>> -> memref<1x2x128xi32, #tpu.memory_space<vmem>>
        %dma_start3A_740 = tpu.memref_squeeze %dma_start3A_739 : memref<1x2x128xi32, #tpu.memory_space<vmem>> -> memref<2x128xi32, #tpu.memory_space<vmem>>
        %dma_start3A_741 = arith.constant 0 : i32
        %dma_start3A_742 = tpu.memref_slice %arg3[%dma_start3A_741, %mul3A_735] : memref<2x320000xi32, #tpu.memory_space<hbm>> -> memref<2x128xi32, #tpu.memory_space<hbm>>
        %dma_start3A_743 = arith.constant 0 : i32
        %dma_start3A_744 = arith.constant 0 : i32
        %dma_start3A_745 = tpu.memref_slice %arg6[%dma_start3A_736, %dma_start3A_743, %dma_start3A_744] : memref<4x2x128xi32, #tpu.memory_space<vmem>> -> memref<1x2x128xi32, #tpu.memory_space<vmem>>
        %dma_start3A_746 = tpu.memref_squeeze %dma_start3A_745 : memref<1x2x128xi32, #tpu.memory_space<vmem>> -> memref<2x128xi32, #tpu.memory_space<vmem>>
        %dma_start3A_747 = arith.constant 0 : i32
        %dma_start3A_748 = tpu.memref_slice %arg3[%dma_start3A_747, %mul3A_735] : memref<2x320000xi32, #tpu.memory_space<hbm>> -> memref<2x128xi32, #tpu.memory_space<hbm>>
        tpu.enqueue_dma source(%dma_start3A_748 : memref<2x128xi32, #tpu.memory_space<hbm>>) target(%dma_start3A_746 : memref<2x128xi32, #tpu.memory_space<vmem>>) target_semaphore(%arg14 : memref<!tpu.dma_semaphore, #tpu.memory_space<semaphore_mem>>)
      } else {
      }
      %add3A_538 = arith.constant 1 : i32
      %add3A_539 = arith.addi %add3A_525, %add3A_538 : i32
      %lt3A_540 = arith.constant 79 : i32
      %lt3A_541 = arith.cmpi slt, %add3A_539, %lt3A_540 : i32
      %convert_element_type3A_542 = arith.extui %lt3A_541 : i1 to i32
      %cond3A_543 = arith.constant 0 : i32
      %cond3A_544 = arith.cmpi ne, %convert_element_type3A_542, %cond3A_543 : i32
      scf.if %cond3A_544 {
        %add3A_727 = arith.constant 1 : i32
        %add3A_728 = arith.addi %add3A_525, %add3A_727 : i32
        %dma_wait3A_729 = arith.constant 2 : i32
        %dma_wait3A_730 = arith.constant 0 : i32
        %dma_wait3A_731 = arith.constant 0 : i32
        %dma_wait3A_732 = tpu.memref_slice %arg6[%dma_wait3A_729, %dma_wait3A_730, %dma_wait3A_731] : memref<4x2x128xi32, #tpu.memory_space<vmem>> -> memref<1x2x128xi32, #tpu.memory_space<vmem>>
        %dma_wait3A_733 = tpu.memref_squeeze %dma_wait3A_732 : memref<1x2x128xi32, #tpu.memory_space<vmem>> -> memref<2x128xi32, #tpu.memory_space<vmem>>
        %dma_wait3A_734 = arith.constant 0 : i32
        %dma_wait3A_735 = arith.constant 0 : i32
        %dma_wait3A_736 = tpu.memref_slice %arg3[%dma_wait3A_734, %dma_wait3A_735] : memref<2x320000xi32, #tpu.memory_space<hbm>> -> memref<2x128xi32, #tpu.memory_space<hbm>>
        %dma_wait3A_737 = arith.constant 0 : i32
        %dma_wait3A_738 = arith.constant 0 : i32
        %dma_wait3A_739 = tpu.memref_slice %arg6[%dma_wait3A_729, %dma_wait3A_737, %dma_wait3A_738] : memref<4x2x128xi32, #tpu.memory_space<vmem>> -> memref<1x2x128xi32, #tpu.memory_space<vmem>>
        %dma_wait3A_740 = tpu.memref_squeeze %dma_wait3A_739 : memref<1x2x128xi32, #tpu.memory_space<vmem>> -> memref<2x128xi32, #tpu.memory_space<vmem>>
        %dma_wait3A_741 = arith.constant 0 : i32
        %dma_wait3A_742 = arith.constant 0 : i32
        %dma_wait3A_743 = tpu.memref_slice %arg3[%dma_wait3A_741, %dma_wait3A_742] : memref<2x320000xi32, #tpu.memory_space<hbm>> -> memref<2x128xi32, #tpu.memory_space<hbm>>
        tpu.wait_dma2 semaphore(%arg13 : memref<!tpu.dma_semaphore, #tpu.memory_space<semaphore_mem>>) src(%dma_wait3A_743 : memref<2x128xi32, #tpu.memory_space<hbm>>) dst(%dma_wait3A_740 : memref<2x128xi32, #tpu.memory_space<vmem>>)
        %add3A_744 = arith.constant 1 : i32
        %add3A_745 = arith.addi %add3A_525, %add3A_744 : i32
        %eq3A_746 = arith.constant 78 : i32
        %eq3A_747 = arith.cmpi eq, %add3A_745, %eq3A_746 : i32
        %and3A_748 = arith.andi %eq3A_48, %eq3A_747 : i1
        %not3A = arith.constant true
        %not3A_749 = arith.xori %and3A_748, %not3A : i1
        %convert_element_type3A_750 = arith.extui %not3A_749 : i1 to i32
        %cond3A_751 = arith.constant 0 : i32
        %cond3A_752 = arith.cmpi ne, %convert_element_type3A_750, %cond3A_751 : i32
        scf.if %cond3A_752 {
          %dma_start3A_756 = arith.constant 2 : i32
          %dma_start3A_757 = arith.constant 0 : i32
          %dma_start3A_758 = arith.constant 0 : i32
          %dma_start3A_759 = tpu.memref_slice %arg6[%dma_start3A_756, %dma_start3A_757, %dma_start3A_758] : memref<4x2x128xi32, #tpu.memory_space<vmem>> -> memref<1x1x128xi32, #tpu.memory_space<vmem>>
          %dma_start3A_760 = tpu.memref_squeeze %dma_start3A_759 : memref<1x1x128xi32, #tpu.memory_space<vmem>> -> memref<128xi32, #tpu.memory_space<vmem>>
          %dma_start3A_761 = arith.constant 0 : i32
          %dma_start3A_762 = arith.constant 0 : i32
          %dma_start3A_763 = tpu.memref_slice %arg2[%dma_start3A_761, %dma_start3A_762] : memref<10000x128xf32, #tpu.memory_space<hbm>> -> memref<10000x128xf32, #tpu.memory_space<hbm>>
          tpu.enqueue_indirect_dma source(%dma_start3A_763 : memref<10000x128xf32, #tpu.memory_space<hbm>>) target(%arg7 : memref<128x128xf32, #tpu.memory_space<vmem>>) offsets(%dma_start3A_760 : memref<128xi32, #tpu.memory_space<vmem>>) semaphore(%arg15 : memref<!tpu.dma_semaphore, #tpu.memory_space<semaphore_mem>>)
        } else {
        }
        %convert_element_type3A_753 = arith.extui %and3A_748 : i1 to i32
        %cond3A_754 = arith.constant 0 : i32
        %cond3A_755 = arith.cmpi ne, %convert_element_type3A_753, %cond3A_754 : i32
        scf.if %cond3A_755 {
          tpu.enqueue_dma source(%arg4 : memref<128x128xf32, #tpu.memory_space<hbm>>) target(%arg7 : memref<128x128xf32, #tpu.memory_space<vmem>>) target_semaphore(%arg15 : memref<!tpu.dma_semaphore, #tpu.memory_space<semaphore_mem>>)
        } else {
        }
      } else {
      }
      tpu.wait_dma2 semaphore(%arg17 : memref<!tpu.dma_semaphore, #tpu.memory_space<semaphore_mem>>) src(%arg4 : memref<128x128xf32, #tpu.memory_space<hbm>>) dst(%arg9 : memref<128x128xf32, #tpu.memory_space<vmem>>)
      %dma_start3A_545 = arith.constant 1 : i32
      %dma_start3A_546 = arith.constant 1 : i32
      %dma_start3A_547 = arith.constant 0 : i32
      %dma_start3A_548 = tpu.memref_slice %arg6[%dma_start3A_545, %dma_start3A_546, %dma_start3A_547] : memref<4x2x128xi32, #tpu.memory_space<vmem>> -> memref<1x1x128xi32, #tpu.memory_space<vmem>>
      %dma_start3A_549 = tpu.memref_squeeze %dma_start3A_548 : memref<1x1x128xi32, #tpu.memory_space<vmem>> -> memref<128xi32, #tpu.memory_space<vmem>>
      %dma_start3A_550 = arith.constant 0 : i32
      %dma_start3A_551 = arith.constant 0 : i32
      %dma_start3A_552 = tpu.memref_slice %arg10[%dma_start3A_550, %dma_start3A_551] : memref<10104x128xf32, #tpu.memory_space<vmem_shared>> -> memref<10104x128xf32, #tpu.memory_space<vmem_shared>>
      tpu.enqueue_indirect_dma source(%arg9 : memref<128x128xf32, #tpu.memory_space<vmem>>) target(%dma_start3A_552 : memref<10104x128xf32, #tpu.memory_space<vmem_shared>>) offsets(%dma_start3A_549 : memref<128xi32, #tpu.memory_space<vmem>>) semaphore(%arg20 : memref<!tpu.dma_semaphore, #tpu.memory_space<semaphore_mem>>) {add = true}
      %add3A_553 = arith.constant 6 : i32
      %add3A_554 = arith.addi %mul3A_378, %add3A_553 : i32
      %ge3A_555 = arith.constant 2 : i32
      %ge3A_556 = arith.cmpi sge, %add3A_554, %ge3A_555 : i32
      %convert_element_type3A_557 = arith.extui %ge3A_556 : i1 to i32
      %cond3A_558 = arith.constant 0 : i32
      %cond3A_559 = arith.cmpi ne, %convert_element_type3A_557, %cond3A_558 : i32
      scf.if %cond3A_559 {
        %dma_wait3A_727 = arith.constant 0 : i32
        %dma_wait3A_728 = arith.constant 1 : i32
        %dma_wait3A_729 = arith.constant 0 : i32
        %dma_wait3A_730 = tpu.memref_slice %arg6[%dma_wait3A_727, %dma_wait3A_728, %dma_wait3A_729] : memref<4x2x128xi32, #tpu.memory_space<vmem>> -> memref<1x1x128xi32, #tpu.memory_space<vmem>>
        %dma_wait3A_731 = tpu.memref_squeeze %dma_wait3A_730 : memref<1x1x128xi32, #tpu.memory_space<vmem>> -> memref<128xi32, #tpu.memory_space<vmem>>
        %dma_wait3A_732 = arith.constant 0 : i32
        %dma_wait3A_733 = arith.constant 0 : i32
        %dma_wait3A_734 = tpu.memref_slice %arg10[%dma_wait3A_732, %dma_wait3A_733] : memref<10104x128xf32, #tpu.memory_space<vmem_shared>> -> memref<10104x128xf32, #tpu.memory_space<vmem_shared>>
        tpu.wait_indirect_dma semaphore(%arg19 : memref<!tpu.dma_semaphore, #tpu.memory_space<semaphore_mem>>) src(%arg8 : memref<128x128xf32, #tpu.memory_space<vmem>>) dst(%dma_wait3A_734 : memref<10104x128xf32, #tpu.memory_space<vmem_shared>>)
      } else {
      }
      %add3A_560 = arith.constant 2 : i32
      %add3A_561 = arith.addi %add3A_554, %add3A_560 : i32
      %lt3A_562 = arith.constant 79 : i32
      %lt3A_563 = arith.cmpi slt, %add3A_561, %lt3A_562 : i32
      %convert_element_type3A_564 = arith.extui %lt3A_563 : i1 to i32
      %cond3A_565 = arith.constant 0 : i32
      %cond3A_566 = arith.cmpi ne, %convert_element_type3A_564, %cond3A_565 : i32
      scf.if %cond3A_566 {
        %add3A_727 = arith.constant 2 : i32
        %add3A_728 = arith.addi %add3A_554, %add3A_727 : i32
        %add3A_729 = arith.addi %select_n3A, %add3A_728 : i32
        %eq3A_730 = arith.constant 78 : i32
        %eq3A_731 = arith.cmpi eq, %add3A_728, %eq3A_730 : i32
        %and3A_732 = arith.andi %eq3A_48, %eq3A_731 : i1
        %select_n3A_733 = arith.select %and3A_732, %select_n3A, %add3A_729 : i32
        %mul3A_734 = arith.constant 128 : i32
        %mul3A_735 = arith.muli %select_n3A_733, %mul3A_734 : i32
        %dma_start3A_736 = arith.constant 0 : i32
        %dma_start3A_737 = arith.constant 0 : i32
        %dma_start3A_738 = arith.constant 0 : i32
        %dma_start3A_739 = tpu.memref_slice %arg6[%dma_start3A_736, %dma_start3A_737, %dma_start3A_738] : memref<4x2x128xi32, #tpu.memory_space<vmem>> -> memref<1x2x128xi32, #tpu.memory_space<vmem>>
        %dma_start3A_740 = tpu.memref_squeeze %dma_start3A_739 : memref<1x2x128xi32, #tpu.memory_space<vmem>> -> memref<2x128xi32, #tpu.memory_space<vmem>>
        %dma_start3A_741 = arith.constant 0 : i32
        %dma_start3A_742 = tpu.memref_slice %arg3[%dma_start3A_741, %mul3A_735] : memref<2x320000xi32, #tpu.memory_space<hbm>> -> memref<2x128xi32, #tpu.memory_space<hbm>>
        %dma_start3A_743 = arith.constant 0 : i32
        %dma_start3A_744 = arith.constant 0 : i32
        %dma_start3A_745 = tpu.memref_slice %arg6[%dma_start3A_736, %dma_start3A_743, %dma_start3A_744] : memref<4x2x128xi32, #tpu.memory_space<vmem>> -> memref<1x2x128xi32, #tpu.memory_space<vmem>>
        %dma_start3A_746 = tpu.memref_squeeze %dma_start3A_745 : memref<1x2x128xi32, #tpu.memory_space<vmem>> -> memref<2x128xi32, #tpu.memory_space<vmem>>
        %dma_start3A_747 = arith.constant 0 : i32
        %dma_start3A_748 = tpu.memref_slice %arg3[%dma_start3A_747, %mul3A_735] : memref<2x320000xi32, #tpu.memory_space<hbm>> -> memref<2x128xi32, #tpu.memory_space<hbm>>
        tpu.enqueue_dma source(%dma_start3A_748 : memref<2x128xi32, #tpu.memory_space<hbm>>) target(%dma_start3A_746 : memref<2x128xi32, #tpu.memory_space<vmem>>) target_semaphore(%arg11 : memref<!tpu.dma_semaphore, #tpu.memory_space<semaphore_mem>>)
      } else {
      }
      %add3A_567 = arith.constant 1 : i32
      %add3A_568 = arith.addi %add3A_554, %add3A_567 : i32
      %lt3A_569 = arith.constant 79 : i32
      %lt3A_570 = arith.cmpi slt, %add3A_568, %lt3A_569 : i32
      %convert_element_type3A_571 = arith.extui %lt3A_570 : i1 to i32
      %cond3A_572 = arith.constant 0 : i32
      %cond3A_573 = arith.cmpi ne, %convert_element_type3A_571, %cond3A_572 : i32
      scf.if %cond3A_573 {
        %add3A_727 = arith.constant 1 : i32
        %add3A_728 = arith.addi %add3A_554, %add3A_727 : i32
        %dma_wait3A_729 = arith.constant 3 : i32
        %dma_wait3A_730 = arith.constant 0 : i32
        %dma_wait3A_731 = arith.constant 0 : i32
        %dma_wait3A_732 = tpu.memref_slice %arg6[%dma_wait3A_729, %dma_wait3A_730, %dma_wait3A_731] : memref<4x2x128xi32, #tpu.memory_space<vmem>> -> memref<1x2x128xi32, #tpu.memory_space<vmem>>
        %dma_wait3A_733 = tpu.memref_squeeze %dma_wait3A_732 : memref<1x2x128xi32, #tpu.memory_space<vmem>> -> memref<2x128xi32, #tpu.memory_space<vmem>>
        %dma_wait3A_734 = arith.constant 0 : i32
        %dma_wait3A_735 = arith.constant 0 : i32
        %dma_wait3A_736 = tpu.memref_slice %arg3[%dma_wait3A_734, %dma_wait3A_735] : memref<2x320000xi32, #tpu.memory_space<hbm>> -> memref<2x128xi32, #tpu.memory_space<hbm>>
        %dma_wait3A_737 = arith.constant 0 : i32
        %dma_wait3A_738 = arith.constant 0 : i32
        %dma_wait3A_739 = tpu.memref_slice %arg6[%dma_wait3A_729, %dma_wait3A_737, %dma_wait3A_738] : memref<4x2x128xi32, #tpu.memory_space<vmem>> -> memref<1x2x128xi32, #tpu.memory_space<vmem>>
        %dma_wait3A_740 = tpu.memref_squeeze %dma_wait3A_739 : memref<1x2x128xi32, #tpu.memory_space<vmem>> -> memref<2x128xi32, #tpu.memory_space<vmem>>
        %dma_wait3A_741 = arith.constant 0 : i32
        %dma_wait3A_742 = arith.constant 0 : i32
        %dma_wait3A_743 = tpu.memref_slice %arg3[%dma_wait3A_741, %dma_wait3A_742] : memref<2x320000xi32, #tpu.memory_space<hbm>> -> memref<2x128xi32, #tpu.memory_space<hbm>>
        tpu.wait_dma2 semaphore(%arg14 : memref<!tpu.dma_semaphore, #tpu.memory_space<semaphore_mem>>) src(%dma_wait3A_743 : memref<2x128xi32, #tpu.memory_space<hbm>>) dst(%dma_wait3A_740 : memref<2x128xi32, #tpu.memory_space<vmem>>)
        %add3A_744 = arith.constant 1 : i32
        %add3A_745 = arith.addi %add3A_554, %add3A_744 : i32
        %eq3A_746 = arith.constant 78 : i32
        %eq3A_747 = arith.cmpi eq, %add3A_745, %eq3A_746 : i32
        %and3A_748 = arith.andi %eq3A_48, %eq3A_747 : i1
        %not3A = arith.constant true
        %not3A_749 = arith.xori %and3A_748, %not3A : i1
        %convert_element_type3A_750 = arith.extui %not3A_749 : i1 to i32
        %cond3A_751 = arith.constant 0 : i32
        %cond3A_752 = arith.cmpi ne, %convert_element_type3A_750, %cond3A_751 : i32
        scf.if %cond3A_752 {
          %dma_start3A_756 = arith.constant 3 : i32
          %dma_start3A_757 = arith.constant 0 : i32
          %dma_start3A_758 = arith.constant 0 : i32
          %dma_start3A_759 = tpu.memref_slice %arg6[%dma_start3A_756, %dma_start3A_757, %dma_start3A_758] : memref<4x2x128xi32, #tpu.memory_space<vmem>> -> memref<1x1x128xi32, #tpu.memory_space<vmem>>
          %dma_start3A_760 = tpu.memref_squeeze %dma_start3A_759 : memref<1x1x128xi32, #tpu.memory_space<vmem>> -> memref<128xi32, #tpu.memory_space<vmem>>
          %dma_start3A_761 = arith.constant 0 : i32
          %dma_start3A_762 = arith.constant 0 : i32
          %dma_start3A_763 = tpu.memref_slice %arg2[%dma_start3A_761, %dma_start3A_762] : memref<10000x128xf32, #tpu.memory_space<hbm>> -> memref<10000x128xf32, #tpu.memory_space<hbm>>
          tpu.enqueue_indirect_dma source(%dma_start3A_763 : memref<10000x128xf32, #tpu.memory_space<hbm>>) target(%arg8 : memref<128x128xf32, #tpu.memory_space<vmem>>) offsets(%dma_start3A_760 : memref<128xi32, #tpu.memory_space<vmem>>) semaphore(%arg16 : memref<!tpu.dma_semaphore, #tpu.memory_space<semaphore_mem>>)
        } else {
        }
        %convert_element_type3A_753 = arith.extui %and3A_748 : i1 to i32
        %cond3A_754 = arith.constant 0 : i32
        %cond3A_755 = arith.cmpi ne, %convert_element_type3A_753, %cond3A_754 : i32
        scf.if %cond3A_755 {
          tpu.enqueue_dma source(%arg4 : memref<128x128xf32, #tpu.memory_space<hbm>>) target(%arg8 : memref<128x128xf32, #tpu.memory_space<vmem>>) target_semaphore(%arg16 : memref<!tpu.dma_semaphore, #tpu.memory_space<semaphore_mem>>)
        } else {
        }
      } else {
      }
      tpu.wait_dma2 semaphore(%arg15 : memref<!tpu.dma_semaphore, #tpu.memory_space<semaphore_mem>>) src(%arg4 : memref<128x128xf32, #tpu.memory_space<hbm>>) dst(%arg7 : memref<128x128xf32, #tpu.memory_space<vmem>>)
      %dma_start3A_574 = arith.constant 2 : i32
      %dma_start3A_575 = arith.constant 1 : i32
      %dma_start3A_576 = arith.constant 0 : i32
      %dma_start3A_577 = tpu.memref_slice %arg6[%dma_start3A_574, %dma_start3A_575, %dma_start3A_576] : memref<4x2x128xi32, #tpu.memory_space<vmem>> -> memref<1x1x128xi32, #tpu.memory_space<vmem>>
      %dma_start3A_578 = tpu.memref_squeeze %dma_start3A_577 : memref<1x1x128xi32, #tpu.memory_space<vmem>> -> memref<128xi32, #tpu.memory_space<vmem>>
      %dma_start3A_579 = arith.constant 0 : i32
      %dma_start3A_580 = arith.constant 0 : i32
      %dma_start3A_581 = tpu.memref_slice %arg10[%dma_start3A_579, %dma_start3A_580] : memref<10104x128xf32, #tpu.memory_space<vmem_shared>> -> memref<10104x128xf32, #tpu.memory_space<vmem_shared>>
      tpu.enqueue_indirect_dma source(%arg7 : memref<128x128xf32, #tpu.memory_space<vmem>>) target(%dma_start3A_581 : memref<10104x128xf32, #tpu.memory_space<vmem_shared>>) offsets(%dma_start3A_578 : memref<128xi32, #tpu.memory_space<vmem>>) semaphore(%arg18 : memref<!tpu.dma_semaphore, #tpu.memory_space<semaphore_mem>>) {add = true}
      %add3A_582 = arith.constant 7 : i32
      %add3A_583 = arith.addi %mul3A_378, %add3A_582 : i32
      %ge3A_584 = arith.constant 2 : i32
      %ge3A_585 = arith.cmpi sge, %add3A_583, %ge3A_584 : i32
      %convert_element_type3A_586 = arith.extui %ge3A_585 : i1 to i32
      %cond3A_587 = arith.constant 0 : i32
      %cond3A_588 = arith.cmpi ne, %convert_element_type3A_586, %cond3A_587 : i32
      scf.if %cond3A_588 {
        %dma_wait3A_727 = arith.constant 1 : i32
        %dma_wait3A_728 = arith.constant 1 : i32
        %dma_wait3A_729 = arith.constant 0 : i32
        %dma_wait3A_730 = tpu.memref_slice %arg6[%dma_wait3A_727, %dma_wait3A_728, %dma_wait3A_729] : memref<4x2x128xi32, #tpu.memory_space<vmem>> -> memref<1x1x128xi32, #tpu.memory_space<vmem>>
        %dma_wait3A_731 = tpu.memref_squeeze %dma_wait3A_730 : memref<1x1x128xi32, #tpu.memory_space<vmem>> -> memref<128xi32, #tpu.memory_space<vmem>>
        %dma_wait3A_732 = arith.constant 0 : i32
        %dma_wait3A_733 = arith.constant 0 : i32
        %dma_wait3A_734 = tpu.memref_slice %arg10[%dma_wait3A_732, %dma_wait3A_733] : memref<10104x128xf32, #tpu.memory_space<vmem_shared>> -> memref<10104x128xf32, #tpu.memory_space<vmem_shared>>
        tpu.wait_indirect_dma semaphore(%arg20 : memref<!tpu.dma_semaphore, #tpu.memory_space<semaphore_mem>>) src(%arg9 : memref<128x128xf32, #tpu.memory_space<vmem>>) dst(%dma_wait3A_734 : memref<10104x128xf32, #tpu.memory_space<vmem_shared>>)
      } else {
      }
      %add3A_589 = arith.constant 2 : i32
      %add3A_590 = arith.addi %add3A_583, %add3A_589 : i32
      %lt3A_591 = arith.constant 79 : i32
      %lt3A_592 = arith.cmpi slt, %add3A_590, %lt3A_591 : i32
      %convert_element_type3A_593 = arith.extui %lt3A_592 : i1 to i32
      %cond3A_594 = arith.constant 0 : i32
      %cond3A_595 = arith.cmpi ne, %convert_element_type3A_593, %cond3A_594 : i32
      scf.if %cond3A_595 {
        %add3A_727 = arith.constant 2 : i32
        %add3A_728 = arith.addi %add3A_583, %add3A_727 : i32
        %add3A_729 = arith.addi %select_n3A, %add3A_728 : i32
        %eq3A_730 = arith.constant 78 : i32
        %eq3A_731 = arith.cmpi eq, %add3A_728, %eq3A_730 : i32
        %and3A_732 = arith.andi %eq3A_48, %eq3A_731 : i1
        %select_n3A_733 = arith.select %and3A_732, %select_n3A, %add3A_729 : i32
        %mul3A_734 = arith.constant 128 : i32
        %mul3A_735 = arith.muli %select_n3A_733, %mul3A_734 : i32
        %dma_start3A_736 = arith.constant 1 : i32
        %dma_start3A_737 = arith.constant 0 : i32
        %dma_start3A_738 = arith.constant 0 : i32
        %dma_start3A_739 = tpu.memref_slice %arg6[%dma_start3A_736, %dma_start3A_737, %dma_start3A_738] : memref<4x2x128xi32, #tpu.memory_space<vmem>> -> memref<1x2x128xi32, #tpu.memory_space<vmem>>
        %dma_start3A_740 = tpu.memref_squeeze %dma_start3A_739 : memref<1x2x128xi32, #tpu.memory_space<vmem>> -> memref<2x128xi32, #tpu.memory_space<vmem>>
        %dma_start3A_741 = arith.constant 0 : i32
        %dma_start3A_742 = tpu.memref_slice %arg3[%dma_start3A_741, %mul3A_735] : memref<2x320000xi32, #tpu.memory_space<hbm>> -> memref<2x128xi32, #tpu.memory_space<hbm>>
        %dma_start3A_743 = arith.constant 0 : i32
        %dma_start3A_744 = arith.constant 0 : i32
        %dma_start3A_745 = tpu.memref_slice %arg6[%dma_start3A_736, %dma_start3A_743, %dma_start3A_744] : memref<4x2x128xi32, #tpu.memory_space<vmem>> -> memref<1x2x128xi32, #tpu.memory_space<vmem>>
        %dma_start3A_746 = tpu.memref_squeeze %dma_start3A_745 : memref<1x2x128xi32, #tpu.memory_space<vmem>> -> memref<2x128xi32, #tpu.memory_space<vmem>>
        %dma_start3A_747 = arith.constant 0 : i32
        %dma_start3A_748 = tpu.memref_slice %arg3[%dma_start3A_747, %mul3A_735] : memref<2x320000xi32, #tpu.memory_space<hbm>> -> memref<2x128xi32, #tpu.memory_space<hbm>>
        tpu.enqueue_dma source(%dma_start3A_748 : memref<2x128xi32, #tpu.memory_space<hbm>>) target(%dma_start3A_746 : memref<2x128xi32, #tpu.memory_space<vmem>>) target_semaphore(%arg12 : memref<!tpu.dma_semaphore, #tpu.memory_space<semaphore_mem>>)
      } else {
      }
      %add3A_596 = arith.constant 1 : i32
      %add3A_597 = arith.addi %add3A_583, %add3A_596 : i32
      %lt3A_598 = arith.constant 79 : i32
      %lt3A_599 = arith.cmpi slt, %add3A_597, %lt3A_598 : i32
      %convert_element_type3A_600 = arith.extui %lt3A_599 : i1 to i32
      %cond3A_601 = arith.constant 0 : i32
      %cond3A_602 = arith.cmpi ne, %convert_element_type3A_600, %cond3A_601 : i32
      scf.if %cond3A_602 {
        %add3A_727 = arith.constant 1 : i32
        %add3A_728 = arith.addi %add3A_583, %add3A_727 : i32
        %dma_wait3A_729 = arith.constant 0 : i32
        %dma_wait3A_730 = arith.constant 0 : i32
        %dma_wait3A_731 = arith.constant 0 : i32
        %dma_wait3A_732 = tpu.memref_slice %arg6[%dma_wait3A_729, %dma_wait3A_730, %dma_wait3A_731] : memref<4x2x128xi32, #tpu.memory_space<vmem>> -> memref<1x2x128xi32, #tpu.memory_space<vmem>>
        %dma_wait3A_733 = tpu.memref_squeeze %dma_wait3A_732 : memref<1x2x128xi32, #tpu.memory_space<vmem>> -> memref<2x128xi32, #tpu.memory_space<vmem>>
        %dma_wait3A_734 = arith.constant 0 : i32
        %dma_wait3A_735 = arith.constant 0 : i32
        %dma_wait3A_736 = tpu.memref_slice %arg3[%dma_wait3A_734, %dma_wait3A_735] : memref<2x320000xi32, #tpu.memory_space<hbm>> -> memref<2x128xi32, #tpu.memory_space<hbm>>
        %dma_wait3A_737 = arith.constant 0 : i32
        %dma_wait3A_738 = arith.constant 0 : i32
        %dma_wait3A_739 = tpu.memref_slice %arg6[%dma_wait3A_729, %dma_wait3A_737, %dma_wait3A_738] : memref<4x2x128xi32, #tpu.memory_space<vmem>> -> memref<1x2x128xi32, #tpu.memory_space<vmem>>
        %dma_wait3A_740 = tpu.memref_squeeze %dma_wait3A_739 : memref<1x2x128xi32, #tpu.memory_space<vmem>> -> memref<2x128xi32, #tpu.memory_space<vmem>>
        %dma_wait3A_741 = arith.constant 0 : i32
        %dma_wait3A_742 = arith.constant 0 : i32
        %dma_wait3A_743 = tpu.memref_slice %arg3[%dma_wait3A_741, %dma_wait3A_742] : memref<2x320000xi32, #tpu.memory_space<hbm>> -> memref<2x128xi32, #tpu.memory_space<hbm>>
        tpu.wait_dma2 semaphore(%arg11 : memref<!tpu.dma_semaphore, #tpu.memory_space<semaphore_mem>>) src(%dma_wait3A_743 : memref<2x128xi32, #tpu.memory_space<hbm>>) dst(%dma_wait3A_740 : memref<2x128xi32, #tpu.memory_space<vmem>>)
        %add3A_744 = arith.constant 1 : i32
        %add3A_745 = arith.addi %add3A_583, %add3A_744 : i32
        %eq3A_746 = arith.constant 78 : i32
        %eq3A_747 = arith.cmpi eq, %add3A_745, %eq3A_746 : i32
        %and3A_748 = arith.andi %eq3A_48, %eq3A_747 : i1
        %not3A = arith.constant true
        %not3A_749 = arith.xori %and3A_748, %not3A : i1
        %convert_element_type3A_750 = arith.extui %not3A_749 : i1 to i32
        %cond3A_751 = arith.constant 0 : i32
        %cond3A_752 = arith.cmpi ne, %convert_element_type3A_750, %cond3A_751 : i32
        scf.if %cond3A_752 {
          %dma_start3A_756 = arith.constant 0 : i32
          %dma_start3A_757 = arith.constant 0 : i32
          %dma_start3A_758 = arith.constant 0 : i32
          %dma_start3A_759 = tpu.memref_slice %arg6[%dma_start3A_756, %dma_start3A_757, %dma_start3A_758] : memref<4x2x128xi32, #tpu.memory_space<vmem>> -> memref<1x1x128xi32, #tpu.memory_space<vmem>>
          %dma_start3A_760 = tpu.memref_squeeze %dma_start3A_759 : memref<1x1x128xi32, #tpu.memory_space<vmem>> -> memref<128xi32, #tpu.memory_space<vmem>>
          %dma_start3A_761 = arith.constant 0 : i32
          %dma_start3A_762 = arith.constant 0 : i32
          %dma_start3A_763 = tpu.memref_slice %arg2[%dma_start3A_761, %dma_start3A_762] : memref<10000x128xf32, #tpu.memory_space<hbm>> -> memref<10000x128xf32, #tpu.memory_space<hbm>>
          tpu.enqueue_indirect_dma source(%dma_start3A_763 : memref<10000x128xf32, #tpu.memory_space<hbm>>) target(%arg9 : memref<128x128xf32, #tpu.memory_space<vmem>>) offsets(%dma_start3A_760 : memref<128xi32, #tpu.memory_space<vmem>>) semaphore(%arg17 : memref<!tpu.dma_semaphore, #tpu.memory_space<semaphore_mem>>)
        } else {
        }
        %convert_element_type3A_753 = arith.extui %and3A_748 : i1 to i32
        %cond3A_754 = arith.constant 0 : i32
        %cond3A_755 = arith.cmpi ne, %convert_element_type3A_753, %cond3A_754 : i32
        scf.if %cond3A_755 {
          tpu.enqueue_dma source(%arg4 : memref<128x128xf32, #tpu.memory_space<hbm>>) target(%arg9 : memref<128x128xf32, #tpu.memory_space<vmem>>) target_semaphore(%arg17 : memref<!tpu.dma_semaphore, #tpu.memory_space<semaphore_mem>>)
        } else {
        }
      } else {
      }
      tpu.wait_dma2 semaphore(%arg16 : memref<!tpu.dma_semaphore, #tpu.memory_space<semaphore_mem>>) src(%arg4 : memref<128x128xf32, #tpu.memory_space<hbm>>) dst(%arg8 : memref<128x128xf32, #tpu.memory_space<vmem>>)
      %dma_start3A_603 = arith.constant 3 : i32
      %dma_start3A_604 = arith.constant 1 : i32
      %dma_start3A_605 = arith.constant 0 : i32
      %dma_start3A_606 = tpu.memref_slice %arg6[%dma_start3A_603, %dma_start3A_604, %dma_start3A_605] : memref<4x2x128xi32, #tpu.memory_space<vmem>> -> memref<1x1x128xi32, #tpu.memory_space<vmem>>
      %dma_start3A_607 = tpu.memref_squeeze %dma_start3A_606 : memref<1x1x128xi32, #tpu.memory_space<vmem>> -> memref<128xi32, #tpu.memory_space<vmem>>
      %dma_start3A_608 = arith.constant 0 : i32
      %dma_start3A_609 = arith.constant 0 : i32
      %dma_start3A_610 = tpu.memref_slice %arg10[%dma_start3A_608, %dma_start3A_609] : memref<10104x128xf32, #tpu.memory_space<vmem_shared>> -> memref<10104x128xf32, #tpu.memory_space<vmem_shared>>
      tpu.enqueue_indirect_dma source(%arg8 : memref<128x128xf32, #tpu.memory_space<vmem>>) target(%dma_start3A_610 : memref<10104x128xf32, #tpu.memory_space<vmem_shared>>) offsets(%dma_start3A_607 : memref<128xi32, #tpu.memory_space<vmem>>) semaphore(%arg19 : memref<!tpu.dma_semaphore, #tpu.memory_space<semaphore_mem>>) {add = true}
      %add3A_611 = arith.constant 8 : i32
      %add3A_612 = arith.addi %mul3A_378, %add3A_611 : i32
      %ge3A_613 = arith.constant 2 : i32
      %ge3A_614 = arith.cmpi sge, %add3A_612, %ge3A_613 : i32
      %convert_element_type3A_615 = arith.extui %ge3A_614 : i1 to i32
      %cond3A_616 = arith.constant 0 : i32
      %cond3A_617 = arith.cmpi ne, %convert_element_type3A_615, %cond3A_616 : i32
      scf.if %cond3A_617 {
        %dma_wait3A_727 = arith.constant 2 : i32
        %dma_wait3A_728 = arith.constant 1 : i32
        %dma_wait3A_729 = arith.constant 0 : i32
        %dma_wait3A_730 = tpu.memref_slice %arg6[%dma_wait3A_727, %dma_wait3A_728, %dma_wait3A_729] : memref<4x2x128xi32, #tpu.memory_space<vmem>> -> memref<1x1x128xi32, #tpu.memory_space<vmem>>
        %dma_wait3A_731 = tpu.memref_squeeze %dma_wait3A_730 : memref<1x1x128xi32, #tpu.memory_space<vmem>> -> memref<128xi32, #tpu.memory_space<vmem>>
        %dma_wait3A_732 = arith.constant 0 : i32
        %dma_wait3A_733 = arith.constant 0 : i32
        %dma_wait3A_734 = tpu.memref_slice %arg10[%dma_wait3A_732, %dma_wait3A_733] : memref<10104x128xf32, #tpu.memory_space<vmem_shared>> -> memref<10104x128xf32, #tpu.memory_space<vmem_shared>>
        tpu.wait_indirect_dma semaphore(%arg18 : memref<!tpu.dma_semaphore, #tpu.memory_space<semaphore_mem>>) src(%arg7 : memref<128x128xf32, #tpu.memory_space<vmem>>) dst(%dma_wait3A_734 : memref<10104x128xf32, #tpu.memory_space<vmem_shared>>)
      } else {
      }
      %add3A_618 = arith.constant 2 : i32
      %add3A_619 = arith.addi %add3A_612, %add3A_618 : i32
      %lt3A_620 = arith.constant 79 : i32
      %lt3A_621 = arith.cmpi slt, %add3A_619, %lt3A_620 : i32
      %convert_element_type3A_622 = arith.extui %lt3A_621 : i1 to i32
      %cond3A_623 = arith.constant 0 : i32
      %cond3A_624 = arith.cmpi ne, %convert_element_type3A_622, %cond3A_623 : i32
      scf.if %cond3A_624 {
        %add3A_727 = arith.constant 2 : i32
        %add3A_728 = arith.addi %add3A_612, %add3A_727 : i32
        %add3A_729 = arith.addi %select_n3A, %add3A_728 : i32
        %eq3A_730 = arith.constant 78 : i32
        %eq3A_731 = arith.cmpi eq, %add3A_728, %eq3A_730 : i32
        %and3A_732 = arith.andi %eq3A_48, %eq3A_731 : i1
        %select_n3A_733 = arith.select %and3A_732, %select_n3A, %add3A_729 : i32
        %mul3A_734 = arith.constant 128 : i32
        %mul3A_735 = arith.muli %select_n3A_733, %mul3A_734 : i32
        %dma_start3A_736 = arith.constant 2 : i32
        %dma_start3A_737 = arith.constant 0 : i32
        %dma_start3A_738 = arith.constant 0 : i32
        %dma_start3A_739 = tpu.memref_slice %arg6[%dma_start3A_736, %dma_start3A_737, %dma_start3A_738] : memref<4x2x128xi32, #tpu.memory_space<vmem>> -> memref<1x2x128xi32, #tpu.memory_space<vmem>>
        %dma_start3A_740 = tpu.memref_squeeze %dma_start3A_739 : memref<1x2x128xi32, #tpu.memory_space<vmem>> -> memref<2x128xi32, #tpu.memory_space<vmem>>
        %dma_start3A_741 = arith.constant 0 : i32
        %dma_start3A_742 = tpu.memref_slice %arg3[%dma_start3A_741, %mul3A_735] : memref<2x320000xi32, #tpu.memory_space<hbm>> -> memref<2x128xi32, #tpu.memory_space<hbm>>
        %dma_start3A_743 = arith.constant 0 : i32
        %dma_start3A_744 = arith.constant 0 : i32
        %dma_start3A_745 = tpu.memref_slice %arg6[%dma_start3A_736, %dma_start3A_743, %dma_start3A_744] : memref<4x2x128xi32, #tpu.memory_space<vmem>> -> memref<1x2x128xi32, #tpu.memory_space<vmem>>
        %dma_start3A_746 = tpu.memref_squeeze %dma_start3A_745 : memref<1x2x128xi32, #tpu.memory_space<vmem>> -> memref<2x128xi32, #tpu.memory_space<vmem>>
        %dma_start3A_747 = arith.constant 0 : i32
        %dma_start3A_748 = tpu.memref_slice %arg3[%dma_start3A_747, %mul3A_735] : memref<2x320000xi32, #tpu.memory_space<hbm>> -> memref<2x128xi32, #tpu.memory_space<hbm>>
        tpu.enqueue_dma source(%dma_start3A_748 : memref<2x128xi32, #tpu.memory_space<hbm>>) target(%dma_start3A_746 : memref<2x128xi32, #tpu.memory_space<vmem>>) target_semaphore(%arg13 : memref<!tpu.dma_semaphore, #tpu.memory_space<semaphore_mem>>)
      } else {
      }
      %add3A_625 = arith.constant 1 : i32
      %add3A_626 = arith.addi %add3A_612, %add3A_625 : i32
      %lt3A_627 = arith.constant 79 : i32
      %lt3A_628 = arith.cmpi slt, %add3A_626, %lt3A_627 : i32
      %convert_element_type3A_629 = arith.extui %lt3A_628 : i1 to i32
      %cond3A_630 = arith.constant 0 : i32
      %cond3A_631 = arith.cmpi ne, %convert_element_type3A_629, %cond3A_630 : i32
      scf.if %cond3A_631 {
        %add3A_727 = arith.constant 1 : i32
        %add3A_728 = arith.addi %add3A_612, %add3A_727 : i32
        %dma_wait3A_729 = arith.constant 1 : i32
        %dma_wait3A_730 = arith.constant 0 : i32
        %dma_wait3A_731 = arith.constant 0 : i32
        %dma_wait3A_732 = tpu.memref_slice %arg6[%dma_wait3A_729, %dma_wait3A_730, %dma_wait3A_731] : memref<4x2x128xi32, #tpu.memory_space<vmem>> -> memref<1x2x128xi32, #tpu.memory_space<vmem>>
        %dma_wait3A_733 = tpu.memref_squeeze %dma_wait3A_732 : memref<1x2x128xi32, #tpu.memory_space<vmem>> -> memref<2x128xi32, #tpu.memory_space<vmem>>
        %dma_wait3A_734 = arith.constant 0 : i32
        %dma_wait3A_735 = arith.constant 0 : i32
        %dma_wait3A_736 = tpu.memref_slice %arg3[%dma_wait3A_734, %dma_wait3A_735] : memref<2x320000xi32, #tpu.memory_space<hbm>> -> memref<2x128xi32, #tpu.memory_space<hbm>>
        %dma_wait3A_737 = arith.constant 0 : i32
        %dma_wait3A_738 = arith.constant 0 : i32
        %dma_wait3A_739 = tpu.memref_slice %arg6[%dma_wait3A_729, %dma_wait3A_737, %dma_wait3A_738] : memref<4x2x128xi32, #tpu.memory_space<vmem>> -> memref<1x2x128xi32, #tpu.memory_space<vmem>>
        %dma_wait3A_740 = tpu.memref_squeeze %dma_wait3A_739 : memref<1x2x128xi32, #tpu.memory_space<vmem>> -> memref<2x128xi32, #tpu.memory_space<vmem>>
        %dma_wait3A_741 = arith.constant 0 : i32
        %dma_wait3A_742 = arith.constant 0 : i32
        %dma_wait3A_743 = tpu.memref_slice %arg3[%dma_wait3A_741, %dma_wait3A_742] : memref<2x320000xi32, #tpu.memory_space<hbm>> -> memref<2x128xi32, #tpu.memory_space<hbm>>
        tpu.wait_dma2 semaphore(%arg12 : memref<!tpu.dma_semaphore, #tpu.memory_space<semaphore_mem>>) src(%dma_wait3A_743 : memref<2x128xi32, #tpu.memory_space<hbm>>) dst(%dma_wait3A_740 : memref<2x128xi32, #tpu.memory_space<vmem>>)
        %add3A_744 = arith.constant 1 : i32
        %add3A_745 = arith.addi %add3A_612, %add3A_744 : i32
        %eq3A_746 = arith.constant 78 : i32
        %eq3A_747 = arith.cmpi eq, %add3A_745, %eq3A_746 : i32
        %and3A_748 = arith.andi %eq3A_48, %eq3A_747 : i1
        %not3A = arith.constant true
        %not3A_749 = arith.xori %and3A_748, %not3A : i1
        %convert_element_type3A_750 = arith.extui %not3A_749 : i1 to i32
        %cond3A_751 = arith.constant 0 : i32
        %cond3A_752 = arith.cmpi ne, %convert_element_type3A_750, %cond3A_751 : i32
        scf.if %cond3A_752 {
          %dma_start3A_756 = arith.constant 1 : i32
          %dma_start3A_757 = arith.constant 0 : i32
          %dma_start3A_758 = arith.constant 0 : i32
          %dma_start3A_759 = tpu.memref_slice %arg6[%dma_start3A_756, %dma_start3A_757, %dma_start3A_758] : memref<4x2x128xi32, #tpu.memory_space<vmem>> -> memref<1x1x128xi32, #tpu.memory_space<vmem>>
          %dma_start3A_760 = tpu.memref_squeeze %dma_start3A_759 : memref<1x1x128xi32, #tpu.memory_space<vmem>> -> memref<128xi32, #tpu.memory_space<vmem>>
          %dma_start3A_761 = arith.constant 0 : i32
          %dma_start3A_762 = arith.constant 0 : i32
          %dma_start3A_763 = tpu.memref_slice %arg2[%dma_start3A_761, %dma_start3A_762] : memref<10000x128xf32, #tpu.memory_space<hbm>> -> memref<10000x128xf32, #tpu.memory_space<hbm>>
          tpu.enqueue_indirect_dma source(%dma_start3A_763 : memref<10000x128xf32, #tpu.memory_space<hbm>>) target(%arg7 : memref<128x128xf32, #tpu.memory_space<vmem>>) offsets(%dma_start3A_760 : memref<128xi32, #tpu.memory_space<vmem>>) semaphore(%arg15 : memref<!tpu.dma_semaphore, #tpu.memory_space<semaphore_mem>>)
        } else {
        }
        %convert_element_type3A_753 = arith.extui %and3A_748 : i1 to i32
        %cond3A_754 = arith.constant 0 : i32
        %cond3A_755 = arith.cmpi ne, %convert_element_type3A_753, %cond3A_754 : i32
        scf.if %cond3A_755 {
          tpu.enqueue_dma source(%arg4 : memref<128x128xf32, #tpu.memory_space<hbm>>) target(%arg7 : memref<128x128xf32, #tpu.memory_space<vmem>>) target_semaphore(%arg15 : memref<!tpu.dma_semaphore, #tpu.memory_space<semaphore_mem>>)
        } else {
        }
      } else {
      }
      tpu.wait_dma2 semaphore(%arg17 : memref<!tpu.dma_semaphore, #tpu.memory_space<semaphore_mem>>) src(%arg4 : memref<128x128xf32, #tpu.memory_space<hbm>>) dst(%arg9 : memref<128x128xf32, #tpu.memory_space<vmem>>)
      %dma_start3A_632 = arith.constant 0 : i32
      %dma_start3A_633 = arith.constant 1 : i32
      %dma_start3A_634 = arith.constant 0 : i32
      %dma_start3A_635 = tpu.memref_slice %arg6[%dma_start3A_632, %dma_start3A_633, %dma_start3A_634] : memref<4x2x128xi32, #tpu.memory_space<vmem>> -> memref<1x1x128xi32, #tpu.memory_space<vmem>>
      %dma_start3A_636 = tpu.memref_squeeze %dma_start3A_635 : memref<1x1x128xi32, #tpu.memory_space<vmem>> -> memref<128xi32, #tpu.memory_space<vmem>>
      %dma_start3A_637 = arith.constant 0 : i32
      %dma_start3A_638 = arith.constant 0 : i32
      %dma_start3A_639 = tpu.memref_slice %arg10[%dma_start3A_637, %dma_start3A_638] : memref<10104x128xf32, #tpu.memory_space<vmem_shared>> -> memref<10104x128xf32, #tpu.memory_space<vmem_shared>>
      tpu.enqueue_indirect_dma source(%arg9 : memref<128x128xf32, #tpu.memory_space<vmem>>) target(%dma_start3A_639 : memref<10104x128xf32, #tpu.memory_space<vmem_shared>>) offsets(%dma_start3A_636 : memref<128xi32, #tpu.memory_space<vmem>>) semaphore(%arg20 : memref<!tpu.dma_semaphore, #tpu.memory_space<semaphore_mem>>) {add = true}
      %add3A_640 = arith.constant 9 : i32
      %add3A_641 = arith.addi %mul3A_378, %add3A_640 : i32
      %ge3A_642 = arith.constant 2 : i32
      %ge3A_643 = arith.cmpi sge, %add3A_641, %ge3A_642 : i32
      %convert_element_type3A_644 = arith.extui %ge3A_643 : i1 to i32
      %cond3A_645 = arith.constant 0 : i32
      %cond3A_646 = arith.cmpi ne, %convert_element_type3A_644, %cond3A_645 : i32
      scf.if %cond3A_646 {
        %dma_wait3A_727 = arith.constant 3 : i32
        %dma_wait3A_728 = arith.constant 1 : i32
        %dma_wait3A_729 = arith.constant 0 : i32
        %dma_wait3A_730 = tpu.memref_slice %arg6[%dma_wait3A_727, %dma_wait3A_728, %dma_wait3A_729] : memref<4x2x128xi32, #tpu.memory_space<vmem>> -> memref<1x1x128xi32, #tpu.memory_space<vmem>>
        %dma_wait3A_731 = tpu.memref_squeeze %dma_wait3A_730 : memref<1x1x128xi32, #tpu.memory_space<vmem>> -> memref<128xi32, #tpu.memory_space<vmem>>
        %dma_wait3A_732 = arith.constant 0 : i32
        %dma_wait3A_733 = arith.constant 0 : i32
        %dma_wait3A_734 = tpu.memref_slice %arg10[%dma_wait3A_732, %dma_wait3A_733] : memref<10104x128xf32, #tpu.memory_space<vmem_shared>> -> memref<10104x128xf32, #tpu.memory_space<vmem_shared>>
        tpu.wait_indirect_dma semaphore(%arg19 : memref<!tpu.dma_semaphore, #tpu.memory_space<semaphore_mem>>) src(%arg8 : memref<128x128xf32, #tpu.memory_space<vmem>>) dst(%dma_wait3A_734 : memref<10104x128xf32, #tpu.memory_space<vmem_shared>>)
      } else {
      }
      %add3A_647 = arith.constant 2 : i32
      %add3A_648 = arith.addi %add3A_641, %add3A_647 : i32
      %lt3A_649 = arith.constant 79 : i32
      %lt3A_650 = arith.cmpi slt, %add3A_648, %lt3A_649 : i32
      %convert_element_type3A_651 = arith.extui %lt3A_650 : i1 to i32
      %cond3A_652 = arith.constant 0 : i32
      %cond3A_653 = arith.cmpi ne, %convert_element_type3A_651, %cond3A_652 : i32
      scf.if %cond3A_653 {
        %add3A_727 = arith.constant 2 : i32
        %add3A_728 = arith.addi %add3A_641, %add3A_727 : i32
        %add3A_729 = arith.addi %select_n3A, %add3A_728 : i32
        %eq3A_730 = arith.constant 78 : i32
        %eq3A_731 = arith.cmpi eq, %add3A_728, %eq3A_730 : i32
        %and3A_732 = arith.andi %eq3A_48, %eq3A_731 : i1
        %select_n3A_733 = arith.select %and3A_732, %select_n3A, %add3A_729 : i32
        %mul3A_734 = arith.constant 128 : i32
        %mul3A_735 = arith.muli %select_n3A_733, %mul3A_734 : i32
        %dma_start3A_736 = arith.constant 3 : i32
        %dma_start3A_737 = arith.constant 0 : i32
        %dma_start3A_738 = arith.constant 0 : i32
        %dma_start3A_739 = tpu.memref_slice %arg6[%dma_start3A_736, %dma_start3A_737, %dma_start3A_738] : memref<4x2x128xi32, #tpu.memory_space<vmem>> -> memref<1x2x128xi32, #tpu.memory_space<vmem>>
        %dma_start3A_740 = tpu.memref_squeeze %dma_start3A_739 : memref<1x2x128xi32, #tpu.memory_space<vmem>> -> memref<2x128xi32, #tpu.memory_space<vmem>>
        %dma_start3A_741 = arith.constant 0 : i32
        %dma_start3A_742 = tpu.memref_slice %arg3[%dma_start3A_741, %mul3A_735] : memref<2x320000xi32, #tpu.memory_space<hbm>> -> memref<2x128xi32, #tpu.memory_space<hbm>>
        %dma_start3A_743 = arith.constant 0 : i32
        %dma_start3A_744 = arith.constant 0 : i32
        %dma_start3A_745 = tpu.memref_slice %arg6[%dma_start3A_736, %dma_start3A_743, %dma_start3A_744] : memref<4x2x128xi32, #tpu.memory_space<vmem>> -> memref<1x2x128xi32, #tpu.memory_space<vmem>>
        %dma_start3A_746 = tpu.memref_squeeze %dma_start3A_745 : memref<1x2x128xi32, #tpu.memory_space<vmem>> -> memref<2x128xi32, #tpu.memory_space<vmem>>
        %dma_start3A_747 = arith.constant 0 : i32
        %dma_start3A_748 = tpu.memref_slice %arg3[%dma_start3A_747, %mul3A_735] : memref<2x320000xi32, #tpu.memory_space<hbm>> -> memref<2x128xi32, #tpu.memory_space<hbm>>
        tpu.enqueue_dma source(%dma_start3A_748 : memref<2x128xi32, #tpu.memory_space<hbm>>) target(%dma_start3A_746 : memref<2x128xi32, #tpu.memory_space<vmem>>) target_semaphore(%arg14 : memref<!tpu.dma_semaphore, #tpu.memory_space<semaphore_mem>>)
      } else {
      }
      %add3A_654 = arith.constant 1 : i32
      %add3A_655 = arith.addi %add3A_641, %add3A_654 : i32
      %lt3A_656 = arith.constant 79 : i32
      %lt3A_657 = arith.cmpi slt, %add3A_655, %lt3A_656 : i32
      %convert_element_type3A_658 = arith.extui %lt3A_657 : i1 to i32
      %cond3A_659 = arith.constant 0 : i32
      %cond3A_660 = arith.cmpi ne, %convert_element_type3A_658, %cond3A_659 : i32
      scf.if %cond3A_660 {
        %add3A_727 = arith.constant 1 : i32
        %add3A_728 = arith.addi %add3A_641, %add3A_727 : i32
        %dma_wait3A_729 = arith.constant 2 : i32
        %dma_wait3A_730 = arith.constant 0 : i32
        %dma_wait3A_731 = arith.constant 0 : i32
        %dma_wait3A_732 = tpu.memref_slice %arg6[%dma_wait3A_729, %dma_wait3A_730, %dma_wait3A_731] : memref<4x2x128xi32, #tpu.memory_space<vmem>> -> memref<1x2x128xi32, #tpu.memory_space<vmem>>
        %dma_wait3A_733 = tpu.memref_squeeze %dma_wait3A_732 : memref<1x2x128xi32, #tpu.memory_space<vmem>> -> memref<2x128xi32, #tpu.memory_space<vmem>>
        %dma_wait3A_734 = arith.constant 0 : i32
        %dma_wait3A_735 = arith.constant 0 : i32
        %dma_wait3A_736 = tpu.memref_slice %arg3[%dma_wait3A_734, %dma_wait3A_735] : memref<2x320000xi32, #tpu.memory_space<hbm>> -> memref<2x128xi32, #tpu.memory_space<hbm>>
        %dma_wait3A_737 = arith.constant 0 : i32
        %dma_wait3A_738 = arith.constant 0 : i32
        %dma_wait3A_739 = tpu.memref_slice %arg6[%dma_wait3A_729, %dma_wait3A_737, %dma_wait3A_738] : memref<4x2x128xi32, #tpu.memory_space<vmem>> -> memref<1x2x128xi32, #tpu.memory_space<vmem>>
        %dma_wait3A_740 = tpu.memref_squeeze %dma_wait3A_739 : memref<1x2x128xi32, #tpu.memory_space<vmem>> -> memref<2x128xi32, #tpu.memory_space<vmem>>
        %dma_wait3A_741 = arith.constant 0 : i32
        %dma_wait3A_742 = arith.constant 0 : i32
        %dma_wait3A_743 = tpu.memref_slice %arg3[%dma_wait3A_741, %dma_wait3A_742] : memref<2x320000xi32, #tpu.memory_space<hbm>> -> memref<2x128xi32, #tpu.memory_space<hbm>>
        tpu.wait_dma2 semaphore(%arg13 : memref<!tpu.dma_semaphore, #tpu.memory_space<semaphore_mem>>) src(%dma_wait3A_743 : memref<2x128xi32, #tpu.memory_space<hbm>>) dst(%dma_wait3A_740 : memref<2x128xi32, #tpu.memory_space<vmem>>)
        %add3A_744 = arith.constant 1 : i32
        %add3A_745 = arith.addi %add3A_641, %add3A_744 : i32
        %eq3A_746 = arith.constant 78 : i32
        %eq3A_747 = arith.cmpi eq, %add3A_745, %eq3A_746 : i32
        %and3A_748 = arith.andi %eq3A_48, %eq3A_747 : i1
        %not3A = arith.constant true
        %not3A_749 = arith.xori %and3A_748, %not3A : i1
        %convert_element_type3A_750 = arith.extui %not3A_749 : i1 to i32
        %cond3A_751 = arith.constant 0 : i32
        %cond3A_752 = arith.cmpi ne, %convert_element_type3A_750, %cond3A_751 : i32
        scf.if %cond3A_752 {
          %dma_start3A_756 = arith.constant 2 : i32
          %dma_start3A_757 = arith.constant 0 : i32
          %dma_start3A_758 = arith.constant 0 : i32
          %dma_start3A_759 = tpu.memref_slice %arg6[%dma_start3A_756, %dma_start3A_757, %dma_start3A_758] : memref<4x2x128xi32, #tpu.memory_space<vmem>> -> memref<1x1x128xi32, #tpu.memory_space<vmem>>
          %dma_start3A_760 = tpu.memref_squeeze %dma_start3A_759 : memref<1x1x128xi32, #tpu.memory_space<vmem>> -> memref<128xi32, #tpu.memory_space<vmem>>
          %dma_start3A_761 = arith.constant 0 : i32
          %dma_start3A_762 = arith.constant 0 : i32
          %dma_start3A_763 = tpu.memref_slice %arg2[%dma_start3A_761, %dma_start3A_762] : memref<10000x128xf32, #tpu.memory_space<hbm>> -> memref<10000x128xf32, #tpu.memory_space<hbm>>
          tpu.enqueue_indirect_dma source(%dma_start3A_763 : memref<10000x128xf32, #tpu.memory_space<hbm>>) target(%arg8 : memref<128x128xf32, #tpu.memory_space<vmem>>) offsets(%dma_start3A_760 : memref<128xi32, #tpu.memory_space<vmem>>) semaphore(%arg16 : memref<!tpu.dma_semaphore, #tpu.memory_space<semaphore_mem>>)
        } else {
        }
        %convert_element_type3A_753 = arith.extui %and3A_748 : i1 to i32
        %cond3A_754 = arith.constant 0 : i32
        %cond3A_755 = arith.cmpi ne, %convert_element_type3A_753, %cond3A_754 : i32
        scf.if %cond3A_755 {
          tpu.enqueue_dma source(%arg4 : memref<128x128xf32, #tpu.memory_space<hbm>>) target(%arg8 : memref<128x128xf32, #tpu.memory_space<vmem>>) target_semaphore(%arg16 : memref<!tpu.dma_semaphore, #tpu.memory_space<semaphore_mem>>)
        } else {
        }
      } else {
      }
      tpu.wait_dma2 semaphore(%arg15 : memref<!tpu.dma_semaphore, #tpu.memory_space<semaphore_mem>>) src(%arg4 : memref<128x128xf32, #tpu.memory_space<hbm>>) dst(%arg7 : memref<128x128xf32, #tpu.memory_space<vmem>>)
      %dma_start3A_661 = arith.constant 1 : i32
      %dma_start3A_662 = arith.constant 1 : i32
      %dma_start3A_663 = arith.constant 0 : i32
      %dma_start3A_664 = tpu.memref_slice %arg6[%dma_start3A_661, %dma_start3A_662, %dma_start3A_663] : memref<4x2x128xi32, #tpu.memory_space<vmem>> -> memref<1x1x128xi32, #tpu.memory_space<vmem>>
      %dma_start3A_665 = tpu.memref_squeeze %dma_start3A_664 : memref<1x1x128xi32, #tpu.memory_space<vmem>> -> memref<128xi32, #tpu.memory_space<vmem>>
      %dma_start3A_666 = arith.constant 0 : i32
      %dma_start3A_667 = arith.constant 0 : i32
      %dma_start3A_668 = tpu.memref_slice %arg10[%dma_start3A_666, %dma_start3A_667] : memref<10104x128xf32, #tpu.memory_space<vmem_shared>> -> memref<10104x128xf32, #tpu.memory_space<vmem_shared>>
      tpu.enqueue_indirect_dma source(%arg7 : memref<128x128xf32, #tpu.memory_space<vmem>>) target(%dma_start3A_668 : memref<10104x128xf32, #tpu.memory_space<vmem_shared>>) offsets(%dma_start3A_665 : memref<128xi32, #tpu.memory_space<vmem>>) semaphore(%arg18 : memref<!tpu.dma_semaphore, #tpu.memory_space<semaphore_mem>>) {add = true}
      %add3A_669 = arith.constant 10 : i32
      %add3A_670 = arith.addi %mul3A_378, %add3A_669 : i32
      %ge3A_671 = arith.constant 2 : i32
      %ge3A_672 = arith.cmpi sge, %add3A_670, %ge3A_671 : i32
      %convert_element_type3A_673 = arith.extui %ge3A_672 : i1 to i32
      %cond3A_674 = arith.constant 0 : i32
      %cond3A_675 = arith.cmpi ne, %convert_element_type3A_673, %cond3A_674 : i32
      scf.if %cond3A_675 {
        %dma_wait3A_727 = arith.constant 0 : i32
        %dma_wait3A_728 = arith.constant 1 : i32
        %dma_wait3A_729 = arith.constant 0 : i32
        %dma_wait3A_730 = tpu.memref_slice %arg6[%dma_wait3A_727, %dma_wait3A_728, %dma_wait3A_729] : memref<4x2x128xi32, #tpu.memory_space<vmem>> -> memref<1x1x128xi32, #tpu.memory_space<vmem>>
        %dma_wait3A_731 = tpu.memref_squeeze %dma_wait3A_730 : memref<1x1x128xi32, #tpu.memory_space<vmem>> -> memref<128xi32, #tpu.memory_space<vmem>>
        %dma_wait3A_732 = arith.constant 0 : i32
        %dma_wait3A_733 = arith.constant 0 : i32
        %dma_wait3A_734 = tpu.memref_slice %arg10[%dma_wait3A_732, %dma_wait3A_733] : memref<10104x128xf32, #tpu.memory_space<vmem_shared>> -> memref<10104x128xf32, #tpu.memory_space<vmem_shared>>
        tpu.wait_indirect_dma semaphore(%arg20 : memref<!tpu.dma_semaphore, #tpu.memory_space<semaphore_mem>>) src(%arg9 : memref<128x128xf32, #tpu.memory_space<vmem>>) dst(%dma_wait3A_734 : memref<10104x128xf32, #tpu.memory_space<vmem_shared>>)
      } else {
      }
      %add3A_676 = arith.constant 2 : i32
      %add3A_677 = arith.addi %add3A_670, %add3A_676 : i32
      %lt3A_678 = arith.constant 79 : i32
      %lt3A_679 = arith.cmpi slt, %add3A_677, %lt3A_678 : i32
      %convert_element_type3A_680 = arith.extui %lt3A_679 : i1 to i32
      %cond3A_681 = arith.constant 0 : i32
      %cond3A_682 = arith.cmpi ne, %convert_element_type3A_680, %cond3A_681 : i32
      scf.if %cond3A_682 {
        %add3A_727 = arith.constant 2 : i32
        %add3A_728 = arith.addi %add3A_670, %add3A_727 : i32
        %add3A_729 = arith.addi %select_n3A, %add3A_728 : i32
        %eq3A_730 = arith.constant 78 : i32
        %eq3A_731 = arith.cmpi eq, %add3A_728, %eq3A_730 : i32
        %and3A_732 = arith.andi %eq3A_48, %eq3A_731 : i1
        %select_n3A_733 = arith.select %and3A_732, %select_n3A, %add3A_729 : i32
        %mul3A_734 = arith.constant 128 : i32
        %mul3A_735 = arith.muli %select_n3A_733, %mul3A_734 : i32
        %dma_start3A_736 = arith.constant 0 : i32
        %dma_start3A_737 = arith.constant 0 : i32
        %dma_start3A_738 = arith.constant 0 : i32
        %dma_start3A_739 = tpu.memref_slice %arg6[%dma_start3A_736, %dma_start3A_737, %dma_start3A_738] : memref<4x2x128xi32, #tpu.memory_space<vmem>> -> memref<1x2x128xi32, #tpu.memory_space<vmem>>
        %dma_start3A_740 = tpu.memref_squeeze %dma_start3A_739 : memref<1x2x128xi32, #tpu.memory_space<vmem>> -> memref<2x128xi32, #tpu.memory_space<vmem>>
        %dma_start3A_741 = arith.constant 0 : i32
        %dma_start3A_742 = tpu.memref_slice %arg3[%dma_start3A_741, %mul3A_735] : memref<2x320000xi32, #tpu.memory_space<hbm>> -> memref<2x128xi32, #tpu.memory_space<hbm>>
        %dma_start3A_743 = arith.constant 0 : i32
        %dma_start3A_744 = arith.constant 0 : i32
        %dma_start3A_745 = tpu.memref_slice %arg6[%dma_start3A_736, %dma_start3A_743, %dma_start3A_744] : memref<4x2x128xi32, #tpu.memory_space<vmem>> -> memref<1x2x128xi32, #tpu.memory_space<vmem>>
        %dma_start3A_746 = tpu.memref_squeeze %dma_start3A_745 : memref<1x2x128xi32, #tpu.memory_space<vmem>> -> memref<2x128xi32, #tpu.memory_space<vmem>>
        %dma_start3A_747 = arith.constant 0 : i32
        %dma_start3A_748 = tpu.memref_slice %arg3[%dma_start3A_747, %mul3A_735] : memref<2x320000xi32, #tpu.memory_space<hbm>> -> memref<2x128xi32, #tpu.memory_space<hbm>>
        tpu.enqueue_dma source(%dma_start3A_748 : memref<2x128xi32, #tpu.memory_space<hbm>>) target(%dma_start3A_746 : memref<2x128xi32, #tpu.memory_space<vmem>>) target_semaphore(%arg11 : memref<!tpu.dma_semaphore, #tpu.memory_space<semaphore_mem>>)
      } else {
      }
      %add3A_683 = arith.constant 1 : i32
      %add3A_684 = arith.addi %add3A_670, %add3A_683 : i32
      %lt3A_685 = arith.constant 79 : i32
      %lt3A_686 = arith.cmpi slt, %add3A_684, %lt3A_685 : i32
      %convert_element_type3A_687 = arith.extui %lt3A_686 : i1 to i32
      %cond3A_688 = arith.constant 0 : i32
      %cond3A_689 = arith.cmpi ne, %convert_element_type3A_687, %cond3A_688 : i32
      scf.if %cond3A_689 {
        %add3A_727 = arith.constant 1 : i32
        %add3A_728 = arith.addi %add3A_670, %add3A_727 : i32
        %dma_wait3A_729 = arith.constant 3 : i32
        %dma_wait3A_730 = arith.constant 0 : i32
        %dma_wait3A_731 = arith.constant 0 : i32
        %dma_wait3A_732 = tpu.memref_slice %arg6[%dma_wait3A_729, %dma_wait3A_730, %dma_wait3A_731] : memref<4x2x128xi32, #tpu.memory_space<vmem>> -> memref<1x2x128xi32, #tpu.memory_space<vmem>>
        %dma_wait3A_733 = tpu.memref_squeeze %dma_wait3A_732 : memref<1x2x128xi32, #tpu.memory_space<vmem>> -> memref<2x128xi32, #tpu.memory_space<vmem>>
        %dma_wait3A_734 = arith.constant 0 : i32
        %dma_wait3A_735 = arith.constant 0 : i32
        %dma_wait3A_736 = tpu.memref_slice %arg3[%dma_wait3A_734, %dma_wait3A_735] : memref<2x320000xi32, #tpu.memory_space<hbm>> -> memref<2x128xi32, #tpu.memory_space<hbm>>
        %dma_wait3A_737 = arith.constant 0 : i32
        %dma_wait3A_738 = arith.constant 0 : i32
        %dma_wait3A_739 = tpu.memref_slice %arg6[%dma_wait3A_729, %dma_wait3A_737, %dma_wait3A_738] : memref<4x2x128xi32, #tpu.memory_space<vmem>> -> memref<1x2x128xi32, #tpu.memory_space<vmem>>
        %dma_wait3A_740 = tpu.memref_squeeze %dma_wait3A_739 : memref<1x2x128xi32, #tpu.memory_space<vmem>> -> memref<2x128xi32, #tpu.memory_space<vmem>>
        %dma_wait3A_741 = arith.constant 0 : i32
        %dma_wait3A_742 = arith.constant 0 : i32
        %dma_wait3A_743 = tpu.memref_slice %arg3[%dma_wait3A_741, %dma_wait3A_742] : memref<2x320000xi32, #tpu.memory_space<hbm>> -> memref<2x128xi32, #tpu.memory_space<hbm>>
        tpu.wait_dma2 semaphore(%arg14 : memref<!tpu.dma_semaphore, #tpu.memory_space<semaphore_mem>>) src(%dma_wait3A_743 : memref<2x128xi32, #tpu.memory_space<hbm>>) dst(%dma_wait3A_740 : memref<2x128xi32, #tpu.memory_space<vmem>>)
        %add3A_744 = arith.constant 1 : i32
        %add3A_745 = arith.addi %add3A_670, %add3A_744 : i32
        %eq3A_746 = arith.constant 78 : i32
        %eq3A_747 = arith.cmpi eq, %add3A_745, %eq3A_746 : i32
        %and3A_748 = arith.andi %eq3A_48, %eq3A_747 : i1
        %not3A = arith.constant true
        %not3A_749 = arith.xori %and3A_748, %not3A : i1
        %convert_element_type3A_750 = arith.extui %not3A_749 : i1 to i32
        %cond3A_751 = arith.constant 0 : i32
        %cond3A_752 = arith.cmpi ne, %convert_element_type3A_750, %cond3A_751 : i32
        scf.if %cond3A_752 {
          %dma_start3A_756 = arith.constant 3 : i32
          %dma_start3A_757 = arith.constant 0 : i32
          %dma_start3A_758 = arith.constant 0 : i32
          %dma_start3A_759 = tpu.memref_slice %arg6[%dma_start3A_756, %dma_start3A_757, %dma_start3A_758] : memref<4x2x128xi32, #tpu.memory_space<vmem>> -> memref<1x1x128xi32, #tpu.memory_space<vmem>>
          %dma_start3A_760 = tpu.memref_squeeze %dma_start3A_759 : memref<1x1x128xi32, #tpu.memory_space<vmem>> -> memref<128xi32, #tpu.memory_space<vmem>>
          %dma_start3A_761 = arith.constant 0 : i32
          %dma_start3A_762 = arith.constant 0 : i32
          %dma_start3A_763 = tpu.memref_slice %arg2[%dma_start3A_761, %dma_start3A_762] : memref<10000x128xf32, #tpu.memory_space<hbm>> -> memref<10000x128xf32, #tpu.memory_space<hbm>>
          tpu.enqueue_indirect_dma source(%dma_start3A_763 : memref<10000x128xf32, #tpu.memory_space<hbm>>) target(%arg9 : memref<128x128xf32, #tpu.memory_space<vmem>>) offsets(%dma_start3A_760 : memref<128xi32, #tpu.memory_space<vmem>>) semaphore(%arg17 : memref<!tpu.dma_semaphore, #tpu.memory_space<semaphore_mem>>)
        } else {
        }
        %convert_element_type3A_753 = arith.extui %and3A_748 : i1 to i32
        %cond3A_754 = arith.constant 0 : i32
        %cond3A_755 = arith.cmpi ne, %convert_element_type3A_753, %cond3A_754 : i32
        scf.if %cond3A_755 {
          tpu.enqueue_dma source(%arg4 : memref<128x128xf32, #tpu.memory_space<hbm>>) target(%arg9 : memref<128x128xf32, #tpu.memory_space<vmem>>) target_semaphore(%arg17 : memref<!tpu.dma_semaphore, #tpu.memory_space<semaphore_mem>>)
        } else {
        }
      } else {
      }
      tpu.wait_dma2 semaphore(%arg16 : memref<!tpu.dma_semaphore, #tpu.memory_space<semaphore_mem>>) src(%arg4 : memref<128x128xf32, #tpu.memory_space<hbm>>) dst(%arg8 : memref<128x128xf32, #tpu.memory_space<vmem>>)
      %dma_start3A_690 = arith.constant 2 : i32
      %dma_start3A_691 = arith.constant 1 : i32
      %dma_start3A_692 = arith.constant 0 : i32
      %dma_start3A_693 = tpu.memref_slice %arg6[%dma_start3A_690, %dma_start3A_691, %dma_start3A_692] : memref<4x2x128xi32, #tpu.memory_space<vmem>> -> memref<1x1x128xi32, #tpu.memory_space<vmem>>
      %dma_start3A_694 = tpu.memref_squeeze %dma_start3A_693 : memref<1x1x128xi32, #tpu.memory_space<vmem>> -> memref<128xi32, #tpu.memory_space<vmem>>
      %dma_start3A_695 = arith.constant 0 : i32
      %dma_start3A_696 = arith.constant 0 : i32
      %dma_start3A_697 = tpu.memref_slice %arg10[%dma_start3A_695, %dma_start3A_696] : memref<10104x128xf32, #tpu.memory_space<vmem_shared>> -> memref<10104x128xf32, #tpu.memory_space<vmem_shared>>
      tpu.enqueue_indirect_dma source(%arg8 : memref<128x128xf32, #tpu.memory_space<vmem>>) target(%dma_start3A_697 : memref<10104x128xf32, #tpu.memory_space<vmem_shared>>) offsets(%dma_start3A_694 : memref<128xi32, #tpu.memory_space<vmem>>) semaphore(%arg19 : memref<!tpu.dma_semaphore, #tpu.memory_space<semaphore_mem>>) {add = true}
      %add3A_698 = arith.constant 11 : i32
      %add3A_699 = arith.addi %mul3A_378, %add3A_698 : i32
      %ge3A_700 = arith.constant 2 : i32
      %ge3A_701 = arith.cmpi sge, %add3A_699, %ge3A_700 : i32
      %convert_element_type3A_702 = arith.extui %ge3A_701 : i1 to i32
      %cond3A_703 = arith.constant 0 : i32
      %cond3A_704 = arith.cmpi ne, %convert_element_type3A_702, %cond3A_703 : i32
      scf.if %cond3A_704 {
        %dma_wait3A_727 = arith.constant 1 : i32
        %dma_wait3A_728 = arith.constant 1 : i32
        %dma_wait3A_729 = arith.constant 0 : i32
        %dma_wait3A_730 = tpu.memref_slice %arg6[%dma_wait3A_727, %dma_wait3A_728, %dma_wait3A_729] : memref<4x2x128xi32, #tpu.memory_space<vmem>> -> memref<1x1x128xi32, #tpu.memory_space<vmem>>
        %dma_wait3A_731 = tpu.memref_squeeze %dma_wait3A_730 : memref<1x1x128xi32, #tpu.memory_space<vmem>> -> memref<128xi32, #tpu.memory_space<vmem>>
        %dma_wait3A_732 = arith.constant 0 : i32
        %dma_wait3A_733 = arith.constant 0 : i32
        %dma_wait3A_734 = tpu.memref_slice %arg10[%dma_wait3A_732, %dma_wait3A_733] : memref<10104x128xf32, #tpu.memory_space<vmem_shared>> -> memref<10104x128xf32, #tpu.memory_space<vmem_shared>>
        tpu.wait_indirect_dma semaphore(%arg18 : memref<!tpu.dma_semaphore, #tpu.memory_space<semaphore_mem>>) src(%arg7 : memref<128x128xf32, #tpu.memory_space<vmem>>) dst(%dma_wait3A_734 : memref<10104x128xf32, #tpu.memory_space<vmem_shared>>)
      } else {
      }
      %add3A_705 = arith.constant 2 : i32
      %add3A_706 = arith.addi %add3A_699, %add3A_705 : i32
      %lt3A_707 = arith.constant 79 : i32
      %lt3A_708 = arith.cmpi slt, %add3A_706, %lt3A_707 : i32
      %convert_element_type3A_709 = arith.extui %lt3A_708 : i1 to i32
      %cond3A_710 = arith.constant 0 : i32
      %cond3A_711 = arith.cmpi ne, %convert_element_type3A_709, %cond3A_710 : i32
      scf.if %cond3A_711 {
        %add3A_727 = arith.constant 2 : i32
        %add3A_728 = arith.addi %add3A_699, %add3A_727 : i32
        %add3A_729 = arith.addi %select_n3A, %add3A_728 : i32
        %eq3A_730 = arith.constant 78 : i32
        %eq3A_731 = arith.cmpi eq, %add3A_728, %eq3A_730 : i32
        %and3A_732 = arith.andi %eq3A_48, %eq3A_731 : i1
        %select_n3A_733 = arith.select %and3A_732, %select_n3A, %add3A_729 : i32
        %mul3A_734 = arith.constant 128 : i32
        %mul3A_735 = arith.muli %select_n3A_733, %mul3A_734 : i32
        %dma_start3A_736 = arith.constant 1 : i32
        %dma_start3A_737 = arith.constant 0 : i32
        %dma_start3A_738 = arith.constant 0 : i32
        %dma_start3A_739 = tpu.memref_slice %arg6[%dma_start3A_736, %dma_start3A_737, %dma_start3A_738] : memref<4x2x128xi32, #tpu.memory_space<vmem>> -> memref<1x2x128xi32, #tpu.memory_space<vmem>>
        %dma_start3A_740 = tpu.memref_squeeze %dma_start3A_739 : memref<1x2x128xi32, #tpu.memory_space<vmem>> -> memref<2x128xi32, #tpu.memory_space<vmem>>
        %dma_start3A_741 = arith.constant 0 : i32
        %dma_start3A_742 = tpu.memref_slice %arg3[%dma_start3A_741, %mul3A_735] : memref<2x320000xi32, #tpu.memory_space<hbm>> -> memref<2x128xi32, #tpu.memory_space<hbm>>
        %dma_start3A_743 = arith.constant 0 : i32
        %dma_start3A_744 = arith.constant 0 : i32
        %dma_start3A_745 = tpu.memref_slice %arg6[%dma_start3A_736, %dma_start3A_743, %dma_start3A_744] : memref<4x2x128xi32, #tpu.memory_space<vmem>> -> memref<1x2x128xi32, #tpu.memory_space<vmem>>
        %dma_start3A_746 = tpu.memref_squeeze %dma_start3A_745 : memref<1x2x128xi32, #tpu.memory_space<vmem>> -> memref<2x128xi32, #tpu.memory_space<vmem>>
        %dma_start3A_747 = arith.constant 0 : i32
        %dma_start3A_748 = tpu.memref_slice %arg3[%dma_start3A_747, %mul3A_735] : memref<2x320000xi32, #tpu.memory_space<hbm>> -> memref<2x128xi32, #tpu.memory_space<hbm>>
        tpu.enqueue_dma source(%dma_start3A_748 : memref<2x128xi32, #tpu.memory_space<hbm>>) target(%dma_start3A_746 : memref<2x128xi32, #tpu.memory_space<vmem>>) target_semaphore(%arg12 : memref<!tpu.dma_semaphore, #tpu.memory_space<semaphore_mem>>)
      } else {
      }
      %add3A_712 = arith.constant 1 : i32
      %add3A_713 = arith.addi %add3A_699, %add3A_712 : i32
      %lt3A_714 = arith.constant 79 : i32
      %lt3A_715 = arith.cmpi slt, %add3A_713, %lt3A_714 : i32
      %convert_element_type3A_716 = arith.extui %lt3A_715 : i1 to i32
      %cond3A_717 = arith.constant 0 : i32
      %cond3A_718 = arith.cmpi ne, %convert_element_type3A_716, %cond3A_717 : i32
      scf.if %cond3A_718 {
        %add3A_727 = arith.constant 1 : i32
        %add3A_728 = arith.addi %add3A_699, %add3A_727 : i32
        %dma_wait3A_729 = arith.constant 0 : i32
        %dma_wait3A_730 = arith.constant 0 : i32
        %dma_wait3A_731 = arith.constant 0 : i32
        %dma_wait3A_732 = tpu.memref_slice %arg6[%dma_wait3A_729, %dma_wait3A_730, %dma_wait3A_731] : memref<4x2x128xi32, #tpu.memory_space<vmem>> -> memref<1x2x128xi32, #tpu.memory_space<vmem>>
        %dma_wait3A_733 = tpu.memref_squeeze %dma_wait3A_732 : memref<1x2x128xi32, #tpu.memory_space<vmem>> -> memref<2x128xi32, #tpu.memory_space<vmem>>
        %dma_wait3A_734 = arith.constant 0 : i32
        %dma_wait3A_735 = arith.constant 0 : i32
        %dma_wait3A_736 = tpu.memref_slice %arg3[%dma_wait3A_734, %dma_wait3A_735] : memref<2x320000xi32, #tpu.memory_space<hbm>> -> memref<2x128xi32, #tpu.memory_space<hbm>>
        %dma_wait3A_737 = arith.constant 0 : i32
        %dma_wait3A_738 = arith.constant 0 : i32
        %dma_wait3A_739 = tpu.memref_slice %arg6[%dma_wait3A_729, %dma_wait3A_737, %dma_wait3A_738] : memref<4x2x128xi32, #tpu.memory_space<vmem>> -> memref<1x2x128xi32, #tpu.memory_space<vmem>>
        %dma_wait3A_740 = tpu.memref_squeeze %dma_wait3A_739 : memref<1x2x128xi32, #tpu.memory_space<vmem>> -> memref<2x128xi32, #tpu.memory_space<vmem>>
        %dma_wait3A_741 = arith.constant 0 : i32
        %dma_wait3A_742 = arith.constant 0 : i32
        %dma_wait3A_743 = tpu.memref_slice %arg3[%dma_wait3A_741, %dma_wait3A_742] : memref<2x320000xi32, #tpu.memory_space<hbm>> -> memref<2x128xi32, #tpu.memory_space<hbm>>
        tpu.wait_dma2 semaphore(%arg11 : memref<!tpu.dma_semaphore, #tpu.memory_space<semaphore_mem>>) src(%dma_wait3A_743 : memref<2x128xi32, #tpu.memory_space<hbm>>) dst(%dma_wait3A_740 : memref<2x128xi32, #tpu.memory_space<vmem>>)
        %add3A_744 = arith.constant 1 : i32
        %add3A_745 = arith.addi %add3A_699, %add3A_744 : i32
        %eq3A_746 = arith.constant 78 : i32
        %eq3A_747 = arith.cmpi eq, %add3A_745, %eq3A_746 : i32
        %and3A_748 = arith.andi %eq3A_48, %eq3A_747 : i1
        %not3A = arith.constant true
        %not3A_749 = arith.xori %and3A_748, %not3A : i1
        %convert_element_type3A_750 = arith.extui %not3A_749 : i1 to i32
        %cond3A_751 = arith.constant 0 : i32
        %cond3A_752 = arith.cmpi ne, %convert_element_type3A_750, %cond3A_751 : i32
        scf.if %cond3A_752 {
          %dma_start3A_756 = arith.constant 0 : i32
          %dma_start3A_757 = arith.constant 0 : i32
          %dma_start3A_758 = arith.constant 0 : i32
          %dma_start3A_759 = tpu.memref_slice %arg6[%dma_start3A_756, %dma_start3A_757, %dma_start3A_758] : memref<4x2x128xi32, #tpu.memory_space<vmem>> -> memref<1x1x128xi32, #tpu.memory_space<vmem>>
          %dma_start3A_760 = tpu.memref_squeeze %dma_start3A_759 : memref<1x1x128xi32, #tpu.memory_space<vmem>> -> memref<128xi32, #tpu.memory_space<vmem>>
          %dma_start3A_761 = arith.constant 0 : i32
          %dma_start3A_762 = arith.constant 0 : i32
          %dma_start3A_763 = tpu.memref_slice %arg2[%dma_start3A_761, %dma_start3A_762] : memref<10000x128xf32, #tpu.memory_space<hbm>> -> memref<10000x128xf32, #tpu.memory_space<hbm>>
          tpu.enqueue_indirect_dma source(%dma_start3A_763 : memref<10000x128xf32, #tpu.memory_space<hbm>>) target(%arg7 : memref<128x128xf32, #tpu.memory_space<vmem>>) offsets(%dma_start3A_760 : memref<128xi32, #tpu.memory_space<vmem>>) semaphore(%arg15 : memref<!tpu.dma_semaphore, #tpu.memory_space<semaphore_mem>>)
        } else {
        }
        %convert_element_type3A_753 = arith.extui %and3A_748 : i1 to i32
        %cond3A_754 = arith.constant 0 : i32
        %cond3A_755 = arith.cmpi ne, %convert_element_type3A_753, %cond3A_754 : i32
        scf.if %cond3A_755 {
          tpu.enqueue_dma source(%arg4 : memref<128x128xf32, #tpu.memory_space<hbm>>) target(%arg7 : memref<128x128xf32, #tpu.memory_space<vmem>>) target_semaphore(%arg15 : memref<!tpu.dma_semaphore, #tpu.memory_space<semaphore_mem>>)
        } else {
        }
      } else {
      }
      tpu.wait_dma2 semaphore(%arg17 : memref<!tpu.dma_semaphore, #tpu.memory_space<semaphore_mem>>) src(%arg4 : memref<128x128xf32, #tpu.memory_space<hbm>>) dst(%arg9 : memref<128x128xf32, #tpu.memory_space<vmem>>)
      %dma_start3A_719 = arith.constant 3 : i32
      %dma_start3A_720 = arith.constant 1 : i32
      %dma_start3A_721 = arith.constant 0 : i32
      %dma_start3A_722 = tpu.memref_slice %arg6[%dma_start3A_719, %dma_start3A_720, %dma_start3A_721] : memref<4x2x128xi32, #tpu.memory_space<vmem>> -> memref<1x1x128xi32, #tpu.memory_space<vmem>>
      %dma_start3A_723 = tpu.memref_squeeze %dma_start3A_722 : memref<1x1x128xi32, #tpu.memory_space<vmem>> -> memref<128xi32, #tpu.memory_space<vmem>>
      %dma_start3A_724 = arith.constant 0 : i32
      %dma_start3A_725 = arith.constant 0 : i32
      %dma_start3A_726 = tpu.memref_slice %arg10[%dma_start3A_724, %dma_start3A_725] : memref<10104x128xf32, #tpu.memory_space<vmem_shared>> -> memref<10104x128xf32, #tpu.memory_space<vmem_shared>>
      tpu.enqueue_indirect_dma source(%arg9 : memref<128x128xf32, #tpu.memory_space<vmem>>) target(%dma_start3A_726 : memref<10104x128xf32, #tpu.memory_space<vmem_shared>>) offsets(%dma_start3A_723 : memref<128xi32, #tpu.memory_space<vmem>>) semaphore(%arg20 : memref<!tpu.dma_semaphore, #tpu.memory_space<semaphore_mem>>) {add = true}
    }
    %scan3A_125 = arith.constant 6 : i32
    %ge3A = arith.constant 72 : i32
    %ge3A_126 = arith.constant 2 : i32
    %ge3A_127 = arith.cmpi sge, %ge3A, %ge3A_126 : i32
    %convert_element_type3A_128 = arith.extui %ge3A_127 : i1 to i32
    %cond3A_129 = arith.constant 0 : i32
    %cond3A_130 = arith.cmpi ne, %convert_element_type3A_128, %cond3A_129 : i32
    scf.if %cond3A_130 {
      %dma_wait3A_376 = arith.constant 2 : i32
      %dma_wait3A_377 = arith.constant 1 : i32
      %dma_wait3A_378 = arith.constant 0 : i32
      %dma_wait3A_379 = tpu.memref_slice %arg6[%dma_wait3A_376, %dma_wait3A_377, %dma_wait3A_378] : memref<4x2x128xi32, #tpu.memory_space<vmem>> -> memref<1x1x128xi32, #tpu.memory_space<vmem>>
      %dma_wait3A_380 = tpu.memref_squeeze %dma_wait3A_379 : memref<1x1x128xi32, #tpu.memory_space<vmem>> -> memref<128xi32, #tpu.memory_space<vmem>>
      %dma_wait3A_381 = arith.constant 0 : i32
      %dma_wait3A_382 = arith.constant 0 : i32
      %dma_wait3A_383 = tpu.memref_slice %arg10[%dma_wait3A_381, %dma_wait3A_382] : memref<10104x128xf32, #tpu.memory_space<vmem_shared>> -> memref<10104x128xf32, #tpu.memory_space<vmem_shared>>
      tpu.wait_indirect_dma semaphore(%arg19 : memref<!tpu.dma_semaphore, #tpu.memory_space<semaphore_mem>>) src(%arg8 : memref<128x128xf32, #tpu.memory_space<vmem>>) dst(%dma_wait3A_383 : memref<10104x128xf32, #tpu.memory_space<vmem_shared>>)
    } else {
    }
    %add3A_131 = arith.constant 72 : i32
    %add3A_132 = arith.constant 2 : i32
    %add3A_133 = arith.addi %add3A_131, %add3A_132 : i32
    %lt3A_134 = arith.constant 79 : i32
    %lt3A_135 = arith.cmpi slt, %add3A_133, %lt3A_134 : i32
    %convert_element_type3A_136 = arith.extui %lt3A_135 : i1 to i32
    %cond3A_137 = arith.constant 72 : i32
    %cond3A_138 = arith.constant 0 : i32
    %cond3A_139 = arith.cmpi ne, %convert_element_type3A_136, %cond3A_138 : i32
    scf.if %cond3A_139 {
      %add3A_376 = arith.constant 2 : i32
      %add3A_377 = arith.addi %cond3A_137, %add3A_376 : i32
      %add3A_378 = arith.addi %select_n3A, %add3A_377 : i32
      %eq3A_379 = arith.constant 78 : i32
      %eq3A_380 = arith.cmpi eq, %add3A_377, %eq3A_379 : i32
      %and3A_381 = arith.andi %eq3A_48, %eq3A_380 : i1
      %select_n3A_382 = arith.select %and3A_381, %select_n3A, %add3A_378 : i32
      %mul3A_383 = arith.constant 128 : i32
      %mul3A_384 = arith.muli %select_n3A_382, %mul3A_383 : i32
      %dma_start3A_385 = arith.constant 2 : i32
      %dma_start3A_386 = arith.constant 0 : i32
      %dma_start3A_387 = arith.constant 0 : i32
      %dma_start3A_388 = tpu.memref_slice %arg6[%dma_start3A_385, %dma_start3A_386, %dma_start3A_387] : memref<4x2x128xi32, #tpu.memory_space<vmem>> -> memref<1x2x128xi32, #tpu.memory_space<vmem>>
      %dma_start3A_389 = tpu.memref_squeeze %dma_start3A_388 : memref<1x2x128xi32, #tpu.memory_space<vmem>> -> memref<2x128xi32, #tpu.memory_space<vmem>>
      %dma_start3A_390 = arith.constant 0 : i32
      %dma_start3A_391 = tpu.memref_slice %arg3[%dma_start3A_390, %mul3A_384] : memref<2x320000xi32, #tpu.memory_space<hbm>> -> memref<2x128xi32, #tpu.memory_space<hbm>>
      %dma_start3A_392 = arith.constant 0 : i32
      %dma_start3A_393 = arith.constant 0 : i32
      %dma_start3A_394 = tpu.memref_slice %arg6[%dma_start3A_385, %dma_start3A_392, %dma_start3A_393] : memref<4x2x128xi32, #tpu.memory_space<vmem>> -> memref<1x2x128xi32, #tpu.memory_space<vmem>>
      %dma_start3A_395 = tpu.memref_squeeze %dma_start3A_394 : memref<1x2x128xi32, #tpu.memory_space<vmem>> -> memref<2x128xi32, #tpu.memory_space<vmem>>
      %dma_start3A_396 = arith.constant 0 : i32
      %dma_start3A_397 = tpu.memref_slice %arg3[%dma_start3A_396, %mul3A_384] : memref<2x320000xi32, #tpu.memory_space<hbm>> -> memref<2x128xi32, #tpu.memory_space<hbm>>
      tpu.enqueue_dma source(%dma_start3A_397 : memref<2x128xi32, #tpu.memory_space<hbm>>) target(%dma_start3A_395 : memref<2x128xi32, #tpu.memory_space<vmem>>) target_semaphore(%arg13 : memref<!tpu.dma_semaphore, #tpu.memory_space<semaphore_mem>>)
    } else {
    }
    %add3A_140 = arith.constant 72 : i32
    %add3A_141 = arith.constant 1 : i32
    %add3A_142 = arith.addi %add3A_140, %add3A_141 : i32
    %lt3A_143 = arith.constant 79 : i32
    %lt3A_144 = arith.cmpi slt, %add3A_142, %lt3A_143 : i32
    %convert_element_type3A_145 = arith.extui %lt3A_144 : i1 to i32
    %cond3A_146 = arith.constant 72 : i32
    %cond3A_147 = arith.constant 0 : i32
    %cond3A_148 = arith.cmpi ne, %convert_element_type3A_145, %cond3A_147 : i32
    scf.if %cond3A_148 {
      %add3A_376 = arith.constant 1 : i32
      %add3A_377 = arith.addi %cond3A_146, %add3A_376 : i32
      %dma_wait3A_378 = arith.constant 1 : i32
      %dma_wait3A_379 = arith.constant 0 : i32
      %dma_wait3A_380 = arith.constant 0 : i32
      %dma_wait3A_381 = tpu.memref_slice %arg6[%dma_wait3A_378, %dma_wait3A_379, %dma_wait3A_380] : memref<4x2x128xi32, #tpu.memory_space<vmem>> -> memref<1x2x128xi32, #tpu.memory_space<vmem>>
      %dma_wait3A_382 = tpu.memref_squeeze %dma_wait3A_381 : memref<1x2x128xi32, #tpu.memory_space<vmem>> -> memref<2x128xi32, #tpu.memory_space<vmem>>
      %dma_wait3A_383 = arith.constant 0 : i32
      %dma_wait3A_384 = arith.constant 0 : i32
      %dma_wait3A_385 = tpu.memref_slice %arg3[%dma_wait3A_383, %dma_wait3A_384] : memref<2x320000xi32, #tpu.memory_space<hbm>> -> memref<2x128xi32, #tpu.memory_space<hbm>>
      %dma_wait3A_386 = arith.constant 0 : i32
      %dma_wait3A_387 = arith.constant 0 : i32
      %dma_wait3A_388 = tpu.memref_slice %arg6[%dma_wait3A_378, %dma_wait3A_386, %dma_wait3A_387] : memref<4x2x128xi32, #tpu.memory_space<vmem>> -> memref<1x2x128xi32, #tpu.memory_space<vmem>>
      %dma_wait3A_389 = tpu.memref_squeeze %dma_wait3A_388 : memref<1x2x128xi32, #tpu.memory_space<vmem>> -> memref<2x128xi32, #tpu.memory_space<vmem>>
      %dma_wait3A_390 = arith.constant 0 : i32
      %dma_wait3A_391 = arith.constant 0 : i32
      %dma_wait3A_392 = tpu.memref_slice %arg3[%dma_wait3A_390, %dma_wait3A_391] : memref<2x320000xi32, #tpu.memory_space<hbm>> -> memref<2x128xi32, #tpu.memory_space<hbm>>
      tpu.wait_dma2 semaphore(%arg12 : memref<!tpu.dma_semaphore, #tpu.memory_space<semaphore_mem>>) src(%dma_wait3A_392 : memref<2x128xi32, #tpu.memory_space<hbm>>) dst(%dma_wait3A_389 : memref<2x128xi32, #tpu.memory_space<vmem>>)
      %add3A_393 = arith.constant 1 : i32
      %add3A_394 = arith.addi %cond3A_146, %add3A_393 : i32
      %eq3A_395 = arith.constant 78 : i32
      %eq3A_396 = arith.cmpi eq, %add3A_394, %eq3A_395 : i32
      %and3A_397 = arith.andi %eq3A_48, %eq3A_396 : i1
      %not3A = arith.constant true
      %not3A_398 = arith.xori %and3A_397, %not3A : i1
      %convert_element_type3A_399 = arith.extui %not3A_398 : i1 to i32
      %cond3A_400 = arith.constant 0 : i32
      %cond3A_401 = arith.cmpi ne, %convert_element_type3A_399, %cond3A_400 : i32
      scf.if %cond3A_401 {
        %dma_start3A_405 = arith.constant 1 : i32
        %dma_start3A_406 = arith.constant 0 : i32
        %dma_start3A_407 = arith.constant 0 : i32
        %dma_start3A_408 = tpu.memref_slice %arg6[%dma_start3A_405, %dma_start3A_406, %dma_start3A_407] : memref<4x2x128xi32, #tpu.memory_space<vmem>> -> memref<1x1x128xi32, #tpu.memory_space<vmem>>
        %dma_start3A_409 = tpu.memref_squeeze %dma_start3A_408 : memref<1x1x128xi32, #tpu.memory_space<vmem>> -> memref<128xi32, #tpu.memory_space<vmem>>
        %dma_start3A_410 = arith.constant 0 : i32
        %dma_start3A_411 = arith.constant 0 : i32
        %dma_start3A_412 = tpu.memref_slice %arg2[%dma_start3A_410, %dma_start3A_411] : memref<10000x128xf32, #tpu.memory_space<hbm>> -> memref<10000x128xf32, #tpu.memory_space<hbm>>
        tpu.enqueue_indirect_dma source(%dma_start3A_412 : memref<10000x128xf32, #tpu.memory_space<hbm>>) target(%arg8 : memref<128x128xf32, #tpu.memory_space<vmem>>) offsets(%dma_start3A_409 : memref<128xi32, #tpu.memory_space<vmem>>) semaphore(%arg16 : memref<!tpu.dma_semaphore, #tpu.memory_space<semaphore_mem>>)
      } else {
      }
      %convert_element_type3A_402 = arith.extui %and3A_397 : i1 to i32
      %cond3A_403 = arith.constant 0 : i32
      %cond3A_404 = arith.cmpi ne, %convert_element_type3A_402, %cond3A_403 : i32
      scf.if %cond3A_404 {
        tpu.enqueue_dma source(%arg4 : memref<128x128xf32, #tpu.memory_space<hbm>>) target(%arg8 : memref<128x128xf32, #tpu.memory_space<vmem>>) target_semaphore(%arg16 : memref<!tpu.dma_semaphore, #tpu.memory_space<semaphore_mem>>)
      } else {
      }
    } else {
    }
    tpu.wait_dma2 semaphore(%arg15 : memref<!tpu.dma_semaphore, #tpu.memory_space<semaphore_mem>>) src(%arg4 : memref<128x128xf32, #tpu.memory_space<hbm>>) dst(%arg7 : memref<128x128xf32, #tpu.memory_space<vmem>>)
    %dma_start3A_149 = arith.constant 0 : i32
    %dma_start3A_150 = arith.constant 1 : i32
    %dma_start3A_151 = arith.constant 0 : i32
    %dma_start3A_152 = tpu.memref_slice %arg6[%dma_start3A_149, %dma_start3A_150, %dma_start3A_151] : memref<4x2x128xi32, #tpu.memory_space<vmem>> -> memref<1x1x128xi32, #tpu.memory_space<vmem>>
    %dma_start3A_153 = tpu.memref_squeeze %dma_start3A_152 : memref<1x1x128xi32, #tpu.memory_space<vmem>> -> memref<128xi32, #tpu.memory_space<vmem>>
    %dma_start3A_154 = arith.constant 0 : i32
    %dma_start3A_155 = arith.constant 0 : i32
    %dma_start3A_156 = tpu.memref_slice %arg10[%dma_start3A_154, %dma_start3A_155] : memref<10104x128xf32, #tpu.memory_space<vmem_shared>> -> memref<10104x128xf32, #tpu.memory_space<vmem_shared>>
    tpu.enqueue_indirect_dma source(%arg7 : memref<128x128xf32, #tpu.memory_space<vmem>>) target(%dma_start3A_156 : memref<10104x128xf32, #tpu.memory_space<vmem_shared>>) offsets(%dma_start3A_153 : memref<128xi32, #tpu.memory_space<vmem>>) semaphore(%arg18 : memref<!tpu.dma_semaphore, #tpu.memory_space<semaphore_mem>>) {add = true}
    %ge3A_157 = arith.constant 73 : i32
    %ge3A_158 = arith.constant 2 : i32
    %ge3A_159 = arith.cmpi sge, %ge3A_157, %ge3A_158 : i32
    %convert_element_type3A_160 = arith.extui %ge3A_159 : i1 to i32
    %cond3A_161 = arith.constant 0 : i32
    %cond3A_162 = arith.cmpi ne, %convert_element_type3A_160, %cond3A_161 : i32
    scf.if %cond3A_162 {
      %dma_wait3A_376 = arith.constant 3 : i32
      %dma_wait3A_377 = arith.constant 1 : i32
      %dma_wait3A_378 = arith.constant 0 : i32
      %dma_wait3A_379 = tpu.memref_slice %arg6[%dma_wait3A_376, %dma_wait3A_377, %dma_wait3A_378] : memref<4x2x128xi32, #tpu.memory_space<vmem>> -> memref<1x1x128xi32, #tpu.memory_space<vmem>>
      %dma_wait3A_380 = tpu.memref_squeeze %dma_wait3A_379 : memref<1x1x128xi32, #tpu.memory_space<vmem>> -> memref<128xi32, #tpu.memory_space<vmem>>
      %dma_wait3A_381 = arith.constant 0 : i32
      %dma_wait3A_382 = arith.constant 0 : i32
      %dma_wait3A_383 = tpu.memref_slice %arg10[%dma_wait3A_381, %dma_wait3A_382] : memref<10104x128xf32, #tpu.memory_space<vmem_shared>> -> memref<10104x128xf32, #tpu.memory_space<vmem_shared>>
      tpu.wait_indirect_dma semaphore(%arg20 : memref<!tpu.dma_semaphore, #tpu.memory_space<semaphore_mem>>) src(%arg9 : memref<128x128xf32, #tpu.memory_space<vmem>>) dst(%dma_wait3A_383 : memref<10104x128xf32, #tpu.memory_space<vmem_shared>>)
    } else {
    }
    %add3A_163 = arith.constant 73 : i32
    %add3A_164 = arith.constant 2 : i32
    %add3A_165 = arith.addi %add3A_163, %add3A_164 : i32
    %lt3A_166 = arith.constant 79 : i32
    %lt3A_167 = arith.cmpi slt, %add3A_165, %lt3A_166 : i32
    %convert_element_type3A_168 = arith.extui %lt3A_167 : i1 to i32
    %cond3A_169 = arith.constant 73 : i32
    %cond3A_170 = arith.constant 0 : i32
    %cond3A_171 = arith.cmpi ne, %convert_element_type3A_168, %cond3A_170 : i32
    scf.if %cond3A_171 {
      %add3A_376 = arith.constant 2 : i32
      %add3A_377 = arith.addi %cond3A_169, %add3A_376 : i32
      %add3A_378 = arith.addi %select_n3A, %add3A_377 : i32
      %eq3A_379 = arith.constant 78 : i32
      %eq3A_380 = arith.cmpi eq, %add3A_377, %eq3A_379 : i32
      %and3A_381 = arith.andi %eq3A_48, %eq3A_380 : i1
      %select_n3A_382 = arith.select %and3A_381, %select_n3A, %add3A_378 : i32
      %mul3A_383 = arith.constant 128 : i32
      %mul3A_384 = arith.muli %select_n3A_382, %mul3A_383 : i32
      %dma_start3A_385 = arith.constant 3 : i32
      %dma_start3A_386 = arith.constant 0 : i32
      %dma_start3A_387 = arith.constant 0 : i32
      %dma_start3A_388 = tpu.memref_slice %arg6[%dma_start3A_385, %dma_start3A_386, %dma_start3A_387] : memref<4x2x128xi32, #tpu.memory_space<vmem>> -> memref<1x2x128xi32, #tpu.memory_space<vmem>>
      %dma_start3A_389 = tpu.memref_squeeze %dma_start3A_388 : memref<1x2x128xi32, #tpu.memory_space<vmem>> -> memref<2x128xi32, #tpu.memory_space<vmem>>
      %dma_start3A_390 = arith.constant 0 : i32
      %dma_start3A_391 = tpu.memref_slice %arg3[%dma_start3A_390, %mul3A_384] : memref<2x320000xi32, #tpu.memory_space<hbm>> -> memref<2x128xi32, #tpu.memory_space<hbm>>
      %dma_start3A_392 = arith.constant 0 : i32
      %dma_start3A_393 = arith.constant 0 : i32
      %dma_start3A_394 = tpu.memref_slice %arg6[%dma_start3A_385, %dma_start3A_392, %dma_start3A_393] : memref<4x2x128xi32, #tpu.memory_space<vmem>> -> memref<1x2x128xi32, #tpu.memory_space<vmem>>
      %dma_start3A_395 = tpu.memref_squeeze %dma_start3A_394 : memref<1x2x128xi32, #tpu.memory_space<vmem>> -> memref<2x128xi32, #tpu.memory_space<vmem>>
      %dma_start3A_396 = arith.constant 0 : i32
      %dma_start3A_397 = tpu.memref_slice %arg3[%dma_start3A_396, %mul3A_384] : memref<2x320000xi32, #tpu.memory_space<hbm>> -> memref<2x128xi32, #tpu.memory_space<hbm>>
      tpu.enqueue_dma source(%dma_start3A_397 : memref<2x128xi32, #tpu.memory_space<hbm>>) target(%dma_start3A_395 : memref<2x128xi32, #tpu.memory_space<vmem>>) target_semaphore(%arg14 : memref<!tpu.dma_semaphore, #tpu.memory_space<semaphore_mem>>)
    } else {
    }
    %add3A_172 = arith.constant 73 : i32
    %add3A_173 = arith.constant 1 : i32
    %add3A_174 = arith.addi %add3A_172, %add3A_173 : i32
    %lt3A_175 = arith.constant 79 : i32
    %lt3A_176 = arith.cmpi slt, %add3A_174, %lt3A_175 : i32
    %convert_element_type3A_177 = arith.extui %lt3A_176 : i1 to i32
    %cond3A_178 = arith.constant 73 : i32
    %cond3A_179 = arith.constant 0 : i32
    %cond3A_180 = arith.cmpi ne, %convert_element_type3A_177, %cond3A_179 : i32
    scf.if %cond3A_180 {
      %add3A_376 = arith.constant 1 : i32
      %add3A_377 = arith.addi %cond3A_178, %add3A_376 : i32
      %dma_wait3A_378 = arith.constant 2 : i32
      %dma_wait3A_379 = arith.constant 0 : i32
      %dma_wait3A_380 = arith.constant 0 : i32
      %dma_wait3A_381 = tpu.memref_slice %arg6[%dma_wait3A_378, %dma_wait3A_379, %dma_wait3A_380] : memref<4x2x128xi32, #tpu.memory_space<vmem>> -> memref<1x2x128xi32, #tpu.memory_space<vmem>>
      %dma_wait3A_382 = tpu.memref_squeeze %dma_wait3A_381 : memref<1x2x128xi32, #tpu.memory_space<vmem>> -> memref<2x128xi32, #tpu.memory_space<vmem>>
      %dma_wait3A_383 = arith.constant 0 : i32
      %dma_wait3A_384 = arith.constant 0 : i32
      %dma_wait3A_385 = tpu.memref_slice %arg3[%dma_wait3A_383, %dma_wait3A_384] : memref<2x320000xi32, #tpu.memory_space<hbm>> -> memref<2x128xi32, #tpu.memory_space<hbm>>
      %dma_wait3A_386 = arith.constant 0 : i32
      %dma_wait3A_387 = arith.constant 0 : i32
      %dma_wait3A_388 = tpu.memref_slice %arg6[%dma_wait3A_378, %dma_wait3A_386, %dma_wait3A_387] : memref<4x2x128xi32, #tpu.memory_space<vmem>> -> memref<1x2x128xi32, #tpu.memory_space<vmem>>
      %dma_wait3A_389 = tpu.memref_squeeze %dma_wait3A_388 : memref<1x2x128xi32, #tpu.memory_space<vmem>> -> memref<2x128xi32, #tpu.memory_space<vmem>>
      %dma_wait3A_390 = arith.constant 0 : i32
      %dma_wait3A_391 = arith.constant 0 : i32
      %dma_wait3A_392 = tpu.memref_slice %arg3[%dma_wait3A_390, %dma_wait3A_391] : memref<2x320000xi32, #tpu.memory_space<hbm>> -> memref<2x128xi32, #tpu.memory_space<hbm>>
      tpu.wait_dma2 semaphore(%arg13 : memref<!tpu.dma_semaphore, #tpu.memory_space<semaphore_mem>>) src(%dma_wait3A_392 : memref<2x128xi32, #tpu.memory_space<hbm>>) dst(%dma_wait3A_389 : memref<2x128xi32, #tpu.memory_space<vmem>>)
      %add3A_393 = arith.constant 1 : i32
      %add3A_394 = arith.addi %cond3A_178, %add3A_393 : i32
      %eq3A_395 = arith.constant 78 : i32
      %eq3A_396 = arith.cmpi eq, %add3A_394, %eq3A_395 : i32
      %and3A_397 = arith.andi %eq3A_48, %eq3A_396 : i1
      %not3A = arith.constant true
      %not3A_398 = arith.xori %and3A_397, %not3A : i1
      %convert_element_type3A_399 = arith.extui %not3A_398 : i1 to i32
      %cond3A_400 = arith.constant 0 : i32
      %cond3A_401 = arith.cmpi ne, %convert_element_type3A_399, %cond3A_400 : i32
      scf.if %cond3A_401 {
        %dma_start3A_405 = arith.constant 2 : i32
        %dma_start3A_406 = arith.constant 0 : i32
        %dma_start3A_407 = arith.constant 0 : i32
        %dma_start3A_408 = tpu.memref_slice %arg6[%dma_start3A_405, %dma_start3A_406, %dma_start3A_407] : memref<4x2x128xi32, #tpu.memory_space<vmem>> -> memref<1x1x128xi32, #tpu.memory_space<vmem>>
        %dma_start3A_409 = tpu.memref_squeeze %dma_start3A_408 : memref<1x1x128xi32, #tpu.memory_space<vmem>> -> memref<128xi32, #tpu.memory_space<vmem>>
        %dma_start3A_410 = arith.constant 0 : i32
        %dma_start3A_411 = arith.constant 0 : i32
        %dma_start3A_412 = tpu.memref_slice %arg2[%dma_start3A_410, %dma_start3A_411] : memref<10000x128xf32, #tpu.memory_space<hbm>> -> memref<10000x128xf32, #tpu.memory_space<hbm>>
        tpu.enqueue_indirect_dma source(%dma_start3A_412 : memref<10000x128xf32, #tpu.memory_space<hbm>>) target(%arg9 : memref<128x128xf32, #tpu.memory_space<vmem>>) offsets(%dma_start3A_409 : memref<128xi32, #tpu.memory_space<vmem>>) semaphore(%arg17 : memref<!tpu.dma_semaphore, #tpu.memory_space<semaphore_mem>>)
      } else {
      }
      %convert_element_type3A_402 = arith.extui %and3A_397 : i1 to i32
      %cond3A_403 = arith.constant 0 : i32
      %cond3A_404 = arith.cmpi ne, %convert_element_type3A_402, %cond3A_403 : i32
      scf.if %cond3A_404 {
        tpu.enqueue_dma source(%arg4 : memref<128x128xf32, #tpu.memory_space<hbm>>) target(%arg9 : memref<128x128xf32, #tpu.memory_space<vmem>>) target_semaphore(%arg17 : memref<!tpu.dma_semaphore, #tpu.memory_space<semaphore_mem>>)
      } else {
      }
    } else {
    }
    tpu.wait_dma2 semaphore(%arg16 : memref<!tpu.dma_semaphore, #tpu.memory_space<semaphore_mem>>) src(%arg4 : memref<128x128xf32, #tpu.memory_space<hbm>>) dst(%arg8 : memref<128x128xf32, #tpu.memory_space<vmem>>)
    %dma_start3A_181 = arith.constant 1 : i32
    %dma_start3A_182 = arith.constant 1 : i32
    %dma_start3A_183 = arith.constant 0 : i32
    %dma_start3A_184 = tpu.memref_slice %arg6[%dma_start3A_181, %dma_start3A_182, %dma_start3A_183] : memref<4x2x128xi32, #tpu.memory_space<vmem>> -> memref<1x1x128xi32, #tpu.memory_space<vmem>>
    %dma_start3A_185 = tpu.memref_squeeze %dma_start3A_184 : memref<1x1x128xi32, #tpu.memory_space<vmem>> -> memref<128xi32, #tpu.memory_space<vmem>>
    %dma_start3A_186 = arith.constant 0 : i32
    %dma_start3A_187 = arith.constant 0 : i32
    %dma_start3A_188 = tpu.memref_slice %arg10[%dma_start3A_186, %dma_start3A_187] : memref<10104x128xf32, #tpu.memory_space<vmem_shared>> -> memref<10104x128xf32, #tpu.memory_space<vmem_shared>>
    tpu.enqueue_indirect_dma source(%arg8 : memref<128x128xf32, #tpu.memory_space<vmem>>) target(%dma_start3A_188 : memref<10104x128xf32, #tpu.memory_space<vmem_shared>>) offsets(%dma_start3A_185 : memref<128xi32, #tpu.memory_space<vmem>>) semaphore(%arg19 : memref<!tpu.dma_semaphore, #tpu.memory_space<semaphore_mem>>) {add = true}
    %ge3A_189 = arith.constant 74 : i32
    %ge3A_190 = arith.constant 2 : i32
    %ge3A_191 = arith.cmpi sge, %ge3A_189, %ge3A_190 : i32
    %convert_element_type3A_192 = arith.extui %ge3A_191 : i1 to i32
    %cond3A_193 = arith.constant 0 : i32
    %cond3A_194 = arith.cmpi ne, %convert_element_type3A_192, %cond3A_193 : i32
    scf.if %cond3A_194 {
      %dma_wait3A_376 = arith.constant 0 : i32
      %dma_wait3A_377 = arith.constant 1 : i32
      %dma_wait3A_378 = arith.constant 0 : i32
      %dma_wait3A_379 = tpu.memref_slice %arg6[%dma_wait3A_376, %dma_wait3A_377, %dma_wait3A_378] : memref<4x2x128xi32, #tpu.memory_space<vmem>> -> memref<1x1x128xi32, #tpu.memory_space<vmem>>
      %dma_wait3A_380 = tpu.memref_squeeze %dma_wait3A_379 : memref<1x1x128xi32, #tpu.memory_space<vmem>> -> memref<128xi32, #tpu.memory_space<vmem>>
      %dma_wait3A_381 = arith.constant 0 : i32
      %dma_wait3A_382 = arith.constant 0 : i32
      %dma_wait3A_383 = tpu.memref_slice %arg10[%dma_wait3A_381, %dma_wait3A_382] : memref<10104x128xf32, #tpu.memory_space<vmem_shared>> -> memref<10104x128xf32, #tpu.memory_space<vmem_shared>>
      tpu.wait_indirect_dma semaphore(%arg18 : memref<!tpu.dma_semaphore, #tpu.memory_space<semaphore_mem>>) src(%arg7 : memref<128x128xf32, #tpu.memory_space<vmem>>) dst(%dma_wait3A_383 : memref<10104x128xf32, #tpu.memory_space<vmem_shared>>)
    } else {
    }
    %add3A_195 = arith.constant 74 : i32
    %add3A_196 = arith.constant 2 : i32
    %add3A_197 = arith.addi %add3A_195, %add3A_196 : i32
    %lt3A_198 = arith.constant 79 : i32
    %lt3A_199 = arith.cmpi slt, %add3A_197, %lt3A_198 : i32
    %convert_element_type3A_200 = arith.extui %lt3A_199 : i1 to i32
    %cond3A_201 = arith.constant 74 : i32
    %cond3A_202 = arith.constant 0 : i32
    %cond3A_203 = arith.cmpi ne, %convert_element_type3A_200, %cond3A_202 : i32
    scf.if %cond3A_203 {
      %add3A_376 = arith.constant 2 : i32
      %add3A_377 = arith.addi %cond3A_201, %add3A_376 : i32
      %add3A_378 = arith.addi %select_n3A, %add3A_377 : i32
      %eq3A_379 = arith.constant 78 : i32
      %eq3A_380 = arith.cmpi eq, %add3A_377, %eq3A_379 : i32
      %and3A_381 = arith.andi %eq3A_48, %eq3A_380 : i1
      %select_n3A_382 = arith.select %and3A_381, %select_n3A, %add3A_378 : i32
      %mul3A_383 = arith.constant 128 : i32
      %mul3A_384 = arith.muli %select_n3A_382, %mul3A_383 : i32
      %dma_start3A_385 = arith.constant 0 : i32
      %dma_start3A_386 = arith.constant 0 : i32
      %dma_start3A_387 = arith.constant 0 : i32
      %dma_start3A_388 = tpu.memref_slice %arg6[%dma_start3A_385, %dma_start3A_386, %dma_start3A_387] : memref<4x2x128xi32, #tpu.memory_space<vmem>> -> memref<1x2x128xi32, #tpu.memory_space<vmem>>
      %dma_start3A_389 = tpu.memref_squeeze %dma_start3A_388 : memref<1x2x128xi32, #tpu.memory_space<vmem>> -> memref<2x128xi32, #tpu.memory_space<vmem>>
      %dma_start3A_390 = arith.constant 0 : i32
      %dma_start3A_391 = tpu.memref_slice %arg3[%dma_start3A_390, %mul3A_384] : memref<2x320000xi32, #tpu.memory_space<hbm>> -> memref<2x128xi32, #tpu.memory_space<hbm>>
      %dma_start3A_392 = arith.constant 0 : i32
      %dma_start3A_393 = arith.constant 0 : i32
      %dma_start3A_394 = tpu.memref_slice %arg6[%dma_start3A_385, %dma_start3A_392, %dma_start3A_393] : memref<4x2x128xi32, #tpu.memory_space<vmem>> -> memref<1x2x128xi32, #tpu.memory_space<vmem>>
      %dma_start3A_395 = tpu.memref_squeeze %dma_start3A_394 : memref<1x2x128xi32, #tpu.memory_space<vmem>> -> memref<2x128xi32, #tpu.memory_space<vmem>>
      %dma_start3A_396 = arith.constant 0 : i32
      %dma_start3A_397 = tpu.memref_slice %arg3[%dma_start3A_396, %mul3A_384] : memref<2x320000xi32, #tpu.memory_space<hbm>> -> memref<2x128xi32, #tpu.memory_space<hbm>>
      tpu.enqueue_dma source(%dma_start3A_397 : memref<2x128xi32, #tpu.memory_space<hbm>>) target(%dma_start3A_395 : memref<2x128xi32, #tpu.memory_space<vmem>>) target_semaphore(%arg11 : memref<!tpu.dma_semaphore, #tpu.memory_space<semaphore_mem>>)
    } else {
    }
    %add3A_204 = arith.constant 74 : i32
    %add3A_205 = arith.constant 1 : i32
    %add3A_206 = arith.addi %add3A_204, %add3A_205 : i32
    %lt3A_207 = arith.constant 79 : i32
    %lt3A_208 = arith.cmpi slt, %add3A_206, %lt3A_207 : i32
    %convert_element_type3A_209 = arith.extui %lt3A_208 : i1 to i32
    %cond3A_210 = arith.constant 74 : i32
    %cond3A_211 = arith.constant 0 : i32
    %cond3A_212 = arith.cmpi ne, %convert_element_type3A_209, %cond3A_211 : i32
    scf.if %cond3A_212 {
      %add3A_376 = arith.constant 1 : i32
      %add3A_377 = arith.addi %cond3A_210, %add3A_376 : i32
      %dma_wait3A_378 = arith.constant 3 : i32
      %dma_wait3A_379 = arith.constant 0 : i32
      %dma_wait3A_380 = arith.constant 0 : i32
      %dma_wait3A_381 = tpu.memref_slice %arg6[%dma_wait3A_378, %dma_wait3A_379, %dma_wait3A_380] : memref<4x2x128xi32, #tpu.memory_space<vmem>> -> memref<1x2x128xi32, #tpu.memory_space<vmem>>
      %dma_wait3A_382 = tpu.memref_squeeze %dma_wait3A_381 : memref<1x2x128xi32, #tpu.memory_space<vmem>> -> memref<2x128xi32, #tpu.memory_space<vmem>>
      %dma_wait3A_383 = arith.constant 0 : i32
      %dma_wait3A_384 = arith.constant 0 : i32
      %dma_wait3A_385 = tpu.memref_slice %arg3[%dma_wait3A_383, %dma_wait3A_384] : memref<2x320000xi32, #tpu.memory_space<hbm>> -> memref<2x128xi32, #tpu.memory_space<hbm>>
      %dma_wait3A_386 = arith.constant 0 : i32
      %dma_wait3A_387 = arith.constant 0 : i32
      %dma_wait3A_388 = tpu.memref_slice %arg6[%dma_wait3A_378, %dma_wait3A_386, %dma_wait3A_387] : memref<4x2x128xi32, #tpu.memory_space<vmem>> -> memref<1x2x128xi32, #tpu.memory_space<vmem>>
      %dma_wait3A_389 = tpu.memref_squeeze %dma_wait3A_388 : memref<1x2x128xi32, #tpu.memory_space<vmem>> -> memref<2x128xi32, #tpu.memory_space<vmem>>
      %dma_wait3A_390 = arith.constant 0 : i32
      %dma_wait3A_391 = arith.constant 0 : i32
      %dma_wait3A_392 = tpu.memref_slice %arg3[%dma_wait3A_390, %dma_wait3A_391] : memref<2x320000xi32, #tpu.memory_space<hbm>> -> memref<2x128xi32, #tpu.memory_space<hbm>>
      tpu.wait_dma2 semaphore(%arg14 : memref<!tpu.dma_semaphore, #tpu.memory_space<semaphore_mem>>) src(%dma_wait3A_392 : memref<2x128xi32, #tpu.memory_space<hbm>>) dst(%dma_wait3A_389 : memref<2x128xi32, #tpu.memory_space<vmem>>)
      %add3A_393 = arith.constant 1 : i32
      %add3A_394 = arith.addi %cond3A_210, %add3A_393 : i32
      %eq3A_395 = arith.constant 78 : i32
      %eq3A_396 = arith.cmpi eq, %add3A_394, %eq3A_395 : i32
      %and3A_397 = arith.andi %eq3A_48, %eq3A_396 : i1
      %not3A = arith.constant true
      %not3A_398 = arith.xori %and3A_397, %not3A : i1
      %convert_element_type3A_399 = arith.extui %not3A_398 : i1 to i32
      %cond3A_400 = arith.constant 0 : i32
      %cond3A_401 = arith.cmpi ne, %convert_element_type3A_399, %cond3A_400 : i32
      scf.if %cond3A_401 {
        %dma_start3A_405 = arith.constant 3 : i32
        %dma_start3A_406 = arith.constant 0 : i32
        %dma_start3A_407 = arith.constant 0 : i32
        %dma_start3A_408 = tpu.memref_slice %arg6[%dma_start3A_405, %dma_start3A_406, %dma_start3A_407] : memref<4x2x128xi32, #tpu.memory_space<vmem>> -> memref<1x1x128xi32, #tpu.memory_space<vmem>>
        %dma_start3A_409 = tpu.memref_squeeze %dma_start3A_408 : memref<1x1x128xi32, #tpu.memory_space<vmem>> -> memref<128xi32, #tpu.memory_space<vmem>>
        %dma_start3A_410 = arith.constant 0 : i32
        %dma_start3A_411 = arith.constant 0 : i32
        %dma_start3A_412 = tpu.memref_slice %arg2[%dma_start3A_410, %dma_start3A_411] : memref<10000x128xf32, #tpu.memory_space<hbm>> -> memref<10000x128xf32, #tpu.memory_space<hbm>>
        tpu.enqueue_indirect_dma source(%dma_start3A_412 : memref<10000x128xf32, #tpu.memory_space<hbm>>) target(%arg7 : memref<128x128xf32, #tpu.memory_space<vmem>>) offsets(%dma_start3A_409 : memref<128xi32, #tpu.memory_space<vmem>>) semaphore(%arg15 : memref<!tpu.dma_semaphore, #tpu.memory_space<semaphore_mem>>)
      } else {
      }
      %convert_element_type3A_402 = arith.extui %and3A_397 : i1 to i32
      %cond3A_403 = arith.constant 0 : i32
      %cond3A_404 = arith.cmpi ne, %convert_element_type3A_402, %cond3A_403 : i32
      scf.if %cond3A_404 {
        tpu.enqueue_dma source(%arg4 : memref<128x128xf32, #tpu.memory_space<hbm>>) target(%arg7 : memref<128x128xf32, #tpu.memory_space<vmem>>) target_semaphore(%arg15 : memref<!tpu.dma_semaphore, #tpu.memory_space<semaphore_mem>>)
      } else {
      }
    } else {
    }
    tpu.wait_dma2 semaphore(%arg17 : memref<!tpu.dma_semaphore, #tpu.memory_space<semaphore_mem>>) src(%arg4 : memref<128x128xf32, #tpu.memory_space<hbm>>) dst(%arg9 : memref<128x128xf32, #tpu.memory_space<vmem>>)
    %dma_start3A_213 = arith.constant 2 : i32
    %dma_start3A_214 = arith.constant 1 : i32
    %dma_start3A_215 = arith.constant 0 : i32
    %dma_start3A_216 = tpu.memref_slice %arg6[%dma_start3A_213, %dma_start3A_214, %dma_start3A_215] : memref<4x2x128xi32, #tpu.memory_space<vmem>> -> memref<1x1x128xi32, #tpu.memory_space<vmem>>
    %dma_start3A_217 = tpu.memref_squeeze %dma_start3A_216 : memref<1x1x128xi32, #tpu.memory_space<vmem>> -> memref<128xi32, #tpu.memory_space<vmem>>
    %dma_start3A_218 = arith.constant 0 : i32
    %dma_start3A_219 = arith.constant 0 : i32
    %dma_start3A_220 = tpu.memref_slice %arg10[%dma_start3A_218, %dma_start3A_219] : memref<10104x128xf32, #tpu.memory_space<vmem_shared>> -> memref<10104x128xf32, #tpu.memory_space<vmem_shared>>
    tpu.enqueue_indirect_dma source(%arg9 : memref<128x128xf32, #tpu.memory_space<vmem>>) target(%dma_start3A_220 : memref<10104x128xf32, #tpu.memory_space<vmem_shared>>) offsets(%dma_start3A_217 : memref<128xi32, #tpu.memory_space<vmem>>) semaphore(%arg20 : memref<!tpu.dma_semaphore, #tpu.memory_space<semaphore_mem>>) {add = true}
    %ge3A_221 = arith.constant 75 : i32
    %ge3A_222 = arith.constant 2 : i32
    %ge3A_223 = arith.cmpi sge, %ge3A_221, %ge3A_222 : i32
    %convert_element_type3A_224 = arith.extui %ge3A_223 : i1 to i32
    %cond3A_225 = arith.constant 0 : i32
    %cond3A_226 = arith.cmpi ne, %convert_element_type3A_224, %cond3A_225 : i32
    scf.if %cond3A_226 {
      %dma_wait3A_376 = arith.constant 1 : i32
      %dma_wait3A_377 = arith.constant 1 : i32
      %dma_wait3A_378 = arith.constant 0 : i32
      %dma_wait3A_379 = tpu.memref_slice %arg6[%dma_wait3A_376, %dma_wait3A_377, %dma_wait3A_378] : memref<4x2x128xi32, #tpu.memory_space<vmem>> -> memref<1x1x128xi32, #tpu.memory_space<vmem>>
      %dma_wait3A_380 = tpu.memref_squeeze %dma_wait3A_379 : memref<1x1x128xi32, #tpu.memory_space<vmem>> -> memref<128xi32, #tpu.memory_space<vmem>>
      %dma_wait3A_381 = arith.constant 0 : i32
      %dma_wait3A_382 = arith.constant 0 : i32
      %dma_wait3A_383 = tpu.memref_slice %arg10[%dma_wait3A_381, %dma_wait3A_382] : memref<10104x128xf32, #tpu.memory_space<vmem_shared>> -> memref<10104x128xf32, #tpu.memory_space<vmem_shared>>
      tpu.wait_indirect_dma semaphore(%arg19 : memref<!tpu.dma_semaphore, #tpu.memory_space<semaphore_mem>>) src(%arg8 : memref<128x128xf32, #tpu.memory_space<vmem>>) dst(%dma_wait3A_383 : memref<10104x128xf32, #tpu.memory_space<vmem_shared>>)
    } else {
    }
    %add3A_227 = arith.constant 75 : i32
    %add3A_228 = arith.constant 2 : i32
    %add3A_229 = arith.addi %add3A_227, %add3A_228 : i32
    %lt3A_230 = arith.constant 79 : i32
    %lt3A_231 = arith.cmpi slt, %add3A_229, %lt3A_230 : i32
    %convert_element_type3A_232 = arith.extui %lt3A_231 : i1 to i32
    %cond3A_233 = arith.constant 75 : i32
    %cond3A_234 = arith.constant 0 : i32
    %cond3A_235 = arith.cmpi ne, %convert_element_type3A_232, %cond3A_234 : i32
    scf.if %cond3A_235 {
      %add3A_376 = arith.constant 2 : i32
      %add3A_377 = arith.addi %cond3A_233, %add3A_376 : i32
      %add3A_378 = arith.addi %select_n3A, %add3A_377 : i32
      %eq3A_379 = arith.constant 78 : i32
      %eq3A_380 = arith.cmpi eq, %add3A_377, %eq3A_379 : i32
      %and3A_381 = arith.andi %eq3A_48, %eq3A_380 : i1
      %select_n3A_382 = arith.select %and3A_381, %select_n3A, %add3A_378 : i32
      %mul3A_383 = arith.constant 128 : i32
      %mul3A_384 = arith.muli %select_n3A_382, %mul3A_383 : i32
      %dma_start3A_385 = arith.constant 1 : i32
      %dma_start3A_386 = arith.constant 0 : i32
      %dma_start3A_387 = arith.constant 0 : i32
      %dma_start3A_388 = tpu.memref_slice %arg6[%dma_start3A_385, %dma_start3A_386, %dma_start3A_387] : memref<4x2x128xi32, #tpu.memory_space<vmem>> -> memref<1x2x128xi32, #tpu.memory_space<vmem>>
      %dma_start3A_389 = tpu.memref_squeeze %dma_start3A_388 : memref<1x2x128xi32, #tpu.memory_space<vmem>> -> memref<2x128xi32, #tpu.memory_space<vmem>>
      %dma_start3A_390 = arith.constant 0 : i32
      %dma_start3A_391 = tpu.memref_slice %arg3[%dma_start3A_390, %mul3A_384] : memref<2x320000xi32, #tpu.memory_space<hbm>> -> memref<2x128xi32, #tpu.memory_space<hbm>>
      %dma_start3A_392 = arith.constant 0 : i32
      %dma_start3A_393 = arith.constant 0 : i32
      %dma_start3A_394 = tpu.memref_slice %arg6[%dma_start3A_385, %dma_start3A_392, %dma_start3A_393] : memref<4x2x128xi32, #tpu.memory_space<vmem>> -> memref<1x2x128xi32, #tpu.memory_space<vmem>>
      %dma_start3A_395 = tpu.memref_squeeze %dma_start3A_394 : memref<1x2x128xi32, #tpu.memory_space<vmem>> -> memref<2x128xi32, #tpu.memory_space<vmem>>
      %dma_start3A_396 = arith.constant 0 : i32
      %dma_start3A_397 = tpu.memref_slice %arg3[%dma_start3A_396, %mul3A_384] : memref<2x320000xi32, #tpu.memory_space<hbm>> -> memref<2x128xi32, #tpu.memory_space<hbm>>
      tpu.enqueue_dma source(%dma_start3A_397 : memref<2x128xi32, #tpu.memory_space<hbm>>) target(%dma_start3A_395 : memref<2x128xi32, #tpu.memory_space<vmem>>) target_semaphore(%arg12 : memref<!tpu.dma_semaphore, #tpu.memory_space<semaphore_mem>>)
    } else {
    }
    %add3A_236 = arith.constant 75 : i32
    %add3A_237 = arith.constant 1 : i32
    %add3A_238 = arith.addi %add3A_236, %add3A_237 : i32
    %lt3A_239 = arith.constant 79 : i32
    %lt3A_240 = arith.cmpi slt, %add3A_238, %lt3A_239 : i32
    %convert_element_type3A_241 = arith.extui %lt3A_240 : i1 to i32
    %cond3A_242 = arith.constant 75 : i32
    %cond3A_243 = arith.constant 0 : i32
    %cond3A_244 = arith.cmpi ne, %convert_element_type3A_241, %cond3A_243 : i32
    scf.if %cond3A_244 {
      %add3A_376 = arith.constant 1 : i32
      %add3A_377 = arith.addi %cond3A_242, %add3A_376 : i32
      %dma_wait3A_378 = arith.constant 0 : i32
      %dma_wait3A_379 = arith.constant 0 : i32
      %dma_wait3A_380 = arith.constant 0 : i32
      %dma_wait3A_381 = tpu.memref_slice %arg6[%dma_wait3A_378, %dma_wait3A_379, %dma_wait3A_380] : memref<4x2x128xi32, #tpu.memory_space<vmem>> -> memref<1x2x128xi32, #tpu.memory_space<vmem>>
      %dma_wait3A_382 = tpu.memref_squeeze %dma_wait3A_381 : memref<1x2x128xi32, #tpu.memory_space<vmem>> -> memref<2x128xi32, #tpu.memory_space<vmem>>
      %dma_wait3A_383 = arith.constant 0 : i32
      %dma_wait3A_384 = arith.constant 0 : i32
      %dma_wait3A_385 = tpu.memref_slice %arg3[%dma_wait3A_383, %dma_wait3A_384] : memref<2x320000xi32, #tpu.memory_space<hbm>> -> memref<2x128xi32, #tpu.memory_space<hbm>>
      %dma_wait3A_386 = arith.constant 0 : i32
      %dma_wait3A_387 = arith.constant 0 : i32
      %dma_wait3A_388 = tpu.memref_slice %arg6[%dma_wait3A_378, %dma_wait3A_386, %dma_wait3A_387] : memref<4x2x128xi32, #tpu.memory_space<vmem>> -> memref<1x2x128xi32, #tpu.memory_space<vmem>>
      %dma_wait3A_389 = tpu.memref_squeeze %dma_wait3A_388 : memref<1x2x128xi32, #tpu.memory_space<vmem>> -> memref<2x128xi32, #tpu.memory_space<vmem>>
      %dma_wait3A_390 = arith.constant 0 : i32
      %dma_wait3A_391 = arith.constant 0 : i32
      %dma_wait3A_392 = tpu.memref_slice %arg3[%dma_wait3A_390, %dma_wait3A_391] : memref<2x320000xi32, #tpu.memory_space<hbm>> -> memref<2x128xi32, #tpu.memory_space<hbm>>
      tpu.wait_dma2 semaphore(%arg11 : memref<!tpu.dma_semaphore, #tpu.memory_space<semaphore_mem>>) src(%dma_wait3A_392 : memref<2x128xi32, #tpu.memory_space<hbm>>) dst(%dma_wait3A_389 : memref<2x128xi32, #tpu.memory_space<vmem>>)
      %add3A_393 = arith.constant 1 : i32
      %add3A_394 = arith.addi %cond3A_242, %add3A_393 : i32
      %eq3A_395 = arith.constant 78 : i32
      %eq3A_396 = arith.cmpi eq, %add3A_394, %eq3A_395 : i32
      %and3A_397 = arith.andi %eq3A_48, %eq3A_396 : i1
      %not3A = arith.constant true
      %not3A_398 = arith.xori %and3A_397, %not3A : i1
      %convert_element_type3A_399 = arith.extui %not3A_398 : i1 to i32
      %cond3A_400 = arith.constant 0 : i32
      %cond3A_401 = arith.cmpi ne, %convert_element_type3A_399, %cond3A_400 : i32
      scf.if %cond3A_401 {
        %dma_start3A_405 = arith.constant 0 : i32
        %dma_start3A_406 = arith.constant 0 : i32
        %dma_start3A_407 = arith.constant 0 : i32
        %dma_start3A_408 = tpu.memref_slice %arg6[%dma_start3A_405, %dma_start3A_406, %dma_start3A_407] : memref<4x2x128xi32, #tpu.memory_space<vmem>> -> memref<1x1x128xi32, #tpu.memory_space<vmem>>
        %dma_start3A_409 = tpu.memref_squeeze %dma_start3A_408 : memref<1x1x128xi32, #tpu.memory_space<vmem>> -> memref<128xi32, #tpu.memory_space<vmem>>
        %dma_start3A_410 = arith.constant 0 : i32
        %dma_start3A_411 = arith.constant 0 : i32
        %dma_start3A_412 = tpu.memref_slice %arg2[%dma_start3A_410, %dma_start3A_411] : memref<10000x128xf32, #tpu.memory_space<hbm>> -> memref<10000x128xf32, #tpu.memory_space<hbm>>
        tpu.enqueue_indirect_dma source(%dma_start3A_412 : memref<10000x128xf32, #tpu.memory_space<hbm>>) target(%arg8 : memref<128x128xf32, #tpu.memory_space<vmem>>) offsets(%dma_start3A_409 : memref<128xi32, #tpu.memory_space<vmem>>) semaphore(%arg16 : memref<!tpu.dma_semaphore, #tpu.memory_space<semaphore_mem>>)
      } else {
      }
      %convert_element_type3A_402 = arith.extui %and3A_397 : i1 to i32
      %cond3A_403 = arith.constant 0 : i32
      %cond3A_404 = arith.cmpi ne, %convert_element_type3A_402, %cond3A_403 : i32
      scf.if %cond3A_404 {
        tpu.enqueue_dma source(%arg4 : memref<128x128xf32, #tpu.memory_space<hbm>>) target(%arg8 : memref<128x128xf32, #tpu.memory_space<vmem>>) target_semaphore(%arg16 : memref<!tpu.dma_semaphore, #tpu.memory_space<semaphore_mem>>)
      } else {
      }
    } else {
    }
    tpu.wait_dma2 semaphore(%arg15 : memref<!tpu.dma_semaphore, #tpu.memory_space<semaphore_mem>>) src(%arg4 : memref<128x128xf32, #tpu.memory_space<hbm>>) dst(%arg7 : memref<128x128xf32, #tpu.memory_space<vmem>>)
    %dma_start3A_245 = arith.constant 3 : i32
    %dma_start3A_246 = arith.constant 1 : i32
    %dma_start3A_247 = arith.constant 0 : i32
    %dma_start3A_248 = tpu.memref_slice %arg6[%dma_start3A_245, %dma_start3A_246, %dma_start3A_247] : memref<4x2x128xi32, #tpu.memory_space<vmem>> -> memref<1x1x128xi32, #tpu.memory_space<vmem>>
    %dma_start3A_249 = tpu.memref_squeeze %dma_start3A_248 : memref<1x1x128xi32, #tpu.memory_space<vmem>> -> memref<128xi32, #tpu.memory_space<vmem>>
    %dma_start3A_250 = arith.constant 0 : i32
    %dma_start3A_251 = arith.constant 0 : i32
    %dma_start3A_252 = tpu.memref_slice %arg10[%dma_start3A_250, %dma_start3A_251] : memref<10104x128xf32, #tpu.memory_space<vmem_shared>> -> memref<10104x128xf32, #tpu.memory_space<vmem_shared>>
    tpu.enqueue_indirect_dma source(%arg7 : memref<128x128xf32, #tpu.memory_space<vmem>>) target(%dma_start3A_252 : memref<10104x128xf32, #tpu.memory_space<vmem_shared>>) offsets(%dma_start3A_249 : memref<128xi32, #tpu.memory_space<vmem>>) semaphore(%arg18 : memref<!tpu.dma_semaphore, #tpu.memory_space<semaphore_mem>>) {add = true}
    %ge3A_253 = arith.constant 76 : i32
    %ge3A_254 = arith.constant 2 : i32
    %ge3A_255 = arith.cmpi sge, %ge3A_253, %ge3A_254 : i32
    %convert_element_type3A_256 = arith.extui %ge3A_255 : i1 to i32
    %cond3A_257 = arith.constant 0 : i32
    %cond3A_258 = arith.cmpi ne, %convert_element_type3A_256, %cond3A_257 : i32
    scf.if %cond3A_258 {
      %dma_wait3A_376 = arith.constant 2 : i32
      %dma_wait3A_377 = arith.constant 1 : i32
      %dma_wait3A_378 = arith.constant 0 : i32
      %dma_wait3A_379 = tpu.memref_slice %arg6[%dma_wait3A_376, %dma_wait3A_377, %dma_wait3A_378] : memref<4x2x128xi32, #tpu.memory_space<vmem>> -> memref<1x1x128xi32, #tpu.memory_space<vmem>>
      %dma_wait3A_380 = tpu.memref_squeeze %dma_wait3A_379 : memref<1x1x128xi32, #tpu.memory_space<vmem>> -> memref<128xi32, #tpu.memory_space<vmem>>
      %dma_wait3A_381 = arith.constant 0 : i32
      %dma_wait3A_382 = arith.constant 0 : i32
      %dma_wait3A_383 = tpu.memref_slice %arg10[%dma_wait3A_381, %dma_wait3A_382] : memref<10104x128xf32, #tpu.memory_space<vmem_shared>> -> memref<10104x128xf32, #tpu.memory_space<vmem_shared>>
      tpu.wait_indirect_dma semaphore(%arg20 : memref<!tpu.dma_semaphore, #tpu.memory_space<semaphore_mem>>) src(%arg9 : memref<128x128xf32, #tpu.memory_space<vmem>>) dst(%dma_wait3A_383 : memref<10104x128xf32, #tpu.memory_space<vmem_shared>>)
    } else {
    }
    %add3A_259 = arith.constant 76 : i32
    %add3A_260 = arith.constant 2 : i32
    %add3A_261 = arith.addi %add3A_259, %add3A_260 : i32
    %lt3A_262 = arith.constant 79 : i32
    %lt3A_263 = arith.cmpi slt, %add3A_261, %lt3A_262 : i32
    %convert_element_type3A_264 = arith.extui %lt3A_263 : i1 to i32
    %cond3A_265 = arith.constant 76 : i32
    %cond3A_266 = arith.constant 0 : i32
    %cond3A_267 = arith.cmpi ne, %convert_element_type3A_264, %cond3A_266 : i32
    scf.if %cond3A_267 {
      %add3A_376 = arith.constant 2 : i32
      %add3A_377 = arith.addi %cond3A_265, %add3A_376 : i32
      %add3A_378 = arith.addi %select_n3A, %add3A_377 : i32
      %eq3A_379 = arith.constant 78 : i32
      %eq3A_380 = arith.cmpi eq, %add3A_377, %eq3A_379 : i32
      %and3A_381 = arith.andi %eq3A_48, %eq3A_380 : i1
      %select_n3A_382 = arith.select %and3A_381, %select_n3A, %add3A_378 : i32
      %mul3A_383 = arith.constant 128 : i32
      %mul3A_384 = arith.muli %select_n3A_382, %mul3A_383 : i32
      %dma_start3A_385 = arith.constant 2 : i32
      %dma_start3A_386 = arith.constant 0 : i32
      %dma_start3A_387 = arith.constant 0 : i32
      %dma_start3A_388 = tpu.memref_slice %arg6[%dma_start3A_385, %dma_start3A_386, %dma_start3A_387] : memref<4x2x128xi32, #tpu.memory_space<vmem>> -> memref<1x2x128xi32, #tpu.memory_space<vmem>>
      %dma_start3A_389 = tpu.memref_squeeze %dma_start3A_388 : memref<1x2x128xi32, #tpu.memory_space<vmem>> -> memref<2x128xi32, #tpu.memory_space<vmem>>
      %dma_start3A_390 = arith.constant 0 : i32
      %dma_start3A_391 = tpu.memref_slice %arg3[%dma_start3A_390, %mul3A_384] : memref<2x320000xi32, #tpu.memory_space<hbm>> -> memref<2x128xi32, #tpu.memory_space<hbm>>
      %dma_start3A_392 = arith.constant 0 : i32
      %dma_start3A_393 = arith.constant 0 : i32
      %dma_start3A_394 = tpu.memref_slice %arg6[%dma_start3A_385, %dma_start3A_392, %dma_start3A_393] : memref<4x2x128xi32, #tpu.memory_space<vmem>> -> memref<1x2x128xi32, #tpu.memory_space<vmem>>
      %dma_start3A_395 = tpu.memref_squeeze %dma_start3A_394 : memref<1x2x128xi32, #tpu.memory_space<vmem>> -> memref<2x128xi32, #tpu.memory_space<vmem>>
      %dma_start3A_396 = arith.constant 0 : i32
      %dma_start3A_397 = tpu.memref_slice %arg3[%dma_start3A_396, %mul3A_384] : memref<2x320000xi32, #tpu.memory_space<hbm>> -> memref<2x128xi32, #tpu.memory_space<hbm>>
      tpu.enqueue_dma source(%dma_start3A_397 : memref<2x128xi32, #tpu.memory_space<hbm>>) target(%dma_start3A_395 : memref<2x128xi32, #tpu.memory_space<vmem>>) target_semaphore(%arg13 : memref<!tpu.dma_semaphore, #tpu.memory_space<semaphore_mem>>)
    } else {
    }
    %add3A_268 = arith.constant 76 : i32
    %add3A_269 = arith.constant 1 : i32
    %add3A_270 = arith.addi %add3A_268, %add3A_269 : i32
    %lt3A_271 = arith.constant 79 : i32
    %lt3A_272 = arith.cmpi slt, %add3A_270, %lt3A_271 : i32
    %convert_element_type3A_273 = arith.extui %lt3A_272 : i1 to i32
    %cond3A_274 = arith.constant 76 : i32
    %cond3A_275 = arith.constant 0 : i32
    %cond3A_276 = arith.cmpi ne, %convert_element_type3A_273, %cond3A_275 : i32
    scf.if %cond3A_276 {
      %add3A_376 = arith.constant 1 : i32
      %add3A_377 = arith.addi %cond3A_274, %add3A_376 : i32
      %dma_wait3A_378 = arith.constant 1 : i32
      %dma_wait3A_379 = arith.constant 0 : i32
      %dma_wait3A_380 = arith.constant 0 : i32
      %dma_wait3A_381 = tpu.memref_slice %arg6[%dma_wait3A_378, %dma_wait3A_379, %dma_wait3A_380] : memref<4x2x128xi32, #tpu.memory_space<vmem>> -> memref<1x2x128xi32, #tpu.memory_space<vmem>>
      %dma_wait3A_382 = tpu.memref_squeeze %dma_wait3A_381 : memref<1x2x128xi32, #tpu.memory_space<vmem>> -> memref<2x128xi32, #tpu.memory_space<vmem>>
      %dma_wait3A_383 = arith.constant 0 : i32
      %dma_wait3A_384 = arith.constant 0 : i32
      %dma_wait3A_385 = tpu.memref_slice %arg3[%dma_wait3A_383, %dma_wait3A_384] : memref<2x320000xi32, #tpu.memory_space<hbm>> -> memref<2x128xi32, #tpu.memory_space<hbm>>
      %dma_wait3A_386 = arith.constant 0 : i32
      %dma_wait3A_387 = arith.constant 0 : i32
      %dma_wait3A_388 = tpu.memref_slice %arg6[%dma_wait3A_378, %dma_wait3A_386, %dma_wait3A_387] : memref<4x2x128xi32, #tpu.memory_space<vmem>> -> memref<1x2x128xi32, #tpu.memory_space<vmem>>
      %dma_wait3A_389 = tpu.memref_squeeze %dma_wait3A_388 : memref<1x2x128xi32, #tpu.memory_space<vmem>> -> memref<2x128xi32, #tpu.memory_space<vmem>>
      %dma_wait3A_390 = arith.constant 0 : i32
      %dma_wait3A_391 = arith.constant 0 : i32
      %dma_wait3A_392 = tpu.memref_slice %arg3[%dma_wait3A_390, %dma_wait3A_391] : memref<2x320000xi32, #tpu.memory_space<hbm>> -> memref<2x128xi32, #tpu.memory_space<hbm>>
      tpu.wait_dma2 semaphore(%arg12 : memref<!tpu.dma_semaphore, #tpu.memory_space<semaphore_mem>>) src(%dma_wait3A_392 : memref<2x128xi32, #tpu.memory_space<hbm>>) dst(%dma_wait3A_389 : memref<2x128xi32, #tpu.memory_space<vmem>>)
      %add3A_393 = arith.constant 1 : i32
      %add3A_394 = arith.addi %cond3A_274, %add3A_393 : i32
      %eq3A_395 = arith.constant 78 : i32
      %eq3A_396 = arith.cmpi eq, %add3A_394, %eq3A_395 : i32
      %and3A_397 = arith.andi %eq3A_48, %eq3A_396 : i1
      %not3A = arith.constant true
      %not3A_398 = arith.xori %and3A_397, %not3A : i1
      %convert_element_type3A_399 = arith.extui %not3A_398 : i1 to i32
      %cond3A_400 = arith.constant 0 : i32
      %cond3A_401 = arith.cmpi ne, %convert_element_type3A_399, %cond3A_400 : i32
      scf.if %cond3A_401 {
        %dma_start3A_405 = arith.constant 1 : i32
        %dma_start3A_406 = arith.constant 0 : i32
        %dma_start3A_407 = arith.constant 0 : i32
        %dma_start3A_408 = tpu.memref_slice %arg6[%dma_start3A_405, %dma_start3A_406, %dma_start3A_407] : memref<4x2x128xi32, #tpu.memory_space<vmem>> -> memref<1x1x128xi32, #tpu.memory_space<vmem>>
        %dma_start3A_409 = tpu.memref_squeeze %dma_start3A_408 : memref<1x1x128xi32, #tpu.memory_space<vmem>> -> memref<128xi32, #tpu.memory_space<vmem>>
        %dma_start3A_410 = arith.constant 0 : i32
        %dma_start3A_411 = arith.constant 0 : i32
        %dma_start3A_412 = tpu.memref_slice %arg2[%dma_start3A_410, %dma_start3A_411] : memref<10000x128xf32, #tpu.memory_space<hbm>> -> memref<10000x128xf32, #tpu.memory_space<hbm>>
        tpu.enqueue_indirect_dma source(%dma_start3A_412 : memref<10000x128xf32, #tpu.memory_space<hbm>>) target(%arg9 : memref<128x128xf32, #tpu.memory_space<vmem>>) offsets(%dma_start3A_409 : memref<128xi32, #tpu.memory_space<vmem>>) semaphore(%arg17 : memref<!tpu.dma_semaphore, #tpu.memory_space<semaphore_mem>>)
      } else {
      }
      %convert_element_type3A_402 = arith.extui %and3A_397 : i1 to i32
      %cond3A_403 = arith.constant 0 : i32
      %cond3A_404 = arith.cmpi ne, %convert_element_type3A_402, %cond3A_403 : i32
      scf.if %cond3A_404 {
        tpu.enqueue_dma source(%arg4 : memref<128x128xf32, #tpu.memory_space<hbm>>) target(%arg9 : memref<128x128xf32, #tpu.memory_space<vmem>>) target_semaphore(%arg17 : memref<!tpu.dma_semaphore, #tpu.memory_space<semaphore_mem>>)
      } else {
      }
    } else {
    }
    tpu.wait_dma2 semaphore(%arg16 : memref<!tpu.dma_semaphore, #tpu.memory_space<semaphore_mem>>) src(%arg4 : memref<128x128xf32, #tpu.memory_space<hbm>>) dst(%arg8 : memref<128x128xf32, #tpu.memory_space<vmem>>)
    %dma_start3A_277 = arith.constant 0 : i32
    %dma_start3A_278 = arith.constant 1 : i32
    %dma_start3A_279 = arith.constant 0 : i32
    %dma_start3A_280 = tpu.memref_slice %arg6[%dma_start3A_277, %dma_start3A_278, %dma_start3A_279] : memref<4x2x128xi32, #tpu.memory_space<vmem>> -> memref<1x1x128xi32, #tpu.memory_space<vmem>>
    %dma_start3A_281 = tpu.memref_squeeze %dma_start3A_280 : memref<1x1x128xi32, #tpu.memory_space<vmem>> -> memref<128xi32, #tpu.memory_space<vmem>>
    %dma_start3A_282 = arith.constant 0 : i32
    %dma_start3A_283 = arith.constant 0 : i32
    %dma_start3A_284 = tpu.memref_slice %arg10[%dma_start3A_282, %dma_start3A_283] : memref<10104x128xf32, #tpu.memory_space<vmem_shared>> -> memref<10104x128xf32, #tpu.memory_space<vmem_shared>>
    tpu.enqueue_indirect_dma source(%arg8 : memref<128x128xf32, #tpu.memory_space<vmem>>) target(%dma_start3A_284 : memref<10104x128xf32, #tpu.memory_space<vmem_shared>>) offsets(%dma_start3A_281 : memref<128xi32, #tpu.memory_space<vmem>>) semaphore(%arg19 : memref<!tpu.dma_semaphore, #tpu.memory_space<semaphore_mem>>) {add = true}
    %ge3A_285 = arith.constant 77 : i32
    %ge3A_286 = arith.constant 2 : i32
    %ge3A_287 = arith.cmpi sge, %ge3A_285, %ge3A_286 : i32
    %convert_element_type3A_288 = arith.extui %ge3A_287 : i1 to i32
    %cond3A_289 = arith.constant 0 : i32
    %cond3A_290 = arith.cmpi ne, %convert_element_type3A_288, %cond3A_289 : i32
    scf.if %cond3A_290 {
      %dma_wait3A_376 = arith.constant 3 : i32
      %dma_wait3A_377 = arith.constant 1 : i32
      %dma_wait3A_378 = arith.constant 0 : i32
      %dma_wait3A_379 = tpu.memref_slice %arg6[%dma_wait3A_376, %dma_wait3A_377, %dma_wait3A_378] : memref<4x2x128xi32, #tpu.memory_space<vmem>> -> memref<1x1x128xi32, #tpu.memory_space<vmem>>
      %dma_wait3A_380 = tpu.memref_squeeze %dma_wait3A_379 : memref<1x1x128xi32, #tpu.memory_space<vmem>> -> memref<128xi32, #tpu.memory_space<vmem>>
      %dma_wait3A_381 = arith.constant 0 : i32
      %dma_wait3A_382 = arith.constant 0 : i32
      %dma_wait3A_383 = tpu.memref_slice %arg10[%dma_wait3A_381, %dma_wait3A_382] : memref<10104x128xf32, #tpu.memory_space<vmem_shared>> -> memref<10104x128xf32, #tpu.memory_space<vmem_shared>>
      tpu.wait_indirect_dma semaphore(%arg18 : memref<!tpu.dma_semaphore, #tpu.memory_space<semaphore_mem>>) src(%arg7 : memref<128x128xf32, #tpu.memory_space<vmem>>) dst(%dma_wait3A_383 : memref<10104x128xf32, #tpu.memory_space<vmem_shared>>)
    } else {
    }
    %add3A_291 = arith.constant 77 : i32
    %add3A_292 = arith.constant 2 : i32
    %add3A_293 = arith.addi %add3A_291, %add3A_292 : i32
    %lt3A_294 = arith.constant 79 : i32
    %lt3A_295 = arith.cmpi slt, %add3A_293, %lt3A_294 : i32
    %convert_element_type3A_296 = arith.extui %lt3A_295 : i1 to i32
    %cond3A_297 = arith.constant 77 : i32
    %cond3A_298 = arith.constant 0 : i32
    %cond3A_299 = arith.cmpi ne, %convert_element_type3A_296, %cond3A_298 : i32
    scf.if %cond3A_299 {
      %add3A_376 = arith.constant 2 : i32
      %add3A_377 = arith.addi %cond3A_297, %add3A_376 : i32
      %add3A_378 = arith.addi %select_n3A, %add3A_377 : i32
      %eq3A_379 = arith.constant 78 : i32
      %eq3A_380 = arith.cmpi eq, %add3A_377, %eq3A_379 : i32
      %and3A_381 = arith.andi %eq3A_48, %eq3A_380 : i1
      %select_n3A_382 = arith.select %and3A_381, %select_n3A, %add3A_378 : i32
      %mul3A_383 = arith.constant 128 : i32
      %mul3A_384 = arith.muli %select_n3A_382, %mul3A_383 : i32
      %dma_start3A_385 = arith.constant 3 : i32
      %dma_start3A_386 = arith.constant 0 : i32
      %dma_start3A_387 = arith.constant 0 : i32
      %dma_start3A_388 = tpu.memref_slice %arg6[%dma_start3A_385, %dma_start3A_386, %dma_start3A_387] : memref<4x2x128xi32, #tpu.memory_space<vmem>> -> memref<1x2x128xi32, #tpu.memory_space<vmem>>
      %dma_start3A_389 = tpu.memref_squeeze %dma_start3A_388 : memref<1x2x128xi32, #tpu.memory_space<vmem>> -> memref<2x128xi32, #tpu.memory_space<vmem>>
      %dma_start3A_390 = arith.constant 0 : i32
      %dma_start3A_391 = tpu.memref_slice %arg3[%dma_start3A_390, %mul3A_384] : memref<2x320000xi32, #tpu.memory_space<hbm>> -> memref<2x128xi32, #tpu.memory_space<hbm>>
      %dma_start3A_392 = arith.constant 0 : i32
      %dma_start3A_393 = arith.constant 0 : i32
      %dma_start3A_394 = tpu.memref_slice %arg6[%dma_start3A_385, %dma_start3A_392, %dma_start3A_393] : memref<4x2x128xi32, #tpu.memory_space<vmem>> -> memref<1x2x128xi32, #tpu.memory_space<vmem>>
      %dma_start3A_395 = tpu.memref_squeeze %dma_start3A_394 : memref<1x2x128xi32, #tpu.memory_space<vmem>> -> memref<2x128xi32, #tpu.memory_space<vmem>>
      %dma_start3A_396 = arith.constant 0 : i32
      %dma_start3A_397 = tpu.memref_slice %arg3[%dma_start3A_396, %mul3A_384] : memref<2x320000xi32, #tpu.memory_space<hbm>> -> memref<2x128xi32, #tpu.memory_space<hbm>>
      tpu.enqueue_dma source(%dma_start3A_397 : memref<2x128xi32, #tpu.memory_space<hbm>>) target(%dma_start3A_395 : memref<2x128xi32, #tpu.memory_space<vmem>>) target_semaphore(%arg14 : memref<!tpu.dma_semaphore, #tpu.memory_space<semaphore_mem>>)
    } else {
    }
    %add3A_300 = arith.constant 77 : i32
    %add3A_301 = arith.constant 1 : i32
    %add3A_302 = arith.addi %add3A_300, %add3A_301 : i32
    %lt3A_303 = arith.constant 79 : i32
    %lt3A_304 = arith.cmpi slt, %add3A_302, %lt3A_303 : i32
    %convert_element_type3A_305 = arith.extui %lt3A_304 : i1 to i32
    %cond3A_306 = arith.constant 77 : i32
    %cond3A_307 = arith.constant 0 : i32
    %cond3A_308 = arith.cmpi ne, %convert_element_type3A_305, %cond3A_307 : i32
    scf.if %cond3A_308 {
      %add3A_376 = arith.constant 1 : i32
      %add3A_377 = arith.addi %cond3A_306, %add3A_376 : i32
      %dma_wait3A_378 = arith.constant 2 : i32
      %dma_wait3A_379 = arith.constant 0 : i32
      %dma_wait3A_380 = arith.constant 0 : i32
      %dma_wait3A_381 = tpu.memref_slice %arg6[%dma_wait3A_378, %dma_wait3A_379, %dma_wait3A_380] : memref<4x2x128xi32, #tpu.memory_space<vmem>> -> memref<1x2x128xi32, #tpu.memory_space<vmem>>
      %dma_wait3A_382 = tpu.memref_squeeze %dma_wait3A_381 : memref<1x2x128xi32, #tpu.memory_space<vmem>> -> memref<2x128xi32, #tpu.memory_space<vmem>>
      %dma_wait3A_383 = arith.constant 0 : i32
      %dma_wait3A_384 = arith.constant 0 : i32
      %dma_wait3A_385 = tpu.memref_slice %arg3[%dma_wait3A_383, %dma_wait3A_384] : memref<2x320000xi32, #tpu.memory_space<hbm>> -> memref<2x128xi32, #tpu.memory_space<hbm>>
      %dma_wait3A_386 = arith.constant 0 : i32
      %dma_wait3A_387 = arith.constant 0 : i32
      %dma_wait3A_388 = tpu.memref_slice %arg6[%dma_wait3A_378, %dma_wait3A_386, %dma_wait3A_387] : memref<4x2x128xi32, #tpu.memory_space<vmem>> -> memref<1x2x128xi32, #tpu.memory_space<vmem>>
      %dma_wait3A_389 = tpu.memref_squeeze %dma_wait3A_388 : memref<1x2x128xi32, #tpu.memory_space<vmem>> -> memref<2x128xi32, #tpu.memory_space<vmem>>
      %dma_wait3A_390 = arith.constant 0 : i32
      %dma_wait3A_391 = arith.constant 0 : i32
      %dma_wait3A_392 = tpu.memref_slice %arg3[%dma_wait3A_390, %dma_wait3A_391] : memref<2x320000xi32, #tpu.memory_space<hbm>> -> memref<2x128xi32, #tpu.memory_space<hbm>>
      tpu.wait_dma2 semaphore(%arg13 : memref<!tpu.dma_semaphore, #tpu.memory_space<semaphore_mem>>) src(%dma_wait3A_392 : memref<2x128xi32, #tpu.memory_space<hbm>>) dst(%dma_wait3A_389 : memref<2x128xi32, #tpu.memory_space<vmem>>)
      %add3A_393 = arith.constant 1 : i32
      %add3A_394 = arith.addi %cond3A_306, %add3A_393 : i32
      %eq3A_395 = arith.constant 78 : i32
      %eq3A_396 = arith.cmpi eq, %add3A_394, %eq3A_395 : i32
      %and3A_397 = arith.andi %eq3A_48, %eq3A_396 : i1
      %not3A = arith.constant true
      %not3A_398 = arith.xori %and3A_397, %not3A : i1
      %convert_element_type3A_399 = arith.extui %not3A_398 : i1 to i32
      %cond3A_400 = arith.constant 0 : i32
      %cond3A_401 = arith.cmpi ne, %convert_element_type3A_399, %cond3A_400 : i32
      scf.if %cond3A_401 {
        %dma_start3A_405 = arith.constant 2 : i32
        %dma_start3A_406 = arith.constant 0 : i32
        %dma_start3A_407 = arith.constant 0 : i32
        %dma_start3A_408 = tpu.memref_slice %arg6[%dma_start3A_405, %dma_start3A_406, %dma_start3A_407] : memref<4x2x128xi32, #tpu.memory_space<vmem>> -> memref<1x1x128xi32, #tpu.memory_space<vmem>>
        %dma_start3A_409 = tpu.memref_squeeze %dma_start3A_408 : memref<1x1x128xi32, #tpu.memory_space<vmem>> -> memref<128xi32, #tpu.memory_space<vmem>>
        %dma_start3A_410 = arith.constant 0 : i32
        %dma_start3A_411 = arith.constant 0 : i32
        %dma_start3A_412 = tpu.memref_slice %arg2[%dma_start3A_410, %dma_start3A_411] : memref<10000x128xf32, #tpu.memory_space<hbm>> -> memref<10000x128xf32, #tpu.memory_space<hbm>>
        tpu.enqueue_indirect_dma source(%dma_start3A_412 : memref<10000x128xf32, #tpu.memory_space<hbm>>) target(%arg7 : memref<128x128xf32, #tpu.memory_space<vmem>>) offsets(%dma_start3A_409 : memref<128xi32, #tpu.memory_space<vmem>>) semaphore(%arg15 : memref<!tpu.dma_semaphore, #tpu.memory_space<semaphore_mem>>)
      } else {
      }
      %convert_element_type3A_402 = arith.extui %and3A_397 : i1 to i32
      %cond3A_403 = arith.constant 0 : i32
      %cond3A_404 = arith.cmpi ne, %convert_element_type3A_402, %cond3A_403 : i32
      scf.if %cond3A_404 {
        tpu.enqueue_dma source(%arg4 : memref<128x128xf32, #tpu.memory_space<hbm>>) target(%arg7 : memref<128x128xf32, #tpu.memory_space<vmem>>) target_semaphore(%arg15 : memref<!tpu.dma_semaphore, #tpu.memory_space<semaphore_mem>>)
      } else {
      }
    } else {
    }
    tpu.wait_dma2 semaphore(%arg17 : memref<!tpu.dma_semaphore, #tpu.memory_space<semaphore_mem>>) src(%arg4 : memref<128x128xf32, #tpu.memory_space<hbm>>) dst(%arg9 : memref<128x128xf32, #tpu.memory_space<vmem>>)
    %dma_start3A_309 = arith.constant 1 : i32
    %dma_start3A_310 = arith.constant 1 : i32
    %dma_start3A_311 = arith.constant 0 : i32
    %dma_start3A_312 = tpu.memref_slice %arg6[%dma_start3A_309, %dma_start3A_310, %dma_start3A_311] : memref<4x2x128xi32, #tpu.memory_space<vmem>> -> memref<1x1x128xi32, #tpu.memory_space<vmem>>
    %dma_start3A_313 = tpu.memref_squeeze %dma_start3A_312 : memref<1x1x128xi32, #tpu.memory_space<vmem>> -> memref<128xi32, #tpu.memory_space<vmem>>
    %dma_start3A_314 = arith.constant 0 : i32
    %dma_start3A_315 = arith.constant 0 : i32
    %dma_start3A_316 = tpu.memref_slice %arg10[%dma_start3A_314, %dma_start3A_315] : memref<10104x128xf32, #tpu.memory_space<vmem_shared>> -> memref<10104x128xf32, #tpu.memory_space<vmem_shared>>
    tpu.enqueue_indirect_dma source(%arg9 : memref<128x128xf32, #tpu.memory_space<vmem>>) target(%dma_start3A_316 : memref<10104x128xf32, #tpu.memory_space<vmem_shared>>) offsets(%dma_start3A_313 : memref<128xi32, #tpu.memory_space<vmem>>) semaphore(%arg20 : memref<!tpu.dma_semaphore, #tpu.memory_space<semaphore_mem>>) {add = true}
    %ge3A_317 = arith.constant 78 : i32
    %ge3A_318 = arith.constant 2 : i32
    %ge3A_319 = arith.cmpi sge, %ge3A_317, %ge3A_318 : i32
    %convert_element_type3A_320 = arith.extui %ge3A_319 : i1 to i32
    %cond3A_321 = arith.constant 0 : i32
    %cond3A_322 = arith.cmpi ne, %convert_element_type3A_320, %cond3A_321 : i32
    scf.if %cond3A_322 {
      %dma_wait3A_376 = arith.constant 0 : i32
      %dma_wait3A_377 = arith.constant 1 : i32
      %dma_wait3A_378 = arith.constant 0 : i32
      %dma_wait3A_379 = tpu.memref_slice %arg6[%dma_wait3A_376, %dma_wait3A_377, %dma_wait3A_378] : memref<4x2x128xi32, #tpu.memory_space<vmem>> -> memref<1x1x128xi32, #tpu.memory_space<vmem>>
      %dma_wait3A_380 = tpu.memref_squeeze %dma_wait3A_379 : memref<1x1x128xi32, #tpu.memory_space<vmem>> -> memref<128xi32, #tpu.memory_space<vmem>>
      %dma_wait3A_381 = arith.constant 0 : i32
      %dma_wait3A_382 = arith.constant 0 : i32
      %dma_wait3A_383 = tpu.memref_slice %arg10[%dma_wait3A_381, %dma_wait3A_382] : memref<10104x128xf32, #tpu.memory_space<vmem_shared>> -> memref<10104x128xf32, #tpu.memory_space<vmem_shared>>
      tpu.wait_indirect_dma semaphore(%arg19 : memref<!tpu.dma_semaphore, #tpu.memory_space<semaphore_mem>>) src(%arg8 : memref<128x128xf32, #tpu.memory_space<vmem>>) dst(%dma_wait3A_383 : memref<10104x128xf32, #tpu.memory_space<vmem_shared>>)
    } else {
    }
    %add3A_323 = arith.constant 78 : i32
    %add3A_324 = arith.constant 2 : i32
    %add3A_325 = arith.addi %add3A_323, %add3A_324 : i32
    %lt3A_326 = arith.constant 79 : i32
    %lt3A_327 = arith.cmpi slt, %add3A_325, %lt3A_326 : i32
    %convert_element_type3A_328 = arith.extui %lt3A_327 : i1 to i32
    %cond3A_329 = arith.constant 78 : i32
    %cond3A_330 = arith.constant 0 : i32
    %cond3A_331 = arith.cmpi ne, %convert_element_type3A_328, %cond3A_330 : i32
    scf.if %cond3A_331 {
      %add3A_376 = arith.constant 2 : i32
      %add3A_377 = arith.addi %cond3A_329, %add3A_376 : i32
      %add3A_378 = arith.addi %select_n3A, %add3A_377 : i32
      %eq3A_379 = arith.constant 78 : i32
      %eq3A_380 = arith.cmpi eq, %add3A_377, %eq3A_379 : i32
      %and3A_381 = arith.andi %eq3A_48, %eq3A_380 : i1
      %select_n3A_382 = arith.select %and3A_381, %select_n3A, %add3A_378 : i32
      %mul3A_383 = arith.constant 128 : i32
      %mul3A_384 = arith.muli %select_n3A_382, %mul3A_383 : i32
      %dma_start3A_385 = arith.constant 0 : i32
      %dma_start3A_386 = arith.constant 0 : i32
      %dma_start3A_387 = arith.constant 0 : i32
      %dma_start3A_388 = tpu.memref_slice %arg6[%dma_start3A_385, %dma_start3A_386, %dma_start3A_387] : memref<4x2x128xi32, #tpu.memory_space<vmem>> -> memref<1x2x128xi32, #tpu.memory_space<vmem>>
      %dma_start3A_389 = tpu.memref_squeeze %dma_start3A_388 : memref<1x2x128xi32, #tpu.memory_space<vmem>> -> memref<2x128xi32, #tpu.memory_space<vmem>>
      %dma_start3A_390 = arith.constant 0 : i32
      %dma_start3A_391 = tpu.memref_slice %arg3[%dma_start3A_390, %mul3A_384] : memref<2x320000xi32, #tpu.memory_space<hbm>> -> memref<2x128xi32, #tpu.memory_space<hbm>>
      %dma_start3A_392 = arith.constant 0 : i32
      %dma_start3A_393 = arith.constant 0 : i32
      %dma_start3A_394 = tpu.memref_slice %arg6[%dma_start3A_385, %dma_start3A_392, %dma_start3A_393] : memref<4x2x128xi32, #tpu.memory_space<vmem>> -> memref<1x2x128xi32, #tpu.memory_space<vmem>>
      %dma_start3A_395 = tpu.memref_squeeze %dma_start3A_394 : memref<1x2x128xi32, #tpu.memory_space<vmem>> -> memref<2x128xi32, #tpu.memory_space<vmem>>
      %dma_start3A_396 = arith.constant 0 : i32
      %dma_start3A_397 = tpu.memref_slice %arg3[%dma_start3A_396, %mul3A_384] : memref<2x320000xi32, #tpu.memory_space<hbm>> -> memref<2x128xi32, #tpu.memory_space<hbm>>
      tpu.enqueue_dma source(%dma_start3A_397 : memref<2x128xi32, #tpu.memory_space<hbm>>) target(%dma_start3A_395 : memref<2x128xi32, #tpu.memory_space<vmem>>) target_semaphore(%arg11 : memref<!tpu.dma_semaphore, #tpu.memory_space<semaphore_mem>>)
    } else {
    }
    %add3A_332 = arith.constant 78 : i32
    %add3A_333 = arith.constant 1 : i32
    %add3A_334 = arith.addi %add3A_332, %add3A_333 : i32
    %lt3A_335 = arith.constant 79 : i32
    %lt3A_336 = arith.cmpi slt, %add3A_334, %lt3A_335 : i32
    %convert_element_type3A_337 = arith.extui %lt3A_336 : i1 to i32
    %cond3A_338 = arith.constant 78 : i32
    %cond3A_339 = arith.constant 0 : i32
    %cond3A_340 = arith.cmpi ne, %convert_element_type3A_337, %cond3A_339 : i32
    scf.if %cond3A_340 {
      %add3A_376 = arith.constant 1 : i32
      %add3A_377 = arith.addi %cond3A_338, %add3A_376 : i32
      %dma_wait3A_378 = arith.constant 3 : i32
      %dma_wait3A_379 = arith.constant 0 : i32
      %dma_wait3A_380 = arith.constant 0 : i32
      %dma_wait3A_381 = tpu.memref_slice %arg6[%dma_wait3A_378, %dma_wait3A_379, %dma_wait3A_380] : memref<4x2x128xi32, #tpu.memory_space<vmem>> -> memref<1x2x128xi32, #tpu.memory_space<vmem>>
      %dma_wait3A_382 = tpu.memref_squeeze %dma_wait3A_381 : memref<1x2x128xi32, #tpu.memory_space<vmem>> -> memref<2x128xi32, #tpu.memory_space<vmem>>
      %dma_wait3A_383 = arith.constant 0 : i32
      %dma_wait3A_384 = arith.constant 0 : i32
      %dma_wait3A_385 = tpu.memref_slice %arg3[%dma_wait3A_383, %dma_wait3A_384] : memref<2x320000xi32, #tpu.memory_space<hbm>> -> memref<2x128xi32, #tpu.memory_space<hbm>>
      %dma_wait3A_386 = arith.constant 0 : i32
      %dma_wait3A_387 = arith.constant 0 : i32
      %dma_wait3A_388 = tpu.memref_slice %arg6[%dma_wait3A_378, %dma_wait3A_386, %dma_wait3A_387] : memref<4x2x128xi32, #tpu.memory_space<vmem>> -> memref<1x2x128xi32, #tpu.memory_space<vmem>>
      %dma_wait3A_389 = tpu.memref_squeeze %dma_wait3A_388 : memref<1x2x128xi32, #tpu.memory_space<vmem>> -> memref<2x128xi32, #tpu.memory_space<vmem>>
      %dma_wait3A_390 = arith.constant 0 : i32
      %dma_wait3A_391 = arith.constant 0 : i32
      %dma_wait3A_392 = tpu.memref_slice %arg3[%dma_wait3A_390, %dma_wait3A_391] : memref<2x320000xi32, #tpu.memory_space<hbm>> -> memref<2x128xi32, #tpu.memory_space<hbm>>
      tpu.wait_dma2 semaphore(%arg14 : memref<!tpu.dma_semaphore, #tpu.memory_space<semaphore_mem>>) src(%dma_wait3A_392 : memref<2x128xi32, #tpu.memory_space<hbm>>) dst(%dma_wait3A_389 : memref<2x128xi32, #tpu.memory_space<vmem>>)
      %add3A_393 = arith.constant 1 : i32
      %add3A_394 = arith.addi %cond3A_338, %add3A_393 : i32
      %eq3A_395 = arith.constant 78 : i32
      %eq3A_396 = arith.cmpi eq, %add3A_394, %eq3A_395 : i32
      %and3A_397 = arith.andi %eq3A_48, %eq3A_396 : i1
      %not3A = arith.constant true
      %not3A_398 = arith.xori %and3A_397, %not3A : i1
      %convert_element_type3A_399 = arith.extui %not3A_398 : i1 to i32
      %cond3A_400 = arith.constant 0 : i32
      %cond3A_401 = arith.cmpi ne, %convert_element_type3A_399, %cond3A_400 : i32
      scf.if %cond3A_401 {
        %dma_start3A_405 = arith.constant 3 : i32
        %dma_start3A_406 = arith.constant 0 : i32
        %dma_start3A_407 = arith.constant 0 : i32
        %dma_start3A_408 = tpu.memref_slice %arg6[%dma_start3A_405, %dma_start3A_406, %dma_start3A_407] : memref<4x2x128xi32, #tpu.memory_space<vmem>> -> memref<1x1x128xi32, #tpu.memory_space<vmem>>
        %dma_start3A_409 = tpu.memref_squeeze %dma_start3A_408 : memref<1x1x128xi32, #tpu.memory_space<vmem>> -> memref<128xi32, #tpu.memory_space<vmem>>
        %dma_start3A_410 = arith.constant 0 : i32
        %dma_start3A_411 = arith.constant 0 : i32
        %dma_start3A_412 = tpu.memref_slice %arg2[%dma_start3A_410, %dma_start3A_411] : memref<10000x128xf32, #tpu.memory_space<hbm>> -> memref<10000x128xf32, #tpu.memory_space<hbm>>
        tpu.enqueue_indirect_dma source(%dma_start3A_412 : memref<10000x128xf32, #tpu.memory_space<hbm>>) target(%arg8 : memref<128x128xf32, #tpu.memory_space<vmem>>) offsets(%dma_start3A_409 : memref<128xi32, #tpu.memory_space<vmem>>) semaphore(%arg16 : memref<!tpu.dma_semaphore, #tpu.memory_space<semaphore_mem>>)
      } else {
      }
      %convert_element_type3A_402 = arith.extui %and3A_397 : i1 to i32
      %cond3A_403 = arith.constant 0 : i32
      %cond3A_404 = arith.cmpi ne, %convert_element_type3A_402, %cond3A_403 : i32
      scf.if %cond3A_404 {
        tpu.enqueue_dma source(%arg4 : memref<128x128xf32, #tpu.memory_space<hbm>>) target(%arg8 : memref<128x128xf32, #tpu.memory_space<vmem>>) target_semaphore(%arg16 : memref<!tpu.dma_semaphore, #tpu.memory_space<semaphore_mem>>)
      } else {
      }
    } else {
    }
    tpu.wait_dma2 semaphore(%arg15 : memref<!tpu.dma_semaphore, #tpu.memory_space<semaphore_mem>>) src(%arg4 : memref<128x128xf32, #tpu.memory_space<hbm>>) dst(%arg7 : memref<128x128xf32, #tpu.memory_space<vmem>>)
    %dma_start3A_341 = arith.constant 2 : i32
    %dma_start3A_342 = arith.constant 1 : i32
    %dma_start3A_343 = arith.constant 0 : i32
    %dma_start3A_344 = tpu.memref_slice %arg6[%dma_start3A_341, %dma_start3A_342, %dma_start3A_343] : memref<4x2x128xi32, #tpu.memory_space<vmem>> -> memref<1x1x128xi32, #tpu.memory_space<vmem>>
    %dma_start3A_345 = tpu.memref_squeeze %dma_start3A_344 : memref<1x1x128xi32, #tpu.memory_space<vmem>> -> memref<128xi32, #tpu.memory_space<vmem>>
    %dma_start3A_346 = arith.constant 0 : i32
    %dma_start3A_347 = arith.constant 0 : i32
    %dma_start3A_348 = tpu.memref_slice %arg10[%dma_start3A_346, %dma_start3A_347] : memref<10104x128xf32, #tpu.memory_space<vmem_shared>> -> memref<10104x128xf32, #tpu.memory_space<vmem_shared>>
    tpu.enqueue_indirect_dma source(%arg7 : memref<128x128xf32, #tpu.memory_space<vmem>>) target(%dma_start3A_348 : memref<10104x128xf32, #tpu.memory_space<vmem_shared>>) offsets(%dma_start3A_345 : memref<128xi32, #tpu.memory_space<vmem>>) semaphore(%arg18 : memref<!tpu.dma_semaphore, #tpu.memory_space<semaphore_mem>>) {add = true}
    %dma_wait3A_349 = arith.constant 1 : i32
    %dma_wait3A_350 = arith.constant 1 : i32
    %dma_wait3A_351 = arith.constant 0 : i32
    %dma_wait3A_352 = tpu.memref_slice %arg6[%dma_wait3A_349, %dma_wait3A_350, %dma_wait3A_351] : memref<4x2x128xi32, #tpu.memory_space<vmem>> -> memref<1x1x128xi32, #tpu.memory_space<vmem>>
    %dma_wait3A_353 = tpu.memref_squeeze %dma_wait3A_352 : memref<1x1x128xi32, #tpu.memory_space<vmem>> -> memref<128xi32, #tpu.memory_space<vmem>>
    %dma_wait3A_354 = arith.constant 0 : i32
    %dma_wait3A_355 = arith.constant 0 : i32
    %dma_wait3A_356 = tpu.memref_slice %arg10[%dma_wait3A_354, %dma_wait3A_355] : memref<10104x128xf32, #tpu.memory_space<vmem_shared>> -> memref<10104x128xf32, #tpu.memory_space<vmem_shared>>
    tpu.wait_indirect_dma semaphore(%arg20 : memref<!tpu.dma_semaphore, #tpu.memory_space<semaphore_mem>>) src(%arg9 : memref<128x128xf32, #tpu.memory_space<vmem>>) dst(%dma_wait3A_356 : memref<10104x128xf32, #tpu.memory_space<vmem_shared>>)
    %dma_wait3A_357 = arith.constant 2 : i32
    %dma_wait3A_358 = arith.constant 1 : i32
    %dma_wait3A_359 = arith.constant 0 : i32
    %dma_wait3A_360 = tpu.memref_slice %arg6[%dma_wait3A_357, %dma_wait3A_358, %dma_wait3A_359] : memref<4x2x128xi32, #tpu.memory_space<vmem>> -> memref<1x1x128xi32, #tpu.memory_space<vmem>>
    %dma_wait3A_361 = tpu.memref_squeeze %dma_wait3A_360 : memref<1x1x128xi32, #tpu.memory_space<vmem>> -> memref<128xi32, #tpu.memory_space<vmem>>
    %dma_wait3A_362 = arith.constant 0 : i32
    %dma_wait3A_363 = arith.constant 0 : i32
    %dma_wait3A_364 = tpu.memref_slice %arg10[%dma_wait3A_362, %dma_wait3A_363] : memref<10104x128xf32, #tpu.memory_space<vmem_shared>> -> memref<10104x128xf32, #tpu.memory_space<vmem_shared>>
    tpu.wait_indirect_dma semaphore(%arg18 : memref<!tpu.dma_semaphore, #tpu.memory_space<semaphore_mem>>) src(%arg7 : memref<128x128xf32, #tpu.memory_space<vmem>>) dst(%dma_wait3A_364 : memref<10104x128xf32, #tpu.memory_space<vmem_shared>>)
    %barrier3A_365 = arith.constant 0 : index
    tpu.barrier barrier_id(%barrier3A_365)
    %lt3A_366 = arith.constant 15 : i32
    %lt3A_367 = arith.cmpi slt, %arg1, %lt3A_366 : i32
    %convert_element_type3A_368 = arith.extui %lt3A_367 : i1 to i32
    %cond3A_369 = arith.constant 0 : i32
    %cond3A_370 = arith.cmpi ne, %convert_element_type3A_368, %cond3A_369 : i32
    scf.if %cond3A_370 {
      %mul3A_376 = arith.constant 632 : i32
      %mul3A_377 = arith.muli %arg1, %mul3A_376 : i32
      %mul3A_378 = arith.constant 632 : i32
      %mul3A_379 = arith.muli %arg1, %mul3A_378 : i32
      "tpu.region"() ({
        %run_scoped3A = tpu.sem_alloc : memref<!tpu.dma_semaphore, #tpu.memory_space<semaphore_mem>>
        %dma_start3A_380 = arith.constant 0 : i32
        %dma_start3A_381 = tpu.memref_slice %arg5[%arg0, %mul3A_379, %dma_start3A_380] : memref<2x10104x128xf32, #tpu.memory_space<hbm>> -> memref<1x632x128xf32, #tpu.memory_space<hbm>>
        %dma_start3A_382 = tpu.memref_squeeze %dma_start3A_381 : memref<1x632x128xf32, #tpu.memory_space<hbm>> -> memref<632x128xf32, #tpu.memory_space<hbm>>
        %dma_start3A_383 = arith.constant 0 : i32
        %dma_start3A_384 = tpu.memref_slice %arg10[%mul3A_377, %dma_start3A_383] : memref<10104x128xf32, #tpu.memory_space<vmem_shared>> -> memref<632x128xf32, #tpu.memory_space<vmem_shared>>
        tpu.enqueue_dma source(%dma_start3A_384 : memref<632x128xf32, #tpu.memory_space<vmem_shared>>) target(%dma_start3A_382 : memref<632x128xf32, #tpu.memory_space<hbm>>) target_semaphore(%run_scoped3A : memref<!tpu.dma_semaphore, #tpu.memory_space<semaphore_mem>>)
        %dma_wait3A_385 = arith.constant 0 : i32
        %dma_wait3A_386 = tpu.memref_slice %arg5[%arg0, %mul3A_379, %dma_wait3A_385] : memref<2x10104x128xf32, #tpu.memory_space<hbm>> -> memref<1x632x128xf32, #tpu.memory_space<hbm>>
        %dma_wait3A_387 = tpu.memref_squeeze %dma_wait3A_386 : memref<1x632x128xf32, #tpu.memory_space<hbm>> -> memref<632x128xf32, #tpu.memory_space<hbm>>
        %dma_wait3A_388 = arith.constant 0 : i32
        %dma_wait3A_389 = tpu.memref_slice %arg10[%mul3A_377, %dma_wait3A_388] : memref<10104x128xf32, #tpu.memory_space<vmem_shared>> -> memref<632x128xf32, #tpu.memory_space<vmem_shared>>
        tpu.wait_dma2 semaphore(%run_scoped3A : memref<!tpu.dma_semaphore, #tpu.memory_space<semaphore_mem>>) src(%dma_wait3A_389 : memref<632x128xf32, #tpu.memory_space<vmem_shared>>) dst(%dma_wait3A_387 : memref<632x128xf32, #tpu.memory_space<hbm>>)
        tpu.yield
      }) : () -> ()
    } else {
    }
    %eq3A_371 = arith.constant 15 : i32
    %eq3A_372 = arith.cmpi eq, %arg1, %eq3A_371 : i32
    %convert_element_type3A_373 = arith.extui %eq3A_372 : i1 to i32
    %cond3A_374 = arith.constant 0 : i32
    %cond3A_375 = arith.cmpi ne, %convert_element_type3A_373, %cond3A_374 : i32
    scf.if %cond3A_375 {
      "tpu.region"() ({
        %run_scoped3A = tpu.sem_alloc : memref<!tpu.dma_semaphore, #tpu.memory_space<semaphore_mem>>
        %dma_start3A_376 = arith.constant 9480 : i32
        %dma_start3A_377 = arith.constant 0 : i32
        %dma_start3A_378 = tpu.memref_slice %arg5[%arg0, %dma_start3A_376, %dma_start3A_377] : memref<2x10104x128xf32, #tpu.memory_space<hbm>> -> memref<1x624x128xf32, #tpu.memory_space<hbm>>
        %dma_start3A_379 = tpu.memref_squeeze %dma_start3A_378 : memref<1x624x128xf32, #tpu.memory_space<hbm>> -> memref<624x128xf32, #tpu.memory_space<hbm>>
        %dma_start3A_380 = arith.constant 9480 : i32
        %dma_start3A_381 = arith.constant 0 : i32
        %dma_start3A_382 = tpu.memref_slice %arg10[%dma_start3A_380, %dma_start3A_381] : memref<10104x128xf32, #tpu.memory_space<vmem_shared>> -> memref<624x128xf32, #tpu.memory_space<vmem_shared>>
        tpu.enqueue_dma source(%dma_start3A_382 : memref<624x128xf32, #tpu.memory_space<vmem_shared>>) target(%dma_start3A_379 : memref<624x128xf32, #tpu.memory_space<hbm>>) target_semaphore(%run_scoped3A : memref<!tpu.dma_semaphore, #tpu.memory_space<semaphore_mem>>)
        %dma_wait3A_383 = arith.constant 9480 : i32
        %dma_wait3A_384 = arith.constant 0 : i32
        %dma_wait3A_385 = tpu.memref_slice %arg5[%arg0, %dma_wait3A_383, %dma_wait3A_384] : memref<2x10104x128xf32, #tpu.memory_space<hbm>> -> memref<1x624x128xf32, #tpu.memory_space<hbm>>
        %dma_wait3A_386 = tpu.memref_squeeze %dma_wait3A_385 : memref<1x624x128xf32, #tpu.memory_space<hbm>> -> memref<624x128xf32, #tpu.memory_space<hbm>>
        %dma_wait3A_387 = arith.constant 9480 : i32
        %dma_wait3A_388 = arith.constant 0 : i32
        %dma_wait3A_389 = tpu.memref_slice %arg10[%dma_wait3A_387, %dma_wait3A_388] : memref<10104x128xf32, #tpu.memory_space<vmem_shared>> -> memref<624x128xf32, #tpu.memory_space<vmem_shared>>
        tpu.wait_dma2 semaphore(%run_scoped3A : memref<!tpu.dma_semaphore, #tpu.memory_space<semaphore_mem>>) src(%dma_wait3A_389 : memref<624x128xf32, #tpu.memory_space<vmem_shared>>) dst(%dma_wait3A_386 : memref<624x128xf32, #tpu.memory_space<hbm>>)
        tpu.yield
      }) : () -> ()
    } else {
    }
    return
  }
}

module attributes {stable_mosaic.version = 14 : i64} {
  func.func @add_kernel(%arg0: i32, %arg1: memref<1x2000x128xf32, #tpu.memory_space<vmem>>, %arg2: memref<1x2000x128xf32, #tpu.memory_space<vmem>>, %arg3: memref<2000x128xf32, #tpu.memory_space<vmem>>) attributes {dimension_semantics = [#tpu.dimension_semantics<arbitrary>], iteration_bounds = array<i64: 5>, scalar_prefetch = 0 : i64, scratch_operands = 0 : i64, tpu.core_type = #tpu.core_type<tc>, window_params = [{transform_indices = @transform_0, window_bounds = array<i64: 1, 2000, 128>}, {transform_indices = @transform_1, window_bounds = array<i64: 1, 2000, 128>}, {transform_indices = @transform_2, window_bounds = array<i64: 2000, 128>}]} {
    %get3A = arith.constant 0 : index
    %get3A_0 = arith.constant 0 : index
    %get3A_1 = arith.constant 0 : index
    %get3A_2 = vector.load %arg1[%get3A, %get3A_0, %get3A_1] : memref<1x2000x128xf32, #tpu.memory_space<vmem>>, vector<1x2000x128xf32>
    %get3A_3 = vector.shape_cast %get3A_2 : vector<1x2000x128xf32> to vector<2000x128xf32>
    %get3A_4 = arith.constant 0 : index
    %get3A_5 = arith.constant 0 : index
    %get3A_6 = arith.constant 0 : index
    %get3A_7 = vector.load %arg2[%get3A_4, %get3A_5, %get3A_6] : memref<1x2000x128xf32, #tpu.memory_space<vmem>>, vector<1x2000x128xf32>
    %get3A_8 = vector.shape_cast %get3A_7 : vector<1x2000x128xf32> to vector<2000x128xf32>
    %add3A = arith.addf %get3A_3, %get3A_8 : vector<2000x128xf32>
    %swap3A = arith.constant 0 : index
    %swap3A_9 = arith.constant 0 : index
    %swap3A_10 = vector.load %arg3[%swap3A, %swap3A_9] : memref<2000x128xf32, #tpu.memory_space<vmem>>, vector<2000x128xf32>
    tpu.vector_store %arg3[%swap3A, %swap3A_9], %add3A {strides = array<i32>} : memref<2000x128xf32, #tpu.memory_space<vmem>>, vector<2000x128xf32>,
    return
  }
  func.func @transform_0(%arg0: i32) -> (i32, i32, i32) {
    %c0_i32 = arith.constant 0 : i32
    %c0_i32_0 = arith.constant 0 : i32
    %c0_i32_1 = arith.constant 0 : i32
    return %c0_i32, %arg0, %c0_i32_0 : i32, i32, i32
  }
  func.func @transform_1(%arg0: i32) -> (i32, i32, i32) {
    %c1_i32 = arith.constant 1 : i32
    %c0_i32 = arith.constant 0 : i32
    %c0_i32_0 = arith.constant 0 : i32
    return %c1_i32, %arg0, %c0_i32 : i32, i32, i32
  }
  func.func @transform_2(%arg0: i32) -> (i32, i32) {
    %c0_i32 = arith.constant 0 : i32
    %c0_i32_0 = arith.constant 0 : i32
    return %arg0, %c0_i32 : i32, i32
  }
}

</mosaic_0001>

<sc_bundles>
// kernel: kernel.4.cloned.1.call-start
scs
__scs_entry_jumppad:
0x0: {  	(pc) =	sbr.rel $0x88, $3  }
0x1: {  	(tag) =	ssettag $0x0;
	lr =	simm.s32 $0x1  }
0x2: {  	[smem:$0x3F9F] =	sst lr;
	_ =	strace $0xD0000000  }
0x3: {  	_ = 	snop  }
0x4: {  	_ = 	snop  }
0x5: {  	_ = 	snop  }
0x6: {  	_ = 	snop  }
0x7: {  	_ = 	snop  }
__scs_overlays_trampoline_lowered:
0x8: {  	[smem:$0x3FAE] =	sst s0  }
0x9: {  	[smem:$0x3FAF] =	sst s1  }
0xa: {  	[smem:$0x3FB0] =	sst s2  }
0xb: {  	[smem:$0x3FB1] =	sst s3  }
0xc: {  	[smem:$0x3FB2] =	sst s4  }
0xd: {  	[smem:$0x3FB3] =	sst s5  }
0xe: {  	[smem:$0x3FB4] =	sst s6  }
0xf: {  	[smem:$0x3FB5] =	sst s7  }
0x10: {  	[smem:$0x3FB6] =	sst s8  }
0x11: {  	[smem:$0x3FB7] =	sst s9;
	s0 =	simm.s32 @!p0 $0x0  }
0x12: {  	s1 =	sld [smem:$0x3F9D];
	s0 =	simm.s32 @p0 $0x1  }
0x13: {  	[smem:$0x3FB8] =	sst s0;
	s0 =	simm.s32 @!p1 $0x0  }
0x14: {  	s2 =	sld [smem:$0x3F9C];
	s0 =	simm.s32 @p1 $0x1  }
0x15: {  	[smem:$0x3FB9] =	sst s0;
	s0 =	simm.s32 @!p2 $0x0  }
0x16: {  	s3 =	sld [smem:$0x3FDB];
	s0 =	simm.s32 @p2 $0x1  }
0x17: {  	s4 =	simm.s32 $0x1BF5;
	[smem:$0x3FBB] =	sst s0  }
0x18: {  	s0 =	sld [smem:$0x3F9E];
	_ =	swait.ge [sflag:s4], $0x0  }
0x19: {  	s7 =	sld [smem:$0x3F9F]  }
0x1a: {  	s8 =	sadd.s32 $0xFFFFE003, lr  }
0x1b: {  	s9 =	sadd.s32 $0xFFFFFEF7, lr;
	s5 =	simm.s32 $0xFFFFFFFF;
	p2 =	slt.u32 s8, $0xFFFFF086  }
0x1c: {  	p1 =	slt.u32 s9, $0xF7A;
	s5 =	simm.s32 @!p2 $0x0  }
0x1d: {  	s5 =	simm.s32 @p1 $0x1;
	p0 =	seq.s32 s7, s2  }
0x1e: {  	s7 =	smul.u32 @!p0 $0xF7A, s2;
	p2 =	seq.s32 @!p0 s5, $0x0  }
0x1f: {  	s9 =	smul.u32 $0xF7A, s1;
	s8 =	simm.s32 @!p0 $0x1BF5;
	p2 =	por !p2, p0  }
0x20: {  	[sflag:s8] =	ssyncset.s32 @!p0 $0xFFFFF086;
	s6 =	sadd.s32 @!p0 s3, s7;
	s7 =	simm.s32 @!p0 $0x108  }
0x21: {  	s3 =	sadd.s32 s3, s9;
	s6 =	sadd.s32 @!p0 $0x88, s6;
	s7 =	simm.s32 @p2 $0x1082  }
0x22: {  	[simem:s7], [sflag:s8] =	dma.local @!p0 [hbm:s6], $0xF7A  }
0x23: {  	s9 =	sor.u32 $0xD0000000, s2;
	s6 =	simm.s32 $0x108;
	_ =	swait.ge @!p0 [sflag:s8], $0x0  }
0x24: {  	s3 =	sadd.s32 $0x88, s3;
	s6 =	simm.s32 @!p1 $0x1082;
	[sflag:s4] =	ssyncset.s32 $0xFFFFF086  }
0x25: {  	[simem:s6], [sflag:s4] =	dma.local [hbm:s3], $0xF7A  }
0x26: {  	[smem:$0x3F9F] =	sst s1;
	(tag) =	ssettag s2;
	_ =	strace s9  }
0x27: {  	s1 =	sld [smem:$0x3FAF]  }
0x28: {  	s2 =	sld [smem:$0x3FB0]  }
0x29: {  	s4 =	sld [smem:$0x3FB2]  }
0x2a: {  	p0 =	seq.s32 s5, $0x0;
	s5 =	sld [smem:$0x3FB3]  }
0x2b: {  	s6 =	sld [smem:$0x3FB4]  }
0x2c: {  	s7 =	sld [smem:$0x3FB5]  }
0x2d: {  	s3 =	simm.s32 $0x108;
	s8 =	sld [smem:$0x3FB6]  }
0x2e: {  	s3 =	simm.s32 @!p0 $0x1082;
	s9 =	sld [smem:$0x3FB7]  }
0x2f: {  	lr =	sadd.s32 s0, s3;
	s0 =	sld [smem:$0x3FAE]  }
0x30: {  	s3 =	sld [smem:$0x3FB1]  }
0x31: {  	[smem:$0x3FBA] =	sst s10  }
0x32: {  	s10 =	sld [smem:$0x3FB8];
	_ =	sdelay $0x3  }
0x33: {  	p0 =	seq.s32 s10, $0x1;
	s10 =	sld [smem:$0x3FBA];
	_ =	sdelay $0x3  }
0x34: {  	[smem:$0x3FBA] =	sst s10  }
0x35: {  	s10 =	sld [smem:$0x3FB9];
	_ =	sdelay $0x3  }
0x36: {  	p1 =	seq.s32 s10, $0x1;
	s10 =	sld [smem:$0x3FBA];
	_ =	sdelay $0x3  }
0x37: {  	[smem:$0x3FBA] =	sst s10  }
0x38: {  	s10 =	sld [smem:$0x3FBB]  }
0x39: {  	_ = 	snop;
	(pc) =	sbr.ind lr, $3  }
0x3a: {  	_ = 	snop  }
0x3b: {  	_ = 	snop  }
0x3c: {  	p2 =	seq.s32 s10, $0x1;
	s10 =	sld [smem:$0x3FBA]  }
0x3d: {  	_ =	shalt  }
0x3e: {  	_ =	shalt  }
0x3f: {  	_ =	shalt  }
0x40: {  	_ =	shalt  }
0x41: {  	_ =	shalt  }
0x42: {  	_ =	shalt  }
0x43: {  	_ =	shalt  }
0x44: {  	_ =	shalt  }
0x45: {  	_ =	shalt  }
0x46: {  	_ =	shalt  }
0x47: {  	_ =	shalt  }
0x48: {  	_ =	shalt  }
0x49: {  	_ =	shalt  }
0x4a: {  	_ =	shalt  }
0x4b: {  	_ =	shalt  }
0x4c: {  	_ =	shalt  }
0x4d: {  	_ =	shalt  }
0x4e: {  	_ =	shalt  }
0x4f: {  	_ =	shalt  }
0x50: {  	_ =	shalt  }
0x51: {  	_ =	shalt  }
0x52: {  	_ =	shalt  }
0x53: {  	_ =	shalt  }
0x54: {  	_ =	shalt  }
0x55: {  	_ =	shalt  }
0x56: {  	_ =	shalt  }
0x57: {  	_ =	shalt  }
0x58: {  	_ =	shalt  }
0x59: {  	_ =	shalt  }
0x5a: {  	_ =	shalt  }
0x5b: {  	_ =	shalt  }
0x5c: {  	_ =	shalt  }
0x5d: {  	_ =	shalt  }
0x5e: {  	_ =	shalt  }
0x5f: {  	_ =	shalt  }
0x60: {  	_ =	shalt  }
0x61: {  	_ =	shalt  }
0x62: {  	_ =	shalt  }
0x63: {  	_ =	shalt  }
0x64: {  	_ =	shalt  }
0x65: {  	_ =	shalt  }
0x66: {  	_ =	shalt  }
0x67: {  	_ =	shalt  }
0x68: {  	_ =	shalt  }
0x69: {  	_ =	shalt  }
0x6a: {  	_ =	shalt  }
0x6b: {  	_ =	shalt  }
0x6c: {  	_ =	shalt  }
0x6d: {  	_ =	shalt  }
0x6e: {  	_ =	shalt  }
0x6f: {  	_ =	shalt  }
0x70: {  	_ =	shalt  }
0x71: {  	_ =	shalt  }
0x72: {  	_ =	shalt  }
0x73: {  	_ =	shalt  }
0x74: {  	_ =	shalt  }
0x75: {  	_ =	shalt  }
0x76: {  	_ =	shalt  }
0x77: {  	_ =	shalt  }
0x78: {  	_ =	shalt  }
0x79: {  	_ =	shalt  }
0x7a: {  	_ =	shalt  }
0x7b: {  	_ =	shalt  }
0x7c: {  	_ =	shalt  }
0x7d: {  	_ =	shalt  }
0x7e: {  	_ =	shalt  }
0x7f: {  	_ =	shalt  }
0x80: {  	_ =	shalt  }
0x81: {  	_ =	shalt  }
0x82: {  	_ =	shalt  }
0x83: {  	_ =	shalt  }
0x84: {  	_ =	shalt  }
0x85: {  	_ =	shalt  }
0x86: {  	_ =	shalt  }
0x87: {  	_ =	shalt  }
.Lfunc_end0:
.L_simem_size_0:
called_computation_lowered:
.L_overlay_start_0:
0x88: {  	s2 =	sld [smem:$0x3FD9]  }
0x89: {  	s3 =	sld [smem:$0x3FFE];
	_ =	sdelay $0x1  }
0x8a: {  	s1 =	srdreg.scid  }
0x8b: {  	s0 =	sand.u32 $0x1, s1  }
0x8c: {  	s17 =	sshll.u32 s0, $0xA;
	s2 =	sadd.s32 s3, s2  }
0x8d: {  	s2 =	sadd.s32 s2, s17  }
0x8e: {  	[smem:$0x3FC6] =	sst s2  }
0x8f: {  	_ = 	snop  }
0x90: {  	s2 =	sld [smem:$0x3FC9]  }
0x91: {  	s18 =	sld [smem:$0x3FC8]  }
0x92: {  	s4 =	sld [smem:$0x3FD0];
	(tm) =	ssettm $0x1  }
0x93: {  	s5 =	sld [smem:$0x3FFB];
	_ =	sdelay $0x3  }
0x94: {  	_ =	strace s5  }
0x95: {  	s5 =	sld [smem:$0x3FFC];
	_ =	sdelay $0x3  }
0x96: {  	_ =	strace s5  }
0x97: {  	s5 =	sld [smem:$0x3FFD];
	_ =	sdelay $0x3  }
0x98: {  	_ =	strace s5  }
0x99: {  	_ =	strace $0x8FFFFFFF  }
0x9a: {  	s19 =	sld [smem:$0x3FDB];
	_ =	sdelay $0x1  }
0x9b: {  	s6 =	simm.s32 $_scs_section_size  }
0x9c: {  	s7 =	simm.s32 $_size__tile_overlayer_lowered;
	s8 =	simm.s32 $_tile_overlayer_lowered  }
0x9d: {  	s22 =	simm.s32 $0x1BFF;
	s21 =	sshll.u32 s8, $0x1;
	s5 =	sadd.s32 s6, s19  }
0x9e: {  	s9 =	simm.s32 $0x0;
	s20 =	sshll.u32 s7, $0x1;
	s7 =	sadd.s32 s21, s5  }
0x9f: {  	[timem:s9], [sflag:s22] =	dma.local [hbm:s7], s20  }
0xa0: {  	_ =	swait.ge [sflag:s22], s20  }
0xa1: {  	s6 =	ssub.s32 $0x0, s20;
	[sflag:s22] =	ssyncset.done $0x0  }
0xa2: {  	[sflag:s22] =	ssyncadd.s32 s6;
	_ =	sdelay $0x1  }
0xa3: {  	s23 =	simm.s32 $0x1B8B  }
0xa4: {  	_ =	swait.ge [sflag:s23], $0x1  }
0xa5: {  	[sflag:s23] =	ssyncset.done $0x0  }
0xa6: {  	s25 =	simm.s32 $0x1B8E;
	s24 =	sld [smem:$0x3FFE];
	[sflag:s23] =	ssyncadd.s32 $0xFFFFFFFF  }
0xa7: {  	s26 =	simm.s32 $execute0_lowered;
	[smem:$0x3FD2] =	sst s25  }
0xa8: {  	s7 =	sshll.u32 s26, $0x1;
	_ =	strace $0x80000046;
	[dreg:$0x1] =	wrdreg $0xFFFFFFFF  }
0xa9: {  	s28 =	simm.s32 $_size_execute0_lowered;
	s5 =	sadd.s32 s5, s7;
	[dreg:$0x0] =	wrdreg $0x0  }
0xaa: {  	s7 =	sshll.u32 s28, $0x1;
	[dreg:$0x2] =	wrdreg s5  }
0xab: {  	[dreg:$0x3] =	wrdreg s7  }
0xac: {  	[dreg:$0x4] =	wrdreg $0xC0  }
0xad: {  	_ =	task [dreg:s9], $0x5FFFF  }
0xae: {  	[dreg:$0x1] =	wrdreg $0xFFFFFFFF  }
0xaf: {  	[dreg:$0x0] =	wrdreg $0x60  }
0xb0: {  	[dreg:$0x2] =	wrdreg s2  }
0xb1: {  	[dreg:$0x3] =	wrdreg s18  }
0xb2: {  	[dreg:$0x4] =	wrdreg s4  }
0xb3: {  	[dreg:$0x5] =	wrdreg s24  }
0xb4: {  	[dreg:$0x6] =	wrdreg $0xC4000  }
0xb5: {  	[dreg:$0x7] =	wrdreg $0x9  }
0xb6: {  	_ =	task.clear_ibuf [dreg:s9], $0x8FFFF;
	_ =	strace $0x90000046  }
0xb7: {  	s29 =	simm.s32 $0x9;
	_ =	strace $0x80000048  }
0xb8: {  	_ =	swait.ge [sflag:s29], $0x1  }
0xb9: {  	[sflag:s29] =	ssyncadd.s32 $0xFFFFFFFF  }
0xba: {  	_ =	strace $0x90000048  }
0xbb: {  	_ =	sfence  }
0xbc: {  	s30 =	sld [smem:$0x0];
	_ =	sdelay $0x2  }
0xbd: {  	s31 =	sshll.u32 s1, $0xD;
	s1 =	sshrl.u32 s1, $0x2  }
0xbe: {  	s3 =	sand.u32 $0x4000, s31;
	s1 =	sadd.s32 s1, s30  }
0xbf: {  	s0 =	sor.u32 s3, s0;
	s1 =	sshll.u32 s1, $0x11  }
0xc0: {  	s0 =	sor.u32 s1, s0  }
0xc1: {  	s0 =	sadd.s32 $0x8F2B, s0  }
0xc2: {  	[sflag:s0] =	ssyncadd.remote.s32 $0x1  }
0xc3: {  	_ =	sfence.sel $0xFFFF  }
0xc4: {  	[dreg:$0x0] =	wrdreg $0xFFFFFFFF;
	(pc) =	sbr.abs _section_cstart, $3  }
0xc5: {  	[dreg:$0x1] =	wrdreg $0xFFFFFFFF  }
0xc6: {  	_ =	task.clear_ibuf [dreg:s9], $0x2FFFF;
	_ =	strace $0x9FFFFFFF  }
0xc7: {  	(tm) =	ssettm $0x7FFFFFFF  }
tec
execute0_lowered:
.L_overlay_start_1:
0x0: {  	(tag) =	ssettag $0x1  }
0x1: {  	s0 =	rddreg [dreg:$0x0]  }
0x2: {  	s1 =	rddreg [dreg:$0x1]  }
0x3: {  	s23 =	rddreg [dreg:$0x2]  }
0x4: {  	s2 =	srdreg.scid;
	s3 =	rddreg [dreg:$0x3]  }
0x5: {  	s5 =	rddreg [dreg:$0x4];
	s13 =	stileid.u32  }
0x6: {  	s6 =	simm.s32 $0x0;
	s28 =	simm.s32 $0x100;
	s29 =	simm.s32 $0x1  }
0x7: {  	s30 =	simm.s32 $0x80;
	s31 =	simm.s32 $0x2;
	s2 =	sand.u32 $0x1, s2  }
0x8: {  	[smem:$0x7FF] =	sst s6;
	s8 =	smul.u32 $0x4F000, s13;
	s3 =	sadd.s32 $0x600, s3  }
0x9: {  	s14 =	sadd.s32 $0x138400, s5;
	s18 =	smul.u32 $0x13C00, s13;
	p1 =	seq.s32 s13, $0xF  }
0xa: {  	s4 =	sshll.u32 s2, $0x4;
	_ =	strace $0x80000047;
	s16 =	smul.u32 $0x13BC00, s2  }
0xb: {  	s9 =	ssub.s32 $0x2, s2;
	[dreg:$0xc] =	wrdreg s14;
	s2 =	smul.u32 $0x2710, s2  }
0xc: {  	s4 =	sor.u32 s13, s4;
	s8 =	sshrl.u32 s8, $0x2;
	s11 =	sshrl.u32 s9, $0x1  }
0xd: {  	s4 =	smul.u32 $0x271, s4;
	s22 =	sadd.s32 s8, s5;
	s8 =	ssub.s32 s9, s11  }
0xe: {  	s25 =	sshrl.u32 s16, $0x3;
	s26 =	sadd.s32 $0x4000, s22;
	[dreg:$0x7] =	wrdreg s22  }
0xf: {  	s11 =	sadd.s32 $0xC000, s22;
	s12 =	sadd.s32 $0x10000, s22;
	[dreg:$0x8] =	wrdreg s26  }
0x10: {  	s10 =	sadd.s32 $0x271, s4;
	s7 =	sshrl.u32 s4, $0x3;
	[dreg:$0xa] =	wrdreg s11  }
0x11: {  	[dreg:$0xb] =	wrdreg s12;
	s4 =	sshll.u32 s4, $0x2;
	s12 =	smul.u32 $0x271, s13  }
0x12: {  	s26 =	smax.u32 s8, $0x1;
	s11 =	simm.s32 $0x8400;
	s13 =	simm.s32 $0x180  }
0x13: {  	s10 =	sshrl.u32 s10, $0x3;
	s9 =	sshll.u32 s7, $0x8;
	s4 =	sand.u32 $0x1FFE0, s4  }
0x14: {  	[dreg:$0x16] =	wrdreg s26;
	s10 =	ssub.s32 s10, s7;
	s15 =	sshrl.u32 s9, $0x3  }
0x15: {  	s4 =	sadd.s32 s1, s4;
	s2 =	sadd.s32 s12, s2;
	p0 =	seq.s32 s10, $0x4E  }
0x16: {  	s10 =	sadd.s32 $0x8000, s22;
	[dreg:$0xd] =	wrdreg s4;
	s17 =	sadd.s32 s1, s15  }
0x17: {  	s12 =	simm.s32 $0x6;
	[dreg:$0x9] =	wrdreg s10;
	s10 =	sadd.s32 $0x20, s17  }
0x18: {  	s2 =	sshll.u32 s2, $0x2;
	s14 =	sadd.s32 $0x940, s17;
	[dreg:$0xe] =	wrdreg s10  }
0x19: {  	s15 =	simm.s32 $0x4;
	s19 =	sadd.s32 $0x960, s17;
	[dreg:$0xf] =	wrdreg s14  }
0x1a: {  	s20 =	sadd.s32 $0x980, s17;
	s4 =	sadd.s32 $0x9A0, s17;
	[dreg:$0x10] =	wrdreg s19  }
0x1b: {  	s2 =	sand.u32 $0x1FFE0, s2;
	s17 =	simm.s32 $0x280;
	[dreg:$0x11] =	wrdreg s20  }
0x1c: {  	s10 =	sadd.s32 $0x4E00, s9;
	[dreg:$0x12] =	wrdreg s4;
	s2 =	sadd.s32 s2, s1  }
0x1d: {  	s14 =	simm.s32 $0x8;
	s19 =	simm.s32 $0x380;
	s20 =	simm.s32 $0xA  }
0x1e: {  	s10 =	smov.u32 @p0 s9;
	s9 =	sadd.s32 s18, s16;
	[dreg:$0x6] =	wrdreg s2  }
0x1f: {  	s16 =	simm.s32 $0x7;
	s18 =	simm.s32 $0x9;
	s21 =	sshrl.u32 s10, $0x3  }
0x20: {  	s24 =	sshrl.u32 s9, $0x3;
	s9 =	simm.s32 $0x3;
	s4 =	sadd.s32 s1, s21  }
0x21: {  	[dreg:$0x13] =	wrdreg s4;
	s4 =	sadd.s32 s3, s24;
	s3 =	sadd.s32 s3, s25  }
0x22: {  	s10 =	simm.s32 $0x300;
	s24 =	simm.s32 $0x400;
	s3 =	sadd.s32 $0x25080, s3  }
0x23: {  	s25 =	simm.s32 $0x0;
	[dreg:$0x15] =	wrdreg s3;
	s3 =	sadd.s32 $0x128400, s5  }
0x24: {  	[dreg:$0x14] =	wrdreg s4;
	s4 =	simm.s32 $0x4400;
	s2 =	sshrl.u32 @p1 s3, $0x3  }
0x25: {  	s3 =	simm.s32 $0x200;
	[dreg:$0x17] =	wrdreg s2;
	s2 =	simm.s32 $0x5  }
.LBB2_1:
0x26: {  	[tilespmem:s24], [sflag:$0xB] =	stream.linear.gather [hbm4b:s23+s6], $0x4000, $0x38;
	v63 =	vld [tilespmem:$0x0]  }
0x27: {  	[dreg:$0x18] =	wrdreg s25;
	s21 =	simm.s32 $0xB  }
0x28: {  	_ =	swait.ge [sflag:s21], $0x4000  }
0x29: {  	[sflag:s21] =	ssyncset.done $0x0  }
0x2a: {  	[sflag:s21] =	ssyncadd.s32 $0xFFFFC000  }
0x2b: {  	[spmem:s22] =	stream.linear.scatter [tilespmem:s24], [sflag:$0xB], $0x4000, $0x38;
	v63 =	vld [tilespmem:$0x0]  }
0x2c: {  	_ =	swait.ge [sflag:s21], $0x4000  }
0x2d: {  	[sflag:s21] =	ssyncset.done $0x0  }
0x2e: {  	s8 =	rddreg [dreg:$0x8];
	[sflag:s21] =	ssyncadd.s32 $0xFFFFC000  }
0x2f: {  	[spmem:s8] =	stream.linear.scatter [tilespmem:s24], [sflag:$0xB], $0x4000, $0x38;
	v63 =	vld [tilespmem:$0x0]  }
0x30: {  	_ =	swait.ge [sflag:s21], $0x4000  }
0x31: {  	[sflag:s21] =	ssyncset.done $0x0  }
0x32: {  	s25 =	rddreg [dreg:$0x9];
	[sflag:s21] =	ssyncadd.s32 $0xFFFFC000  }
0x33: {  	[spmem:s25] =	stream.linear.scatter [tilespmem:s24], [sflag:$0xB], $0x4000, $0x38;
	v63 =	vld [tilespmem:$0x0]  }
0x34: {  	_ =	swait.ge [sflag:s21], $0x4000  }
0x35: {  	[sflag:s21] =	ssyncset.done $0x0  }
0x36: {  	s26 =	rddreg [dreg:$0xa];
	[sflag:s21] =	ssyncadd.s32 $0xFFFFC000  }
0x37: {  	[spmem:s26] =	stream.linear.scatter [tilespmem:s24], [sflag:$0xB], $0x4000, $0x38;
	v63 =	vld [tilespmem:$0x0]  }
0x38: {  	_ =	swait.ge [sflag:s21], $0x4000  }
0x39: {  	[sflag:s21] =	ssyncset.done $0x0  }
0x3a: {  	s8 =	simm.s32 @p1 $0x400;
	[sflag:s21] =	ssyncadd.s32 $0xFFFFC000;
	s21 =	rddreg [dreg:$0xc]  }
0x3b: {  	[spmem:s21] =	stream.linear.scatter @p1 [tilespmem:s8], [sflag:$0xB], $0x3800, $0x38;
	v63 =	vld [tilespmem:$0x0]  }
0x3c: {  	s8 =	simm.s32 @p1 $0xB  }
0x3d: {  	_ =	swait.ge @p1 [sflag:s8], $0x3800  }
0x3e: {  	[sflag:s8] =	ssyncset.done @p1 $0x0  }
0x3f: {  	s21 =	rddreg [dreg:$0xb];
	[sflag:s8] =	ssyncadd.s32 @p1 $0xFFFFC800;
	s8 =	simm.s32 @!p1 $0x400  }
0x40: {  	[spmem:s21] =	stream.linear.scatter @!p1 [tilespmem:s8], [sflag:$0xB], $0x3C00, $0x38;
	v63 =	vld [tilespmem:$0x0]  }
0x41: {  	s8 =	simm.s32 @!p1 $0xB  }
0x42: {  	_ =	swait.ge @!p1 [sflag:s8], $0x3C00  }
0x43: {  	[sflag:s8] =	ssyncset.done @!p1 $0x0  }
0x44: {  	[sflag:s8] =	ssyncadd.s32 @!p1 $0xFFFFC400  }
0x45: {  	[bflag:$0x0] =	sbarrier.arrive $0xFFFF  }
0x46: {  	s22 =	rddreg [dreg:$0xd]  }
0x47: {  	[tilespmem:s6], [sflag:$0x1] =	stream.linear.gather [hbm4b:s22+s6], $0x100, $0x38;
	v63 =	vld [tilespmem:$0x0]  }
0x48: {  	p2 =	por $0x1, $0x1;
	s23 =	rddreg [dreg:$0xe]  }
0x49: {  	[tilespmem:s28], [sflag:$0x2] =	stream.linear.gather [hbm4b:s23+s6], $0x100, $0x38;
	v63 =	vld [tilespmem:$0x0]  }
0x4a: {  	s8 =	simm.s32 @!p2 $0x2;
	_ =	swait.ge [sflag:s29], $0x100  }
0x4b: {  	s8 =	simm.s32 @p2 $0x2;
	[sflag:s29] =	ssyncset.done $0x0  }
0x4c: {  	s21 =	simm.s32 @!p2 $0x9;
	s8 =	sadd.s32 s7, s8;
	[sflag:s29] =	ssyncadd.s32 $0xFFFFFF00  }
0x4d: {  	[tilespmem:s24], [sflag:$0x5] =	stream.indirect.gather [hbm4b:s0+s30], $0x80, s6, s30, $0xb8;
	v63 =	vld [tilespmem:$0x0]  }
0x4e: {  	s8 =	sshll.u32 s8, $0x5;
	_ =	swait.ge @!p2 [sflag:s21], $0x4000  }
0x4f: {  	s8 =	sand.u32 $0x1FFFFFE0, s8;
	[sflag:s21] =	ssyncset.done @!p2 $0x0  }
0x50: {  	s8 =	sadd.s32 s1, s8;
	[sflag:s21] =	ssyncadd.s32 @!p2 $0xFFFFC000  }
0x51: {  	[tilespmem:s3], [sflag:$0x3] =	stream.linear.gather [hbm4b:s8+s6], $0x100, $0x38;
	v63 =	vld [tilespmem:$0x0]  }
0x52: {  	_ =	swait.ge [sflag:s31], $0x100  }
0x53: {  	[sflag:s31] =	ssyncset.done $0x0  }
0x54: {  	[sflag:s31] =	ssyncadd.s32 $0xFFFFFF00  }
0x55: {  	[tilespmem:s4], [sflag:$0x6] =	stream.indirect.gather [hbm4b:s0+s30], $0x80, s28, s30, $0xb8;
	v63 =	vld [tilespmem:$0x0]  }
0x56: {  	s8 =	simm.s32 $0x3;
	_ =	swait.ge [sflag:s2], $0x4000  }
0x57: {  	s8 =	simm.s32 @p2 $0x3;
	[sflag:s2] =	ssyncset.done $0x0  }
0x58: {  	s21 =	simm.s32 @!p2 $0xA;
	s8 =	sadd.s32 s7, s8;
	[sflag:s2] =	ssyncadd.s32 $0xFFFFC000  }
0x59: {  	[spmem:s5] =	stream.indirect.scatter.add.f32 [tilespmem:s24], [sflag:$0x8], $0x80, s30, s30, $0xb8;
	v63 =	vld [tilespmem:$0x0]  }
0x5a: {  	s8 =	sshll.u32 s8, $0x5;
	_ =	swait.ge @!p2 [sflag:s21], $0x4000  }
0x5b: {  	s8 =	sand.u32 $0x1FFFFFE0, s8;
	[sflag:s21] =	ssyncset.done @!p2 $0x0  }
0x5c: {  	s8 =	sadd.s32 s1, s8;
	[sflag:s21] =	ssyncadd.s32 @!p2 $0xFFFFC000  }
0x5d: {  	[tilespmem:s10], [sflag:$0x4] =	stream.linear.gather [hbm4b:s8+s6], $0x100, $0x38;
	v63 =	vld [tilespmem:$0x0]  }
0x5e: {  	_ =	swait.ge [sflag:s9], $0x100  }
0x5f: {  	[sflag:s9] =	ssyncset.done $0x0  }
0x60: {  	[sflag:s9] =	ssyncadd.s32 $0xFFFFFF00  }
0x61: {  	[tilespmem:s11], [sflag:$0x7] =	stream.indirect.gather [hbm4b:s0+s30], $0x80, s3, s30, $0xb8;
	v63 =	vld [tilespmem:$0x0]  }
0x62: {  	_ =	swait.ge [sflag:s12], $0x4000  }
0x63: {  	[sflag:s12] =	ssyncset.done $0x0  }
0x64: {  	[sflag:s12] =	ssyncadd.s32 $0xFFFFC000  }
0x65: {  	[spmem:s5] =	stream.indirect.scatter.add.f32 [tilespmem:s4], [sflag:$0x9], $0x80, s13, s30, $0xb8;
	v63 =	vld [tilespmem:$0x0]  }
0x66: {  	_ =	swait.ge [sflag:s14], $0x4000  }
0x67: {  	s25 =	rddreg [dreg:$0x6]  }
0x68: {  	[sflag:s14] =	ssyncset.done $0x0;
	s8 =	sadd.s32 $0x0, s25  }
0x69: {  	[sflag:s14] =	ssyncadd.s32 $0xFFFFC000;
	s26 =	sadd.s32 $0x80, s8  }
0x6a: {  	[tilespmem:s6], [sflag:$0x1] =	stream.linear.gather [hbm4b:s26+s6], $0x100, $0x38;
	v63 =	vld [tilespmem:$0x0]  }
0x6b: {  	_ =	swait.ge [sflag:s15], $0x100  }
0x6c: {  	[sflag:s15] =	ssyncset.done $0x0  }
0x6d: {  	[sflag:s15] =	ssyncadd.s32 $0xFFFFFF00  }
0x6e: {  	[tilespmem:s24], [sflag:$0x5] =	stream.indirect.gather [hbm4b:s0+s30], $0x80, s10, s30, $0xb8;
	v63 =	vld [tilespmem:$0x0]  }
0x6f: {  	_ =	swait.ge [sflag:s16], $0x4000  }
0x70: {  	[sflag:s16] =	ssyncset.done $0x0  }
0x71: {  	[sflag:s16] =	ssyncadd.s32 $0xFFFFC000  }
0x72: {  	[spmem:s5] =	stream.indirect.scatter.add.f32 [tilespmem:s11], [sflag:$0xA], $0x80, s17, s30, $0xb8;
	v63 =	vld [tilespmem:$0x0]  }
0x73: {  	_ =	swait.ge [sflag:s18], $0x4000  }
0x74: {  	[sflag:s18] =	ssyncset.done $0x0  }
0x75: {  	s22 =	sadd.s32 $0xA0, s8;
	[sflag:s18] =	ssyncadd.s32 $0xFFFFC000  }
0x76: {  	[tilespmem:s28], [sflag:$0x2] =	stream.linear.gather [hbm4b:s22+s6], $0x100, $0x38;
	v63 =	vld [tilespmem:$0x0]  }
0x77: {  	_ =	swait.ge [sflag:s29], $0x100  }
0x78: {  	[sflag:s29] =	ssyncset.done $0x0  }
0x79: {  	[sflag:s29] =	ssyncadd.s32 $0xFFFFFF00  }
0x7a: {  	[tilespmem:s4], [sflag:$0x6] =	stream.indirect.gather [hbm4b:s0+s30], $0x80, s6, s30, $0xb8;
	v63 =	vld [tilespmem:$0x0]  }
0x7b: {  	_ =	swait.ge [sflag:s2], $0x4000  }
0x7c: {  	[sflag:s2] =	ssyncset.done $0x0  }
0x7d: {  	[sflag:s2] =	ssyncadd.s32 $0xFFFFC000  }
0x7e: {  	[spmem:s5] =	stream.indirect.scatter.add.f32 [tilespmem:s24], [sflag:$0x8], $0x80, s19, s30, $0xb8;
	v63 =	vld [tilespmem:$0x0]  }
0x7f: {  	_ =	swait.ge [sflag:s20], $0x4000  }
0x80: {  	[sflag:s20] =	ssyncset.done $0x0  }
0x81: {  	s23 =	sadd.s32 $0xC0, s8;
	[sflag:s20] =	ssyncadd.s32 $0xFFFFC000  }
0x82: {  	[tilespmem:s3], [sflag:$0x3] =	stream.linear.gather [hbm4b:s23+s6], $0x100, $0x38;
	v63 =	vld [tilespmem:$0x0]  }
0x83: {  	_ =	swait.ge [sflag:s31], $0x100  }
0x84: {  	[sflag:s31] =	ssyncset.done $0x0  }
0x85: {  	[sflag:s31] =	ssyncadd.s32 $0xFFFFFF00  }
0x86: {  	[tilespmem:s11], [sflag:$0x7] =	stream.indirect.gather [hbm4b:s0+s30], $0x80, s28, s30, $0xb8;
	v63 =	vld [tilespmem:$0x0]  }
0x87: {  	_ =	swait.ge [sflag:s12], $0x4000  }
0x88: {  	[sflag:s12] =	ssyncset.done $0x0  }
0x89: {  	[sflag:s12] =	ssyncadd.s32 $0xFFFFC000  }
0x8a: {  	[spmem:s5] =	stream.indirect.scatter.add.f32 [tilespmem:s4], [sflag:$0x9], $0x80, s30, s30, $0xb8;
	v63 =	vld [tilespmem:$0x0]  }
0x8b: {  	_ =	swait.ge [sflag:s14], $0x4000  }
0x8c: {  	[sflag:s14] =	ssyncset.done $0x0  }
0x8d: {  	s25 =	sadd.s32 $0xE0, s8;
	[sflag:s14] =	ssyncadd.s32 $0xFFFFC000  }
0x8e: {  	[tilespmem:s10], [sflag:$0x4] =	stream.linear.gather [hbm4b:s25+s6], $0x100, $0x38;
	v63 =	vld [tilespmem:$0x0]  }
0x8f: {  	_ =	swait.ge [sflag:s9], $0x100  }
0x90: {  	[sflag:s9] =	ssyncset.done $0x0  }
0x91: {  	[sflag:s9] =	ssyncadd.s32 $0xFFFFFF00  }
0x92: {  	[tilespmem:s24], [sflag:$0x5] =	stream.indirect.gather [hbm4b:s0+s30], $0x80, s3, s30, $0xb8;
	v63 =	vld [tilespmem:$0x0]  }
0x93: {  	_ =	swait.ge [sflag:s16], $0x4000  }
0x94: {  	[sflag:s16] =	ssyncset.done $0x0  }
0x95: {  	[sflag:s16] =	ssyncadd.s32 $0xFFFFC000  }
0x96: {  	[spmem:s5] =	stream.indirect.scatter.add.f32 [tilespmem:s11], [sflag:$0xA], $0x80, s13, s30, $0xb8;
	v63 =	vld [tilespmem:$0x0]  }
0x97: {  	_ =	swait.ge [sflag:s18], $0x4000  }
0x98: {  	[sflag:s18] =	ssyncset.done $0x0  }
0x99: {  	s26 =	sadd.s32 $0x100, s8;
	[sflag:s18] =	ssyncadd.s32 $0xFFFFC000  }
0x9a: {  	[tilespmem:s6], [sflag:$0x1] =	stream.linear.gather [hbm4b:s26+s6], $0x100, $0x38;
	v63 =	vld [tilespmem:$0x0]  }
0x9b: {  	_ =	swait.ge [sflag:s15], $0x100  }
0x9c: {  	[sflag:s15] =	ssyncset.done $0x0  }
0x9d: {  	[sflag:s15] =	ssyncadd.s32 $0xFFFFFF00  }
0x9e: {  	[tilespmem:s4], [sflag:$0x6] =	stream.indirect.gather [hbm4b:s0+s30], $0x80, s10, s30, $0xb8;
	v63 =	vld [tilespmem:$0x0]  }
0x9f: {  	_ =	swait.ge [sflag:s2], $0x4000  }
0xa0: {  	[sflag:s2] =	ssyncset.done $0x0  }
0xa1: {  	[sflag:s2] =	ssyncadd.s32 $0xFFFFC000  }
0xa2: {  	[spmem:s5] =	stream.indirect.scatter.add.f32 [tilespmem:s24], [sflag:$0x8], $0x80, s17, s30, $0xb8;
	v63 =	vld [tilespmem:$0x0]  }
0xa3: {  	_ =	swait.ge [sflag:s20], $0x4000  }
0xa4: {  	[sflag:s20] =	ssyncset.done $0x0  }
0xa5: {  	s22 =	sadd.s32 $0x120, s8;
	[sflag:s20] =	ssyncadd.s32 $0xFFFFC000  }
0xa6: {  	[tilespmem:s28], [sflag:$0x2] =	stream.linear.gather [hbm4b:s22+s6], $0x100, $0x38;
	v63 =	vld [tilespmem:$0x0]  }
0xa7: {  	_ =	swait.ge [sflag:s29], $0x100  }
0xa8: {  	[sflag:s29] =	ssyncset.done $0x0  }
0xa9: {  	[sflag:s29] =	ssyncadd.s32 $0xFFFFFF00  }
0xaa: {  	[tilespmem:s11], [sflag:$0x7] =	stream.indirect.gather [hbm4b:s0+s30], $0x80, s6, s30, $0xb8;
	v63 =	vld [tilespmem:$0x0]  }
0xab: {  	_ =	swait.ge [sflag:s12], $0x4000  }
0xac: {  	[sflag:s12] =	ssyncset.done $0x0  }
0xad: {  	[sflag:s12] =	ssyncadd.s32 $0xFFFFC000  }
0xae: {  	[spmem:s5] =	stream.indirect.scatter.add.f32 [tilespmem:s4], [sflag:$0x9], $0x80, s19, s30, $0xb8;
	v63 =	vld [tilespmem:$0x0]  }
0xaf: {  	_ =	swait.ge [sflag:s14], $0x4000  }
0xb0: {  	[sflag:s14] =	ssyncset.done $0x0  }
0xb1: {  	s23 =	sadd.s32 $0x140, s8;
	[sflag:s14] =	ssyncadd.s32 $0xFFFFC000  }
0xb2: {  	[tilespmem:s3], [sflag:$0x3] =	stream.linear.gather [hbm4b:s23+s6], $0x100, $0x38;
	v63 =	vld [tilespmem:$0x0]  }
0xb3: {  	_ =	swait.ge [sflag:s31], $0x100  }
0xb4: {  	[sflag:s31] =	ssyncset.done $0x0  }
0xb5: {  	[sflag:s31] =	ssyncadd.s32 $0xFFFFFF00  }
0xb6: {  	[tilespmem:s24], [sflag:$0x5] =	stream.indirect.gather [hbm4b:s0+s30], $0x80, s28, s30, $0xb8;
	v63 =	vld [tilespmem:$0x0]  }
0xb7: {  	_ =	swait.ge [sflag:s16], $0x4000  }
0xb8: {  	[sflag:s16] =	ssyncset.done $0x0  }
0xb9: {  	[sflag:s16] =	ssyncadd.s32 $0xFFFFC000  }
0xba: {  	[spmem:s5] =	stream.indirect.scatter.add.f32 [tilespmem:s11], [sflag:$0xA], $0x80, s30, s30, $0xb8;
	v63 =	vld [tilespmem:$0x0]  }
0xbb: {  	_ =	swait.ge [sflag:s18], $0x4000  }
0xbc: {  	[sflag:s18] =	ssyncset.done $0x0  }
0xbd: {  	s25 =	sadd.s32 $0x160, s8;
	[sflag:s18] =	ssyncadd.s32 $0xFFFFC000  }
0xbe: {  	[tilespmem:s10], [sflag:$0x4] =	stream.linear.gather [hbm4b:s25+s6], $0x100, $0x38;
	v63 =	vld [tilespmem:$0x0]  }
0xbf: {  	_ =	swait.ge [sflag:s9], $0x100  }
0xc0: {  	[sflag:s9] =	ssyncset.done $0x0  }
0xc1: {  	[sflag:s9] =	ssyncadd.s32 $0xFFFFFF00  }
0xc2: {  	[tilespmem:s4], [sflag:$0x6] =	stream.indirect.gather [hbm4b:s0+s30], $0x80, s3, s30, $0xb8;
	v63 =	vld [tilespmem:$0x0]  }
0xc3: {  	_ =	swait.ge [sflag:s2], $0x4000  }
0xc4: {  	[sflag:s2] =	ssyncset.done $0x0  }
0xc5: {  	[sflag:s2] =	ssyncadd.s32 $0xFFFFC000  }
0xc6: {  	[spmem:s5] =	stream.indirect.scatter.add.f32 [tilespmem:s24], [sflag:$0x8], $0x80, s13, s30, $0xb8;
	v63 =	vld [tilespmem:$0x0]  }
0xc7: {  	_ =	swait.ge [sflag:s20], $0x4000  }
0xc8: {  	[sflag:s20] =	ssyncset.done $0x0  }
0xc9: {  	s26 =	sadd.s32 $0x180, s8;
	[sflag:s20] =	ssyncadd.s32 $0xFFFFC000  }
0xca: {  	[tilespmem:s6], [sflag:$0x1] =	stream.linear.gather [hbm4b:s26+s6], $0x100, $0x38;
	v63 =	vld [tilespmem:$0x0]  }
0xcb: {  	_ =	swait.ge [sflag:s15], $0x100  }
0xcc: {  	[sflag:s15] =	ssyncset.done $0x0  }
0xcd: {  	[sflag:s15] =	ssyncadd.s32 $0xFFFFFF00  }
0xce: {  	[tilespmem:s11], [sflag:$0x7] =	stream.indirect.gather [hbm4b:s0+s30], $0x80, s10, s30, $0xb8;
	v63 =	vld [tilespmem:$0x0]  }
0xcf: {  	_ =	swait.ge [sflag:s12], $0x4000  }
0xd0: {  	[sflag:s12] =	ssyncset.done $0x0  }
0xd1: {  	[sflag:s12] =	ssyncadd.s32 $0xFFFFC000  }
0xd2: {  	[spmem:s5] =	stream.indirect.scatter.add.f32 [tilespmem:s4], [sflag:$0x9], $0x80, s17, s30, $0xb8;
	v63 =	vld [tilespmem:$0x0]  }
0xd3: {  	_ =	swait.ge [sflag:s14], $0x4000  }
0xd4: {  	[sflag:s14] =	ssyncset.done $0x0  }
0xd5: {  	s8 =	sadd.s32 $0x1A0, s8;
	[sflag:s14] =	ssyncadd.s32 $0xFFFFC000  }
0xd6: {  	[tilespmem:s28], [sflag:$0x2] =	stream.linear.gather [hbm4b:s8+s6], $0x100, $0x38;
	v63 =	vld [tilespmem:$0x0]  }
0xd7: {  	p3 =	por $0x0, $0x0;
	_ =	swait.ge [sflag:s29], $0x100  }
0xd8: {  	s22 =	simm.s32 $0x180;
	s23 =	simm.s32 $0xF;
	[sflag:s29] =	ssyncset.done $0x0  }
0xd9: {  	s25 =	simm.s32 $0x300;
	s8 =	simm.s32 @!p3 $0xE;
	[sflag:s29] =	ssyncadd.s32 $0xFFFFFF00  }
.LBB2_2:
0xda: {  	[tilespmem:s24], [sflag:$0x5] =	stream.indirect.gather [hbm4b:s0+s30], $0x80, s6, s30, $0xb8;
	v63 =	vld [tilespmem:$0x0]  }
0xdb: {  	_ =	swait.ge [sflag:s16], $0x4000  }
0xdc: {  	s8 =	simm.s32 @p3 $0x2;
	[sflag:s16] =	ssyncset.done $0x0  }
0xdd: {  	s26 =	simm.s32 @!p3 $0x9;
	s8 =	sadd.s32 s7, s8;
	[sflag:s16] =	ssyncadd.s32 $0xFFFFC000  }
0xde: {  	[spmem:s5] =	stream.indirect.scatter.add.f32 [tilespmem:s11], [sflag:$0xA], $0x80, s19, s30, $0xb8;
	v63 =	vld [tilespmem:$0x0]  }
0xdf: {  	s8 =	sshll.u32 s8, $0x5;
	_ =	swait.ge @!p3 [sflag:s26], $0x4000  }
0xe0: {  	s8 =	sand.u32 $0x1FFFFFE0, s8;
	[sflag:s26] =	ssyncset.done @!p3 $0x0  }
0xe1: {  	s8 =	sadd.s32 s1, s8;
	[sflag:s26] =	ssyncadd.s32 @!p3 $0xFFFFC000  }
0xe2: {  	[tilespmem:s3], [sflag:$0x3] =	stream.linear.gather [hbm4b:s8+s6], $0x100, $0x38;
	v63 =	vld [tilespmem:$0x0]  }
0xe3: {  	_ =	swait.ge [sflag:s31], $0x100  }
0xe4: {  	[sflag:s31] =	ssyncset.done $0x0  }
0xe5: {  	[sflag:s31] =	ssyncadd.s32 $0xFFFFFF00  }
0xe6: {  	[tilespmem:s4], [sflag:$0x6] =	stream.indirect.gather [hbm4b:s0+s30], $0x80, s28, s30, $0xb8;
	v63 =	vld [tilespmem:$0x0]  }
0xe7: {  	s8 =	smov.u32 s23;
	_ =	swait.ge [sflag:s2], $0x4000  }
0xe8: {  	s8 =	simm.s32 @p3 $0x3;
	[sflag:s2] =	ssyncset.done $0x0  }
0xe9: {  	s26 =	simm.s32 @!p3 $0xA;
	s8 =	sadd.s32 s7, s8;
	[sflag:s2] =	ssyncadd.s32 $0xFFFFC000  }
0xea: {  	[spmem:s5] =	stream.indirect.scatter.add.f32 [tilespmem:s24], [sflag:$0x8], $0x80, s30, s30, $0xb8;
	v63 =	vld [tilespmem:$0x0]  }
0xeb: {  	s8 =	sshll.u32 s8, $0x5;
	_ =	swait.ge @!p3 [sflag:s26], $0x4000  }
0xec: {  	s8 =	sand.u32 $0x1FFFFFE0, s8;
	[sflag:s26] =	ssyncset.done @!p3 $0x0  }
0xed: {  	s8 =	sadd.s32 s1, s8;
	[sflag:s26] =	ssyncadd.s32 @!p3 $0xFFFFC000  }
0xee: {  	[tilespmem:s10], [sflag:$0x4] =	stream.linear.gather [hbm4b:s8+s6], $0x100, $0x38;
	v63 =	vld [tilespmem:$0x0]  }
0xef: {  	_ =	swait.ge [sflag:s9], $0x100  }
0xf0: {  	[sflag:s9] =	ssyncset.done $0x0  }
0xf1: {  	[sflag:s9] =	ssyncadd.s32 $0xFFFFFF00  }
0xf2: {  	[tilespmem:s11], [sflag:$0x7] =	stream.indirect.gather [hbm4b:s0+s30], $0x80, s3, s30, $0xb8;
	v63 =	vld [tilespmem:$0x0]  }
0xf3: {  	_ =	swait.ge [sflag:s12], $0x4000  }
0xf4: {  	[sflag:s12] =	ssyncset.done $0x0  }
0xf5: {  	[sflag:s12] =	ssyncadd.s32 $0xFFFFC000  }
0xf6: {  	[spmem:s5] =	stream.indirect.scatter.add.f32 [tilespmem:s4], [sflag:$0x9], $0x80, s13, s30, $0xb8;
	v63 =	vld [tilespmem:$0x0]  }
0xf7: {  	_ =	swait.ge [sflag:s14], $0x4000  }
0xf8: {  	s26 =	rddreg [dreg:$0x6]  }
0xf9: {  	[sflag:s14] =	ssyncset.done $0x0;
	s8 =	sadd.s32 s22, s26  }
0xfa: {  	[sflag:s14] =	ssyncadd.s32 $0xFFFFC000;
	s26 =	sadd.s32 $0x80, s8  }
0xfb: {  	[tilespmem:s6], [sflag:$0x1] =	stream.linear.gather [hbm4b:s26+s6], $0x100, $0x38;
	v63 =	vld [tilespmem:$0x0]  }
0xfc: {  	_ =	swait.ge [sflag:s15], $0x100  }
0xfd: {  	[sflag:s15] =	ssyncset.done $0x0  }
0xfe: {  	[sflag:s15] =	ssyncadd.s32 $0xFFFFFF00  }
0xff: {  	[tilespmem:s24], [sflag:$0x5] =	stream.indirect.gather [hbm4b:s0+s30], $0x80, s10, s30, $0xb8;
	v63 =	vld [tilespmem:$0x0]  }
0x100: {  	_ =	swait.ge [sflag:s16], $0x4000  }
0x101: {  	[sflag:s16] =	ssyncset.done $0x0  }
0x102: {  	[sflag:s16] =	ssyncadd.s32 $0xFFFFC000  }
0x103: {  	[spmem:s5] =	stream.indirect.scatter.add.f32 [tilespmem:s11], [sflag:$0xA], $0x80, s17, s30, $0xb8;
	v63 =	vld [tilespmem:$0x0]  }
0x104: {  	_ =	swait.ge [sflag:s18], $0x4000  }
0x105: {  	[sflag:s18] =	ssyncset.done $0x0  }
0x106: {  	s26 =	sadd.s32 $0xA0, s8;
	[sflag:s18] =	ssyncadd.s32 $0xFFFFC000  }
0x107: {  	[tilespmem:s28], [sflag:$0x2] =	stream.linear.gather [hbm4b:s26+s6], $0x100, $0x38;
	v63 =	vld [tilespmem:$0x0]  }
0x108: {  	_ =	swait.ge [sflag:s29], $0x100  }
0x109: {  	[sflag:s29] =	ssyncset.done $0x0  }
0x10a: {  	[sflag:s29] =	ssyncadd.s32 $0xFFFFFF00  }
0x10b: {  	[tilespmem:s4], [sflag:$0x6] =	stream.indirect.gather [hbm4b:s0+s30], $0x80, s6, s30, $0xb8;
	v63 =	vld [tilespmem:$0x0]  }
0x10c: {  	_ =	swait.ge [sflag:s2], $0x4000  }
0x10d: {  	[sflag:s2] =	ssyncset.done $0x0  }
0x10e: {  	[sflag:s2] =	ssyncadd.s32 $0xFFFFC000  }
0x10f: {  	[spmem:s5] =	stream.indirect.scatter.add.f32 [tilespmem:s24], [sflag:$0x8], $0x80, s19, s30, $0xb8;
	v63 =	vld [tilespmem:$0x0]  }
0x110: {  	_ =	swait.ge [sflag:s20], $0x4000  }
0x111: {  	[sflag:s20] =	ssyncset.done $0x0  }
0x112: {  	s26 =	sadd.s32 $0xC0, s8;
	[sflag:s20] =	ssyncadd.s32 $0xFFFFC000  }
0x113: {  	[tilespmem:s3], [sflag:$0x3] =	stream.linear.gather [hbm4b:s26+s6], $0x100, $0x38;
	v63 =	vld [tilespmem:$0x0]  }
0x114: {  	_ =	swait.ge [sflag:s31], $0x100  }
0x115: {  	[sflag:s31] =	ssyncset.done $0x0  }
0x116: {  	[sflag:s31] =	ssyncadd.s32 $0xFFFFFF00  }
0x117: {  	[tilespmem:s11], [sflag:$0x7] =	stream.indirect.gather [hbm4b:s0+s30], $0x80, s28, s30, $0xb8;
	v63 =	vld [tilespmem:$0x0]  }
0x118: {  	_ =	swait.ge [sflag:s12], $0x4000  }
0x119: {  	[sflag:s12] =	ssyncset.done $0x0  }
0x11a: {  	[sflag:s12] =	ssyncadd.s32 $0xFFFFC000  }
0x11b: {  	[spmem:s5] =	stream.indirect.scatter.add.f32 [tilespmem:s4], [sflag:$0x9], $0x80, s30, s30, $0xb8;
	v63 =	vld [tilespmem:$0x0]  }
0x11c: {  	_ =	swait.ge [sflag:s14], $0x4000  }
0x11d: {  	[sflag:s14] =	ssyncset.done $0x0  }
0x11e: {  	s26 =	sadd.s32 $0xE0, s8;
	[sflag:s14] =	ssyncadd.s32 $0xFFFFC000  }
0x11f: {  	[tilespmem:s10], [sflag:$0x4] =	stream.linear.gather [hbm4b:s26+s6], $0x100, $0x38;
	v63 =	vld [tilespmem:$0x0]  }
0x120: {  	_ =	swait.ge [sflag:s9], $0x100  }
0x121: {  	[sflag:s9] =	ssyncset.done $0x0  }
0x122: {  	[sflag:s9] =	ssyncadd.s32 $0xFFFFFF00  }
0x123: {  	[tilespmem:s24], [sflag:$0x5] =	stream.indirect.gather [hbm4b:s0+s30], $0x80, s3, s30, $0xb8;
	v63 =	vld [tilespmem:$0x0]  }
0x124: {  	_ =	swait.ge [sflag:s16], $0x4000  }
0x125: {  	[sflag:s16] =	ssyncset.done $0x0  }
0x126: {  	[sflag:s16] =	ssyncadd.s32 $0xFFFFC000  }
0x127: {  	[spmem:s5] =	stream.indirect.scatter.add.f32 [tilespmem:s11], [sflag:$0xA], $0x80, s13, s30, $0xb8;
	v63 =	vld [tilespmem:$0x0]  }
0x128: {  	_ =	swait.ge [sflag:s18], $0x4000  }
0x129: {  	[sflag:s18] =	ssyncset.done $0x0  }
0x12a: {  	s26 =	sadd.s32 $0x100, s8;
	[sflag:s18] =	ssyncadd.s32 $0xFFFFC000  }
0x12b: {  	[tilespmem:s6], [sflag:$0x1] =	stream.linear.gather [hbm4b:s26+s6], $0x100, $0x38;
	v63 =	vld [tilespmem:$0x0]  }
0x12c: {  	_ =	swait.ge [sflag:s15], $0x100  }
0x12d: {  	[sflag:s15] =	ssyncset.done $0x0  }
0x12e: {  	[sflag:s15] =	ssyncadd.s32 $0xFFFFFF00  }
0x12f: {  	[tilespmem:s4], [sflag:$0x6] =	stream.indirect.gather [hbm4b:s0+s30], $0x80, s10, s30, $0xb8;
	v63 =	vld [tilespmem:$0x0]  }
0x130: {  	_ =	swait.ge [sflag:s2], $0x4000  }
0x131: {  	[sflag:s2] =	ssyncset.done $0x0  }
0x132: {  	[sflag:s2] =	ssyncadd.s32 $0xFFFFC000  }
0x133: {  	[spmem:s5] =	stream.indirect.scatter.add.f32 [tilespmem:s24], [sflag:$0x8], $0x80, s17, s30, $0xb8;
	v63 =	vld [tilespmem:$0x0]  }
0x134: {  	_ =	swait.ge [sflag:s20], $0x4000  }
0x135: {  	[sflag:s20] =	ssyncset.done $0x0  }
0x136: {  	s26 =	sadd.s32 $0x120, s8;
	[sflag:s20] =	ssyncadd.s32 $0xFFFFC000  }
0x137: {  	[tilespmem:s28], [sflag:$0x2] =	stream.linear.gather [hbm4b:s26+s6], $0x100, $0x38;
	v63 =	vld [tilespmem:$0x0]  }
0x138: {  	_ =	swait.ge [sflag:s29], $0x100  }
0x139: {  	[sflag:s29] =	ssyncset.done $0x0  }
0x13a: {  	[sflag:s29] =	ssyncadd.s32 $0xFFFFFF00  }
0x13b: {  	[tilespmem:s11], [sflag:$0x7] =	stream.indirect.gather [hbm4b:s0+s30], $0x80, s6, s30, $0xb8;
	v63 =	vld [tilespmem:$0x0]  }
0x13c: {  	_ =	swait.ge [sflag:s12], $0x4000  }
0x13d: {  	[sflag:s12] =	ssyncset.done $0x0  }
0x13e: {  	[sflag:s12] =	ssyncadd.s32 $0xFFFFC000  }
0x13f: {  	[spmem:s5] =	stream.indirect.scatter.add.f32 [tilespmem:s4], [sflag:$0x9], $0x80, s19, s30, $0xb8;
	v63 =	vld [tilespmem:$0x0]  }
0x140: {  	_ =	swait.ge [sflag:s14], $0x4000  }
0x141: {  	[sflag:s14] =	ssyncset.done $0x0  }
0x142: {  	s26 =	sadd.s32 $0x140, s8;
	[sflag:s14] =	ssyncadd.s32 $0xFFFFC000  }
0x143: {  	[tilespmem:s3], [sflag:$0x3] =	stream.linear.gather [hbm4b:s26+s6], $0x100, $0x38;
	v63 =	vld [tilespmem:$0x0]  }
0x144: {  	_ =	swait.ge [sflag:s31], $0x100  }
0x145: {  	[sflag:s31] =	ssyncset.done $0x0  }
0x146: {  	[sflag:s31] =	ssyncadd.s32 $0xFFFFFF00  }
0x147: {  	[tilespmem:s24], [sflag:$0x5] =	stream.indirect.gather [hbm4b:s0+s30], $0x80, s28, s30, $0xb8;
	v63 =	vld [tilespmem:$0x0]  }
0x148: {  	_ =	swait.ge [sflag:s16], $0x4000  }
0x149: {  	[sflag:s16] =	ssyncset.done $0x0  }
0x14a: {  	[sflag:s16] =	ssyncadd.s32 $0xFFFFC000  }
0x14b: {  	[spmem:s5] =	stream.indirect.scatter.add.f32 [tilespmem:s11], [sflag:$0xA], $0x80, s30, s30, $0xb8;
	v63 =	vld [tilespmem:$0x0]  }
0x14c: {  	_ =	swait.ge [sflag:s18], $0x4000  }
0x14d: {  	[sflag:s18] =	ssyncset.done $0x0  }
0x14e: {  	s26 =	sadd.s32 $0x160, s8;
	[sflag:s18] =	ssyncadd.s32 $0xFFFFC000  }
0x14f: {  	[tilespmem:s10], [sflag:$0x4] =	stream.linear.gather [hbm4b:s26+s6], $0x100, $0x38;
	v63 =	vld [tilespmem:$0x0]  }
0x150: {  	_ =	swait.ge [sflag:s9], $0x100  }
0x151: {  	[sflag:s9] =	ssyncset.done $0x0  }
0x152: {  	[sflag:s9] =	ssyncadd.s32 $0xFFFFFF00  }
0x153: {  	[tilespmem:s4], [sflag:$0x6] =	stream.indirect.gather [hbm4b:s0+s30], $0x80, s3, s30, $0xb8;
	v63 =	vld [tilespmem:$0x0]  }
0x154: {  	_ =	swait.ge [sflag:s2], $0x4000  }
0x155: {  	[sflag:s2] =	ssyncset.done $0x0  }
0x156: {  	[sflag:s2] =	ssyncadd.s32 $0xFFFFC000  }
0x157: {  	[spmem:s5] =	stream.indirect.scatter.add.f32 [tilespmem:s24], [sflag:$0x8], $0x80, s13, s30, $0xb8;
	v63 =	vld [tilespmem:$0x0]  }
0x158: {  	_ =	swait.ge [sflag:s20], $0x4000  }
0x159: {  	[sflag:s20] =	ssyncset.done $0x0  }
0x15a: {  	s26 =	sadd.s32 $0x180, s8;
	[sflag:s20] =	ssyncadd.s32 $0xFFFFC000  }
0x15b: {  	[tilespmem:s6], [sflag:$0x1] =	stream.linear.gather [hbm4b:s26+s6], $0x100, $0x38;
	v63 =	vld [tilespmem:$0x0]  }
0x15c: {  	_ =	swait.ge [sflag:s15], $0x100  }
0x15d: {  	[sflag:s15] =	ssyncset.done $0x0  }
0x15e: {  	[sflag:s15] =	ssyncadd.s32 $0xFFFFFF00  }
0x15f: {  	[tilespmem:s11], [sflag:$0x7] =	stream.indirect.gather [hbm4b:s0+s30], $0x80, s10, s30, $0xb8;
	v63 =	vld [tilespmem:$0x0]  }
0x160: {  	_ =	swait.ge [sflag:s12], $0x4000  }
0x161: {  	[sflag:s12] =	ssyncset.done $0x0  }
0x162: {  	[sflag:s12] =	ssyncadd.s32 $0xFFFFC000  }
0x163: {  	[spmem:s5] =	stream.indirect.scatter.add.f32 [tilespmem:s4], [sflag:$0x9], $0x80, s17, s30, $0xb8;
	v63 =	vld [tilespmem:$0x0]  }
0x164: {  	s21 =	smov.u32 s25;
	s25 =	sadd.s32 $0x180, s25;
	_ =	swait.ge [sflag:s14], $0x4000  }
0x165: {  	p2 =	sne.s32 s25, $0x900;
	[sflag:s14] =	ssyncset.done $0x0  }
.Ltmp0:
0x166: {  	s8 =	sadd.s32 $0x1A0, s8;
	[sflag:s14] =	ssyncadd.s32 $0xFFFFC000;
	(pc) =	sbr.rel @p2 .LBB2_2-.Ltmp0, $4  }
0x167: {  	[tilespmem:s28], [sflag:$0x2] =	stream.linear.gather [hbm4b:s8+s6], $0x100, $0x38;
	v63 =	vld [tilespmem:$0x0]  }
0x168: {  	s22 =	smov.u32 s21;
	_ =	swait.ge [sflag:s29], $0x100  }
0x169: {  	s23 =	sadd.s32 $0xC, s23;
	p3 =	seq.s32 s22, $0x0;
	[sflag:s29] =	ssyncset.done $0x0  }
0x16a: {  	s8 =	sadd.s32 @!p3 $0xFFFFFFFF, s23;
	[sflag:s29] =	ssyncadd.s32 $0xFFFFFF00  }
0x16b: {  	[tilespmem:s24], [sflag:$0x5] =	stream.indirect.gather [hbm4b:s0+s30], $0x80, s6, s30, $0xb8;
	v63 =	vld [tilespmem:$0x0]  }
0x16c: {  	_ =	swait.ge [sflag:s16], $0x4000  }
0x16d: {  	s8 =	simm.s32 @p3 $0x2;
	[sflag:s16] =	ssyncset.done $0x0  }
0x16e: {  	s21 =	simm.s32 @!p3 $0x9;
	s8 =	sadd.s32 s7, s8;
	[sflag:s16] =	ssyncadd.s32 $0xFFFFC000  }
0x16f: {  	[spmem:s5] =	stream.indirect.scatter.add.f32 [tilespmem:s11], [sflag:$0xA], $0x80, s19, s30, $0xb8;
	v63 =	vld [tilespmem:$0x0]  }
0x170: {  	s8 =	sshll.u32 s8, $0x5;
	_ =	swait.ge @!p3 [sflag:s21], $0x4000  }
0x171: {  	s8 =	sand.u32 $0x1FFFFFE0, s8;
	[sflag:s21] =	ssyncset.done @!p3 $0x0  }
0x172: {  	s8 =	sadd.s32 s1, s8;
	[sflag:s21] =	ssyncadd.s32 @!p3 $0xFFFFC000  }
0x173: {  	[tilespmem:s3], [sflag:$0x3] =	stream.linear.gather [hbm4b:s8+s6], $0x100, $0x38;
	v63 =	vld [tilespmem:$0x0]  }
0x174: {  	_ =	swait.ge [sflag:s31], $0x100  }
0x175: {  	[sflag:s31] =	ssyncset.done $0x0  }
0x176: {  	[sflag:s31] =	ssyncadd.s32 $0xFFFFFF00  }
0x177: {  	[tilespmem:s4], [sflag:$0x6] =	stream.indirect.gather [hbm4b:s0+s30], $0x80, s28, s30, $0xb8;
	v63 =	vld [tilespmem:$0x0]  }
0x178: {  	_ =	swait.ge [sflag:s2], $0x4000  }
0x179: {  	s23 =	simm.s32 @p3 $0x3;
	[sflag:s2] =	ssyncset.done $0x0  }
0x17a: {  	s26 =	sadd.s32 s7, s23;
	s8 =	simm.s32 @!p3 $0xA;
	[sflag:s2] =	ssyncadd.s32 $0xFFFFC000  }
0x17b: {  	[spmem:s5] =	stream.indirect.scatter.add.f32 [tilespmem:s24], [sflag:$0x8], $0x80, s30, s30, $0xb8;
	v63 =	vld [tilespmem:$0x0]  }
0x17c: {  	s21 =	sshll.u32 s26, $0x5;
	_ =	swait.ge @!p3 [sflag:s8], $0x4000  }
0x17d: {  	s21 =	sand.u32 $0x1FFFFFE0, s21;
	[sflag:s8] =	ssyncset.done @!p3 $0x0  }
0x17e: {  	s23 =	sadd.s32 s1, s21;
	[sflag:s8] =	ssyncadd.s32 @!p3 $0xFFFFC000  }
0x17f: {  	[tilespmem:s10], [sflag:$0x4] =	stream.linear.gather [hbm4b:s23+s6], $0x100, $0x38;
	v63 =	vld [tilespmem:$0x0]  }
0x180: {  	_ =	swait.ge [sflag:s9], $0x100  }
0x181: {  	[sflag:s9] =	ssyncset.done $0x0  }
0x182: {  	[sflag:s9] =	ssyncadd.s32 $0xFFFFFF00  }
0x183: {  	[tilespmem:s11], [sflag:$0x7] =	stream.indirect.gather [hbm4b:s0+s30], $0x80, s3, s30, $0xb8;
	v63 =	vld [tilespmem:$0x0]  }
0x184: {  	_ =	swait.ge [sflag:s12], $0x4000  }
0x185: {  	[sflag:s12] =	ssyncset.done $0x0  }
0x186: {  	[sflag:s12] =	ssyncadd.s32 $0xFFFFC000  }
0x187: {  	[spmem:s5] =	stream.indirect.scatter.add.f32 [tilespmem:s4], [sflag:$0x9], $0x80, s13, s30, $0xb8;
	v63 =	vld [tilespmem:$0x0]  }
0x188: {  	_ =	swait.ge [sflag:s14], $0x4000  }
0x189: {  	s25 =	rddreg [dreg:$0x6]  }
0x18a: {  	[sflag:s14] =	ssyncset.done $0x0;
	s8 =	sadd.s32 s22, s25  }
0x18b: {  	[sflag:s14] =	ssyncadd.s32 $0xFFFFC000;
	s26 =	sadd.s32 $0x80, s8  }
0x18c: {  	[tilespmem:s6], [sflag:$0x1] =	stream.linear.gather [hbm4b:s26+s6], $0x100, $0x38;
	v63 =	vld [tilespmem:$0x0]  }
0x18d: {  	_ =	swait.ge [sflag:s15], $0x100  }
0x18e: {  	[sflag:s15] =	ssyncset.done $0x0  }
0x18f: {  	[sflag:s15] =	ssyncadd.s32 $0xFFFFFF00  }
0x190: {  	[tilespmem:s24], [sflag:$0x5] =	stream.indirect.gather [hbm4b:s0+s30], $0x80, s10, s30, $0xb8;
	v63 =	vld [tilespmem:$0x0]  }
0x191: {  	_ =	swait.ge [sflag:s16], $0x4000  }
0x192: {  	[sflag:s16] =	ssyncset.done $0x0  }
0x193: {  	[sflag:s16] =	ssyncadd.s32 $0xFFFFC000  }
0x194: {  	[spmem:s5] =	stream.indirect.scatter.add.f32 [tilespmem:s11], [sflag:$0xA], $0x80, s17, s30, $0xb8;
	v63 =	vld [tilespmem:$0x0]  }
0x195: {  	_ =	swait.ge [sflag:s18], $0x4000  }
0x196: {  	[sflag:s18] =	ssyncset.done $0x0  }
0x197: {  	s22 =	sadd.s32 $0xA0, s8;
	[sflag:s18] =	ssyncadd.s32 $0xFFFFC000  }
0x198: {  	[tilespmem:s28], [sflag:$0x2] =	stream.linear.gather [hbm4b:s22+s6], $0x100, $0x38;
	v63 =	vld [tilespmem:$0x0]  }
0x199: {  	_ =	swait.ge [sflag:s29], $0x100  }
0x19a: {  	[sflag:s29] =	ssyncset.done $0x0  }
0x19b: {  	[sflag:s29] =	ssyncadd.s32 $0xFFFFFF00  }
0x19c: {  	[tilespmem:s4], [sflag:$0x6] =	stream.indirect.gather [hbm4b:s0+s30], $0x80, s6, s30, $0xb8;
	v63 =	vld [tilespmem:$0x0]  }
0x19d: {  	_ =	swait.ge [sflag:s2], $0x4000  }
0x19e: {  	[sflag:s2] =	ssyncset.done $0x0  }
0x19f: {  	[sflag:s2] =	ssyncadd.s32 $0xFFFFC000  }
0x1a0: {  	[spmem:s5] =	stream.indirect.scatter.add.f32 [tilespmem:s24], [sflag:$0x8], $0x80, s19, s30, $0xb8;
	v63 =	vld [tilespmem:$0x0]  }
0x1a1: {  	_ =	swait.ge [sflag:s20], $0x4000  }
0x1a2: {  	[sflag:s20] =	ssyncset.done $0x0  }
0x1a3: {  	s23 =	sadd.s32 $0xC0, s8;
	[sflag:s20] =	ssyncadd.s32 $0xFFFFC000  }
0x1a4: {  	[tilespmem:s3], [sflag:$0x3] =	stream.linear.gather [hbm4b:s23+s6], $0x100, $0x38;
	v63 =	vld [tilespmem:$0x0]  }
0x1a5: {  	_ =	swait.ge [sflag:s31], $0x100  }
0x1a6: {  	[sflag:s31] =	ssyncset.done $0x0  }
0x1a7: {  	[sflag:s31] =	ssyncadd.s32 $0xFFFFFF00  }
0x1a8: {  	[tilespmem:s11], [sflag:$0x7] =	stream.indirect.gather [hbm4b:s0+s30], $0x80, s28, s30, $0xb8;
	v63 =	vld [tilespmem:$0x0]  }
0x1a9: {  	_ =	swait.ge [sflag:s12], $0x4000  }
0x1aa: {  	[sflag:s12] =	ssyncset.done $0x0  }
0x1ab: {  	[sflag:s12] =	ssyncadd.s32 $0xFFFFC000  }
0x1ac: {  	[spmem:s5] =	stream.indirect.scatter.add.f32 [tilespmem:s4], [sflag:$0x9], $0x80, s30, s30, $0xb8;
	v63 =	vld [tilespmem:$0x0]  }
0x1ad: {  	_ =	swait.ge [sflag:s14], $0x4000  }
0x1ae: {  	[sflag:s14] =	ssyncset.done $0x0  }
0x1af: {  	s25 =	sadd.s32 $0xE0, s8;
	[sflag:s14] =	ssyncadd.s32 $0xFFFFC000  }
0x1b0: {  	[tilespmem:s10], [sflag:$0x4] =	stream.linear.gather [hbm4b:s25+s6], $0x100, $0x38;
	v63 =	vld [tilespmem:$0x0]  }
0x1b1: {  	_ =	swait.ge [sflag:s9], $0x100  }
0x1b2: {  	[sflag:s9] =	ssyncset.done $0x0  }
0x1b3: {  	[sflag:s9] =	ssyncadd.s32 $0xFFFFFF00  }
0x1b4: {  	[tilespmem:s24], [sflag:$0x5] =	stream.indirect.gather [hbm4b:s0+s30], $0x80, s3, s30, $0xb8;
	v63 =	vld [tilespmem:$0x0]  }
0x1b5: {  	_ =	swait.ge [sflag:s16], $0x4000  }
0x1b6: {  	[sflag:s16] =	ssyncset.done $0x0  }
0x1b7: {  	[sflag:s16] =	ssyncadd.s32 $0xFFFFC000  }
0x1b8: {  	[spmem:s5] =	stream.indirect.scatter.add.f32 [tilespmem:s11], [sflag:$0xA], $0x80, s13, s30, $0xb8;
	v63 =	vld [tilespmem:$0x0]  }
0x1b9: {  	_ =	swait.ge [sflag:s18], $0x4000  }
0x1ba: {  	[sflag:s18] =	ssyncset.done $0x0  }
0x1bb: {  	s26 =	sadd.s32 $0x100, s8;
	[sflag:s18] =	ssyncadd.s32 $0xFFFFC000  }
0x1bc: {  	[tilespmem:s6], [sflag:$0x1] =	stream.linear.gather [hbm4b:s26+s6], $0x100, $0x38;
	v63 =	vld [tilespmem:$0x0]  }
0x1bd: {  	_ =	swait.ge [sflag:s15], $0x100  }
0x1be: {  	[sflag:s15] =	ssyncset.done $0x0  }
0x1bf: {  	[sflag:s15] =	ssyncadd.s32 $0xFFFFFF00  }
0x1c0: {  	[tilespmem:s4], [sflag:$0x6] =	stream.indirect.gather [hbm4b:s0+s30], $0x80, s10, s30, $0xb8;
	v63 =	vld [tilespmem:$0x0]  }
0x1c1: {  	_ =	swait.ge [sflag:s2], $0x4000  }
0x1c2: {  	[sflag:s2] =	ssyncset.done $0x0  }
0x1c3: {  	[sflag:s2] =	ssyncadd.s32 $0xFFFFC000  }
0x1c4: {  	[spmem:s5] =	stream.indirect.scatter.add.f32 [tilespmem:s24], [sflag:$0x8], $0x80, s17, s30, $0xb8;
	v63 =	vld [tilespmem:$0x0]  }
0x1c5: {  	_ =	swait.ge [sflag:s20], $0x4000  }
0x1c6: {  	[sflag:s20] =	ssyncset.done $0x0  }
0x1c7: {  	s22 =	sadd.s32 $0x120, s8;
	[sflag:s20] =	ssyncadd.s32 $0xFFFFC000  }
0x1c8: {  	[tilespmem:s28], [sflag:$0x2] =	stream.linear.gather [hbm4b:s22+s6], $0x100, $0x38;
	v63 =	vld [tilespmem:$0x0]  }
0x1c9: {  	_ =	swait.ge [sflag:s29], $0x100  }
0x1ca: {  	[sflag:s29] =	ssyncset.done $0x0  }
0x1cb: {  	[sflag:s29] =	ssyncadd.s32 $0xFFFFFF00  }
0x1cc: {  	[tilespmem:s11], [sflag:$0x7] =	stream.indirect.gather [hbm4b:s0+s30], $0x80, s6, s30, $0xb8;
	v63 =	vld [tilespmem:$0x0]  }
0x1cd: {  	_ =	swait.ge [sflag:s12], $0x4000  }
0x1ce: {  	[sflag:s12] =	ssyncset.done $0x0  }
0x1cf: {  	[sflag:s12] =	ssyncadd.s32 $0xFFFFC000  }
0x1d0: {  	[spmem:s5] =	stream.indirect.scatter.add.f32 [tilespmem:s4], [sflag:$0x9], $0x80, s19, s30, $0xb8;
	v63 =	vld [tilespmem:$0x0]  }
0x1d1: {  	_ =	swait.ge [sflag:s14], $0x4000  }
0x1d2: {  	[sflag:s14] =	ssyncset.done $0x0  }
0x1d3: {  	s23 =	sadd.s32 $0x140, s8;
	[sflag:s14] =	ssyncadd.s32 $0xFFFFC000  }
0x1d4: {  	[tilespmem:s3], [sflag:$0x3] =	stream.linear.gather [hbm4b:s23+s6], $0x100, $0x38;
	v63 =	vld [tilespmem:$0x0]  }
0x1d5: {  	_ =	swait.ge [sflag:s31], $0x100  }
0x1d6: {  	[sflag:s31] =	ssyncset.done $0x0  }
0x1d7: {  	[sflag:s31] =	ssyncadd.s32 $0xFFFFFF00  }
0x1d8: {  	[tilespmem:s24], [sflag:$0x5] =	stream.indirect.gather [hbm4b:s0+s30], $0x80, s28, s30, $0xb8;
	v63 =	vld [tilespmem:$0x0]  }
0x1d9: {  	_ =	swait.ge [sflag:s16], $0x4000  }
0x1da: {  	[sflag:s16] =	ssyncset.done $0x0  }
0x1db: {  	[sflag:s16] =	ssyncadd.s32 $0xFFFFC000  }
0x1dc: {  	[spmem:s5] =	stream.indirect.scatter.add.f32 [tilespmem:s11], [sflag:$0xA], $0x80, s30, s30, $0xb8;
	v63 =	vld [tilespmem:$0x0]  }
0x1dd: {  	_ =	swait.ge [sflag:s18], $0x4000  }
0x1de: {  	[sflag:s18] =	ssyncset.done $0x0  }
0x1df: {  	s25 =	sadd.s32 $0x160, s8;
	[sflag:s18] =	ssyncadd.s32 $0xFFFFC000  }
0x1e0: {  	[tilespmem:s10], [sflag:$0x4] =	stream.linear.gather [hbm4b:s25+s6], $0x100, $0x38;
	v63 =	vld [tilespmem:$0x0]  }
0x1e1: {  	_ =	swait.ge [sflag:s9], $0x100  }
0x1e2: {  	[sflag:s9] =	ssyncset.done $0x0  }
0x1e3: {  	[sflag:s9] =	ssyncadd.s32 $0xFFFFFF00  }
0x1e4: {  	[tilespmem:s4], [sflag:$0x6] =	stream.indirect.gather [hbm4b:s0+s30], $0x80, s3, s30, $0xb8;
	v63 =	vld [tilespmem:$0x0]  }
0x1e5: {  	_ =	swait.ge [sflag:s2], $0x4000  }
0x1e6: {  	[sflag:s2] =	ssyncset.done $0x0  }
0x1e7: {  	[sflag:s2] =	ssyncadd.s32 $0xFFFFC000  }
0x1e8: {  	[spmem:s5] =	stream.indirect.scatter.add.f32 [tilespmem:s24], [sflag:$0x8], $0x80, s13, s30, $0xb8;
	v63 =	vld [tilespmem:$0x0]  }
0x1e9: {  	_ =	swait.ge [sflag:s20], $0x4000  }
0x1ea: {  	[sflag:s20] =	ssyncset.done $0x0  }
0x1eb: {  	s26 =	sadd.s32 $0x180, s8;
	[sflag:s20] =	ssyncadd.s32 $0xFFFFC000  }
0x1ec: {  	[tilespmem:s6], [sflag:$0x1] =	stream.linear.gather [hbm4b:s26+s6], $0x100, $0x38;
	v63 =	vld [tilespmem:$0x0]  }
0x1ed: {  	_ =	swait.ge [sflag:s15], $0x100  }
0x1ee: {  	[sflag:s15] =	ssyncset.done $0x0  }
0x1ef: {  	[sflag:s15] =	ssyncadd.s32 $0xFFFFFF00  }
0x1f0: {  	[tilespmem:s11], [sflag:$0x7] =	stream.indirect.gather [hbm4b:s0+s30], $0x80, s10, s30, $0xb8;
	v63 =	vld [tilespmem:$0x0]  }
0x1f1: {  	_ =	swait.ge [sflag:s12], $0x4000  }
0x1f2: {  	[sflag:s12] =	ssyncset.done $0x0  }
0x1f3: {  	[sflag:s12] =	ssyncadd.s32 $0xFFFFC000  }
0x1f4: {  	[spmem:s5] =	stream.indirect.scatter.add.f32 [tilespmem:s4], [sflag:$0x9], $0x80, s17, s30, $0xb8;
	v63 =	vld [tilespmem:$0x0]  }
0x1f5: {  	_ =	swait.ge [sflag:s14], $0x4000  }
0x1f6: {  	[sflag:s14] =	ssyncset.done $0x0  }
0x1f7: {  	s8 =	sadd.s32 $0x1A0, s8;
	[sflag:s14] =	ssyncadd.s32 $0xFFFFC000  }
0x1f8: {  	[tilespmem:s28], [sflag:$0x2] =	stream.linear.gather [hbm4b:s8+s6], $0x100, $0x38;
	v63 =	vld [tilespmem:$0x0]  }
0x1f9: {  	_ =	swait.ge [sflag:s29], $0x100  }
0x1fa: {  	[sflag:s29] =	ssyncset.done $0x0  }
0x1fb: {  	[sflag:s29] =	ssyncadd.s32 $0xFFFFFF00  }
0x1fc: {  	[tilespmem:s24], [sflag:$0x5] =	stream.indirect.gather [hbm4b:s0+s30], $0x80, s6, s30, $0xb8;
	v63 =	vld [tilespmem:$0x0]  }
0x1fd: {  	_ =	swait.ge [sflag:s16], $0x4000  }
0x1fe: {  	[sflag:s16] =	ssyncset.done $0x0  }
0x1ff: {  	[sflag:s16] =	ssyncadd.s32 $0xFFFFC000  }
0x200: {  	[spmem:s5] =	stream.indirect.scatter.add.f32 [tilespmem:s11], [sflag:$0xA], $0x80, s19, s30, $0xb8;
	v63 =	vld [tilespmem:$0x0]  }
0x201: {  	_ =	swait.ge [sflag:s18], $0x4000  }
0x202: {  	[sflag:s18] =	ssyncset.done $0x0  }
0x203: {  	s21 =	rddreg [dreg:$0xf];
	[sflag:s18] =	ssyncadd.s32 $0xFFFFC000  }
0x204: {  	[tilespmem:s3], [sflag:$0x3] =	stream.linear.gather [hbm4b:s21+s6], $0x100, $0x38;
	v63 =	vld [tilespmem:$0x0]  }
0x205: {  	_ =	swait.ge [sflag:s31], $0x100  }
0x206: {  	[sflag:s31] =	ssyncset.done $0x0  }
0x207: {  	[sflag:s31] =	ssyncadd.s32 $0xFFFFFF00  }
0x208: {  	[tilespmem:s4], [sflag:$0x6] =	stream.indirect.gather [hbm4b:s0+s30], $0x80, s28, s30, $0xb8;
	v63 =	vld [tilespmem:$0x0]  }
0x209: {  	_ =	swait.ge [sflag:s2], $0x4000  }
0x20a: {  	[sflag:s2] =	ssyncset.done $0x0  }
0x20b: {  	[sflag:s2] =	ssyncadd.s32 $0xFFFFC000  }
0x20c: {  	[spmem:s5] =	stream.indirect.scatter.add.f32 [tilespmem:s24], [sflag:$0x8], $0x80, s30, s30, $0xb8;
	v63 =	vld [tilespmem:$0x0]  }
0x20d: {  	_ =	swait.ge [sflag:s20], $0x4000  }
0x20e: {  	[sflag:s20] =	ssyncset.done $0x0  }
0x20f: {  	s22 =	rddreg [dreg:$0x10];
	[sflag:s20] =	ssyncadd.s32 $0xFFFFC000  }
0x210: {  	[tilespmem:s10], [sflag:$0x4] =	stream.linear.gather [hbm4b:s22+s6], $0x100, $0x38;
	v63 =	vld [tilespmem:$0x0]  }
0x211: {  	_ =	swait.ge [sflag:s9], $0x100  }
0x212: {  	[sflag:s9] =	ssyncset.done $0x0  }
0x213: {  	[sflag:s9] =	ssyncadd.s32 $0xFFFFFF00  }
0x214: {  	[tilespmem:s11], [sflag:$0x7] =	stream.indirect.gather [hbm4b:s0+s30], $0x80, s3, s30, $0xb8;
	v63 =	vld [tilespmem:$0x0]  }
0x215: {  	_ =	swait.ge [sflag:s12], $0x4000  }
0x216: {  	[sflag:s12] =	ssyncset.done $0x0  }
0x217: {  	[sflag:s12] =	ssyncadd.s32 $0xFFFFC000  }
0x218: {  	[spmem:s5] =	stream.indirect.scatter.add.f32 [tilespmem:s4], [sflag:$0x9], $0x80, s13, s30, $0xb8;
	v63 =	vld [tilespmem:$0x0]  }
0x219: {  	_ =	swait.ge [sflag:s14], $0x4000  }
0x21a: {  	[sflag:s14] =	ssyncset.done $0x0  }
0x21b: {  	s23 =	rddreg [dreg:$0x11];
	[sflag:s14] =	ssyncadd.s32 $0xFFFFC000  }
0x21c: {  	[tilespmem:s6], [sflag:$0x1] =	stream.linear.gather [hbm4b:s23+s6], $0x100, $0x38;
	v63 =	vld [tilespmem:$0x0]  }
0x21d: {  	_ =	swait.ge [sflag:s15], $0x100  }
0x21e: {  	[sflag:s15] =	ssyncset.done $0x0  }
0x21f: {  	[sflag:s15] =	ssyncadd.s32 $0xFFFFFF00  }
0x220: {  	[tilespmem:s24], [sflag:$0x5] =	stream.indirect.gather [hbm4b:s0+s30], $0x80, s10, s30, $0xb8;
	v63 =	vld [tilespmem:$0x0]  }
0x221: {  	_ =	swait.ge [sflag:s16], $0x4000  }
0x222: {  	[sflag:s16] =	ssyncset.done $0x0  }
0x223: {  	[sflag:s16] =	ssyncadd.s32 $0xFFFFC000  }
0x224: {  	[spmem:s5] =	stream.indirect.scatter.add.f32 [tilespmem:s11], [sflag:$0xA], $0x80, s17, s30, $0xb8;
	v63 =	vld [tilespmem:$0x0]  }
0x225: {  	_ =	swait.ge [sflag:s18], $0x4000  }
0x226: {  	[sflag:s18] =	ssyncset.done $0x0  }
0x227: {  	s25 =	rddreg [dreg:$0x12];
	[sflag:s18] =	ssyncadd.s32 $0xFFFFC000  }
0x228: {  	[tilespmem:s28], [sflag:$0x2] =	stream.linear.gather [hbm4b:s25+s6], $0x100, $0x38;
	v63 =	vld [tilespmem:$0x0]  }
0x229: {  	_ =	swait.ge [sflag:s29], $0x100  }
0x22a: {  	[sflag:s29] =	ssyncset.done $0x0  }
0x22b: {  	[sflag:s29] =	ssyncadd.s32 $0xFFFFFF00  }
0x22c: {  	[tilespmem:s4], [sflag:$0x6] =	stream.indirect.gather [hbm4b:s0+s30], $0x80, s6, s30, $0xb8;
	v63 =	vld [tilespmem:$0x0]  }
0x22d: {  	_ =	swait.ge [sflag:s2], $0x4000  }
0x22e: {  	[sflag:s2] =	ssyncset.done $0x0  }
0x22f: {  	[sflag:s2] =	ssyncadd.s32 $0xFFFFC000  }
0x230: {  	[spmem:s5] =	stream.indirect.scatter.add.f32 [tilespmem:s24], [sflag:$0x8], $0x80, s19, s30, $0xb8;
	v63 =	vld [tilespmem:$0x0]  }
0x231: {  	_ =	swait.ge [sflag:s20], $0x4000  }
0x232: {  	[sflag:s20] =	ssyncset.done $0x0  }
0x233: {  	s26 =	rddreg [dreg:$0x13];
	[sflag:s20] =	ssyncadd.s32 $0xFFFFC000  }
0x234: {  	[tilespmem:s3], [sflag:$0x3] =	stream.linear.gather [hbm4b:s26+s6], $0x100, $0x38;
	v63 =	vld [tilespmem:$0x0]  }
0x235: {  	_ =	swait.ge [sflag:s31], $0x100  }
0x236: {  	[sflag:s31] =	ssyncset.done $0x0  }
0x237: {  	[sflag:s31] =	ssyncadd.s32 $0xFFFFFF00  }
0x238: {  	[tilespmem:s11], [sflag:$0x7] =	stream.indirect.gather [hbm4b:s0+s30], $0x80, s28, s30, $0xb8;
	v63 =	vld [tilespmem:$0x0]  }
0x239: {  	_ =	swait.ge [sflag:s12], $0x4000  }
0x23a: {  	[sflag:s12] =	ssyncset.done $0x0  }
0x23b: {  	[sflag:s12] =	ssyncadd.s32 $0xFFFFC000  }
0x23c: {  	[spmem:s5] =	stream.indirect.scatter.add.f32 [tilespmem:s4], [sflag:$0x9], $0x80, s30, s30, $0xb8;
	v63 =	vld [tilespmem:$0x0]  }
0x23d: {  	_ =	swait.ge [sflag:s14], $0x4000  }
0x23e: {  	[sflag:s14] =	ssyncset.done $0x0  }
0x23f: {  	[sflag:s14] =	ssyncadd.s32 $0xFFFFC000  }
0x240: {  	_ =	swait.ge [sflag:s9], $0x100  }
0x241: {  	[sflag:s9] =	ssyncset.done $0x0  }
0x242: {  	[sflag:s9] =	ssyncadd.s32 $0xFFFFFF00  }
0x243: {  	s8 =	simm.s32 @p0 $0x0;
	s21 =	simm.s32 @p0 $0x400;
	s23 =	rddreg [dreg:$0x2]  }
0x244: {  	[tilespmem:s21], [sflag:$0x5] =	stream.linear.gather @p0 [hbm4b:s23+s8], $0x4000, $0x38;
	v63 =	vld [tilespmem:$0x0]  }
0x245: {  	s22 =	simm.s32 @!p0 $0x400;
	s8 =	simm.s32 @!p0 $0x80;
	s21 =	simm.s32 @!p0 $0x200  }
0x246: {  	[tilespmem:s22], [sflag:$0x5] =	stream.indirect.gather @!p0 [hbm4b:s0+s8], $0x80, s21, s8, $0xb8;
	v63 =	vld [tilespmem:$0x0]  }
0x247: {  	_ =	swait.ge [sflag:s16], $0x4000  }
0x248: {  	[sflag:s16] =	ssyncset.done $0x0  }
0x249: {  	[sflag:s16] =	ssyncadd.s32 $0xFFFFC000  }
0x24a: {  	[spmem:s5] =	stream.indirect.scatter.add.f32 [tilespmem:s11], [sflag:$0xA], $0x80, s13, s30, $0xb8;
	v63 =	vld [tilespmem:$0x0]  }
0x24b: {  	_ =	swait.ge [sflag:s18], $0x4000  }
0x24c: {  	[sflag:s18] =	ssyncset.done $0x0  }
0x24d: {  	[sflag:s18] =	ssyncadd.s32 $0xFFFFC000  }
0x24e: {  	_ =	swait.ge [sflag:s2], $0x4000  }
0x24f: {  	[sflag:s2] =	ssyncset.done $0x0  }
0x250: {  	[sflag:s2] =	ssyncadd.s32 $0xFFFFC000  }
0x251: {  	[spmem:s5] =	stream.indirect.scatter.add.f32 [tilespmem:s24], [sflag:$0x8], $0x80, s17, s30, $0xb8;
	v63 =	vld [tilespmem:$0x0]  }
0x252: {  	_ =	swait.ge [sflag:s20], $0x4000  }
0x253: {  	[sflag:s20] =	ssyncset.done $0x0  }
0x254: {  	[sflag:s20] =	ssyncadd.s32 $0xFFFFC000  }
0x255: {  	_ =	swait.ge [sflag:s14], $0x4000  }
0x256: {  	[sflag:s14] =	ssyncset.done $0x0  }
0x257: {  	[sflag:s14] =	ssyncadd.s32 $0xFFFFC000  }
0x258: {  	[bflag:$0x0] =	sbarrier.arrive $0xFFFF  }
0x259: {  	s21 =	rddreg [dreg:$0x15]  }
0x25a: {  	s8 =	simm.s32 @p1 $0x1FCB;
	s22 =	rddreg [dreg:$0x17]  }
0x25b: {  	[hbm:s21], [sflag:s8] =	dma.local @p1 [spmem:s22], $0x2700  }
0x25c: {  	s8 =	simm.s32 @p1 $0xB  }
0x25d: {  	_ =	swait.ge @p1 [sflag:s8], $0x2700  }
0x25e: {  	s21 =	stileid.u32;
	s22 =	rddreg [dreg:$0x7]  }
0x25f: {  	s21 =	sshll.u32 @!p1 s21, $0x6;
	[sflag:s8] =	ssyncset.done @p1 $0x0;
	s25 =	rddreg [dreg:$0x14]  }
0x260: {  	[sflag:s8] =	ssyncadd.s32 @p1 $0xFFFFD900;
	s8 =	sor.u32 @!p1 $0x1C0B, s21;
	s21 =	sshrl.u32 @!p1 s22, $0x3  }
0x261: {  	[hbm:s25], [sflag:s8] =	dma.local @!p1 [spmem:s21], $0x2780  }
0x262: {  	s8 =	simm.s32 @!p1 $0xB  }
0x263: {  	_ =	swait.ge @!p1 [sflag:s8], $0x2780  }
0x264: {  	s21 =	rddreg [dreg:$0x18]  }
0x265: {  	s26 =	rddreg [dreg:$0x16];
	s25 =	sadd.s32 $0x1, s21  }
0x266: {  	p2 =	sne.s32 s25, s26  }
.Ltmp1:
0x267: {  	_ = 	snop;
	(pc) =	sbr.rel @p2 .LBB2_1-.Ltmp1, $3  }
0x268: {  	_ =	sdelay $0x1  }
0x269: {  	[sflag:s8] =	ssyncset.done @!p1 $0x0  }
0x26a: {  	[sflag:s8] =	ssyncadd.s32 @!p1 $0xFFFFD880  }
0x26b: {  	_ =	sfence.sel $0x180000  }
0x26c: {  	[bflag:$0x0] =	sbarrier.arrive $0xFFFF  }
0x26d: {  	_ =	strace $0x90000047  }
0x26e: {  	s0 =	stileid.u32;
	[bflag:$0x2] =	sbarrier.arrive $0xFFFF  }
0x26f: {  	p0 =	sne.s32 s0, $0x0;
	s0 =	rddreg [dreg:$0x5]  }
0x270: {  	s0 =	sadd.s32 @!p0 $0x100000, s0  }
0x271: {  	[sflag:s0] =	ssyncadd.tile.s32 @!p0 $0x1;
	_ =	shalt  }
.Lfunc_end2:
_tile_overlayer_lowered:
.L_overlay_start_2:
0x272: {  	(tag) =	ssettag $0x2  }
0x273: {  	s0 =	rddreg [dreg:$0x0];
	s2 =	stileid.u32  }
0x274: {  	s1 =	rddreg [dreg:$0x1];
	p0 =	sne.s32 s2, $0x0  }
0x275: {  	s3 =	rddreg [dreg:$0x2];
	[bflag:$0x3] =	sbarrier.arrive $0xFFFF;
	s2 =	simm.s32 @!p0 $0x1C0B  }
0x276: {  	[timem:s3], [sflag:s2] =	dma.local @!p0 [hbm:s0], s1  }
0x277: {  	s0 =	simm.s32 @!p0 $0xB  }
0x278: {  	_ =	swait.ge @!p0 [sflag:s0], s1  }
0x279: {  	s1 =	ssub.s32 @!p0 $0x0, s1;
	[sflag:s0] =	ssyncset.done @!p0 $0x0  }
0x27a: {  	[sflag:s0] =	ssyncadd.s32 @!p0 s1  }
0x27b: {  	[bflag:$0x3] =	sbarrier.arrive $0xFFFF  }
0x27c: {  	_ =	shalt  }

</sc_bundles>
